<compile_context>
chip_gen: v7x
topology: tpu7x:2x2x1
jax: 0.10.2.dev20260603
libtpu: 0.0.44.dev20260713+nightly
codegen_flags: <defaults>
</compile_context>

<pallas_src>
import functools

import jax
import jax.numpy as jnp
from jax import lax
from jax.experimental import pallas as pl
from jax.experimental.pallas import tpu as pltpu
from jax.experimental.pallas import tpu_sc as plsc

_BANK = 1000001
_DIM = 64
_BATCH = 16384
_MOM = 0.9

_NC, _NS = 2, 16
_NW = _NC * _NS
_BPW = _BATCH // _NW
_RND = 256
_G = 16
_NG = _RND // _G

_mesh = plsc.VectorSubcoreMesh(core_axis_name="c", subcore_axis_name="s")
_sc_params = pltpu.CompilerParams(use_tc_tiling_on_sc=True)


@functools.partial(
    pl.kernel,
    out_type=jax.ShapeDtypeStruct((_BATCH, _DIM), jnp.float32),
    mesh=_mesh,
    compiler_params=_sc_params,
    scratch_types=[
        pltpu.VMEM((_BPW,), jnp.int32),
        pltpu.VMEM((_RND, _DIM), jnp.float32),
        pltpu.VMEM((_RND, _DIM), jnp.float32),
        pltpu.VMEM((_RND, _DIM), jnp.float32),
        pltpu.SemaphoreType.DMA,
    ],
)
def _sc_update(idx_hbm, data_hbm, bank_ref, avgs_hbm,
               idx_v, rows0_v, rows1_v, data_v, sem):
    w = lax.axis_index("s") * _NC + lax.axis_index("c")
    base = w * _BPW

    pltpu.sync_copy(idx_hbm.at[pl.ds(base, _BPW)], idx_v)

    def gather_into(rows_v, hb):
        def drain(g):
            pltpu.make_async_copy(bank_ref.at[pl.ds(0, _G)],
                                  rows_v.at[pl.ds(g * _G, _G)], sem).wait()

        def gbody(g, carry):
            v = idx_v[pl.ds(hb + g * _G, _G)]
            for j in range(_G):
                pltpu.async_copy(bank_ref.at[pl.ds(v[j], 1)],
                                 rows_v.at[pl.ds(g * _G + j, 1)], sem)

            @pl.when(g > 0)
            def _():
                drain(g - 1)
            return carry

        lax.fori_loop(0, _NG, gbody, 0)
        drain(_NG - 1)

    gather_into(rows0_v, 0)
    gather_into(rows1_v, _RND)

    pltpu.sync_copy(rows0_v, avgs_hbm.at[pl.ds(base, _RND)])
    pltpu.sync_copy(rows1_v, avgs_hbm.at[pl.ds(base + _RND, _RND)])

    for h, rows_v in enumerate((rows0_v, rows1_v)):
        pltpu.sync_copy(data_hbm.at[pl.ds(base + h * _RND, _RND)], data_v)

        def cbody(i, carry, rows_v=rows_v):
            for k in range(_DIM // 16):
                sl = pl.ds(k * 16, 16)
                rows_v[i, sl] = (rows_v[i, sl] * _MOM
                                 + data_v[i, sl] * (1.0 - _MOM))
            return carry

        lax.fori_loop(0, _RND, cbody, 0)

    for h, rows_v in enumerate((rows0_v, rows1_v)):
        def drain_s(g, rows_v=rows_v):
            pltpu.make_async_copy(rows_v.at[pl.ds(g * _G, _G)],
                                  bank_ref.at[pl.ds(0, _G)], sem).wait()

        def sbody(g, carry, rows_v=rows_v, hb=h * _RND):
            v = idx_v[pl.ds(hb + g * _G, _G)]
            for j in range(_G):
                pltpu.async_copy(rows_v.at[pl.ds(g * _G + j, 1)],
                                 bank_ref.at[pl.ds(v[j], 1)], sem)

            @pl.when(g > 0)
            def _():
                drain_s(g - 1)
            return carry

        lax.fori_loop(0, _NG, sbody, 0)
        drain_s(_NG - 1)


def _avgs_t_body(x_ref, o_ref):
    o_ref[...] = x_ref[...].T


def _avgs_transpose(avgs_rm):
    return pl.pallas_call(
        _avgs_t_body,
        grid=(16,),
        in_specs=[pl.BlockSpec((1024, _DIM), lambda i: (i, 0))],
        out_specs=pl.BlockSpec((_DIM, 1024), lambda i: (0, i)),
        out_shape=jax.ShapeDtypeStruct((_DIM, _BATCH), jnp.float32),
    )(avgs_rm)


def kernel(idx, data, memory):
    idx = idx.astype(jnp.int32)
    bank_ref = jax.new_ref(lax.optimization_barrier(memory))
    avgs_rm = _sc_update(idx, data, bank_ref)
    return _avgs_transpose(avgs_rm).T, lax.optimization_barrier(bank_ref[...])

# --- scband reference (transcript-rebuilt; emitter-appended) ---
"""Pipeline reference for scband-memory-bank-66236985638965 (READ-ONLY COPY).

The authoritative reference and input builder live on the scoring server;
editing this copy changes nothing except your own understanding.
"""

import jax, jax.numpy as jnp
import numpy as np

BANK_SIZE = 1000000
DIM = 64
BATCH = 16384
MOMENTUM = 0.9


def setup_inputs(seed: int = 0) -> dict:
    key = jax.random.key(seed)
    k1, k2, k3 = jax.random.split(key, 3)
    idx = jax.random.randint(k1, (BATCH,), 0, BANK_SIZE).astype(jnp.int64) if jax.config.jax_enable_x64 else jax.random.randint(k1, (BATCH,), 0, BANK_SIZE)
    data = jax.random.normal(k2, (BATCH, DIM), dtype=jnp.float32)
    # learned/buffer state: memory bank of shape [bank_size + 1, dim], init with uniform rand like torch.rand
    memory = jax.random.uniform(k3, (BANK_SIZE + 1, DIM), dtype=jnp.float32)
    return {"idx": idx, "data": data, "memory": memory}


def reference(idx, data, memory):
    # data_averages = torch.index_select(self.memory, 0, idx.view(-1)).detach()
    data_averages = jnp.take(memory, idx.reshape(-1), axis=0)
    # new_entry = momentum * data_averages + (1 - momentum) * data  (in-place in torch, functional here)
    new_entry = data_averages * MOMENTUM + data * (1.0 - MOMENTUM)
    # self.memory.index_copy_(0, idx, new_entry) -> scatter-overwrite
    updated_memory = memory.at[idx.reshape(-1)].set(new_entry)
    # torch forward returns data_averages; we also return the updated buffer to capture the side effect
    return (data_averages, updated_memory)

if __name__ == "__main__":
    import jax
    _d = setup_inputs()
    print(jax.jit(kernel)(*tuple(_d.values())))

</pallas_src>

<mosaic_0001>
#map = affine_map<(d0, d1) -> (0)>
#map1 = affine_map<(d0, d1) -> (0, 0)>
module attributes {stable_mosaic.version = 14 : i64} {
  func.func @new_body(%arg0: i32, %arg1: i32, %arg2: memref<16384xi32, #tpu.memory_space<hbm>>, %arg3: memref<16384x64xf32, #tpu.memory_space<hbm>>, %arg4: memref<1000001x64xf32, #tpu.memory_space<hbm>>, %arg5: memref<16384x64xf32, #tpu.memory_space<hbm>>, %arg6: memref<1000001x64xf32, #tpu.memory_space<hbm>>, %arg7: memref<512xi32, #tpu.memory_space<vmem>>, %arg8: memref<256x64xf32, #tpu.memory_space<vmem>>, %arg9: memref<256x64xf32, #tpu.memory_space<vmem>>, %arg10: memref<256x64xf32, #tpu.memory_space<vmem>>, %arg11: memref<!tpu.dma_semaphore, #tpu.memory_space<semaphore_mem>>) attributes {dimension_semantics = [#tpu.dimension_semantics<core_parallel>, #tpu.dimension_semantics<subcore_parallel>], iteration_bounds = array<i64: 2, 16>, scalar_prefetch = 0 : i64, scratch_operands = 5 : i64, tpu.core_type = #tpu.core_type<sc_vector_subcore>, window_params = [{transform_indices = #map}, {transform_indices = #map1}, {transform_indices = #map1}, {transform_indices = #map1}, {transform_indices = #map1}]} {
    %mul3A = arith.constant 2 : i32
    %mul3A_0 = arith.muli %arg1, %mul3A : i32
    %add3A = arith.addi %mul3A_0, %arg0 : i32
    %mul3A_1 = arith.constant 512 : i32
    %mul3A_2 = arith.muli %add3A, %mul3A_1 : i32
    "tpu.region"() ({
      %run_scoped3A = tpu.sem_alloc : memref<!tpu.dma_semaphore, #tpu.memory_space<semaphore_mem>>
      %dma_start3A = tpu.memref_slice %arg2[%mul3A_2] : memref<16384xi32, #tpu.memory_space<hbm>> -> memref<512xi32, #tpu.memory_space<hbm>>
      %dma_start3A_91 = tpu.memref_slice %arg2[%mul3A_2] : memref<16384xi32, #tpu.memory_space<hbm>> -> memref<512xi32, #tpu.memory_space<hbm>>
      tpu.enqueue_dma source(%dma_start3A_91 : memref<512xi32, #tpu.memory_space<hbm>>) target(%arg7 : memref<512xi32, #tpu.memory_space<vmem>>) target_semaphore(%run_scoped3A : memref<!tpu.dma_semaphore, #tpu.memory_space<semaphore_mem>>)
      %dma_wait3A_92 = tpu.memref_slice %arg2[%mul3A_2] : memref<16384xi32, #tpu.memory_space<hbm>> -> memref<512xi32, #tpu.memory_space<hbm>>
      %dma_wait3A_93 = tpu.memref_slice %arg2[%mul3A_2] : memref<16384xi32, #tpu.memory_space<hbm>> -> memref<512xi32, #tpu.memory_space<hbm>>
      tpu.wait_dma2 semaphore(%run_scoped3A : memref<!tpu.dma_semaphore, #tpu.memory_space<semaphore_mem>>) src(%dma_wait3A_93 : memref<512xi32, #tpu.memory_space<hbm>>) dst(%arg7 : memref<512xi32, #tpu.memory_space<vmem>>)
      tpu.yield
    }) : () -> ()
    %scan3A = arith.constant 0 : i32
    %scan3A_3 = arith.constant 0 : i32
    %scan3A_4 = arith.constant 16 : i32
    %scan3A_5 = arith.addi %scan3A_3, %scan3A_4 : i32
    %scan3A_6 = arith.constant 1 : i32
    scf.for %scan3A_91 = %scan3A_3 to %scan3A_5 step %scan3A_6  : i32 {
      %mul3A_92 = arith.constant 16 : i32
      %mul3A_93 = arith.muli %scan3A_91, %mul3A_92 : i32
      %add3A_94 = arith.constant 0 : i32
      %add3A_95 = arith.addi %add3A_94, %mul3A_93 : i32
      %get3A = arith.index_cast %add3A_95 : i32 to index
      %get3A_96 = tpu.vector_load %arg7[%get3A] {strides = array<i32>} : memref<512xi32, #tpu.memory_space<vmem>>, vector<16xi32>,
      %get3A_97 = vector.shape_cast %get3A_96 : vector<16xi32> to vector<16xi32>
      %slice3A = vector.extract_strided_slice %get3A_97 {offsets = [0], sizes = [1], strides = [1]} : vector<16xi32> to vector<1xi32>
      %squeeze3A = vector.extract %slice3A[0] : i32 from vector<1xi32>
      %mul3A_98 = arith.constant 16 : i32
      %mul3A_99 = arith.muli %scan3A_91, %mul3A_98 : i32
      %add3A_100 = arith.constant 0 : i32
      %add3A_101 = arith.addi %mul3A_99, %add3A_100 : i32
      %dma_start3A = arith.constant 0 : i32
      %dma_start3A_102 = tpu.memref_slice %arg8[%add3A_101, %dma_start3A] : memref<256x64xf32, #tpu.memory_space<vmem>> -> memref<1x64xf32, #tpu.memory_space<vmem>>
      %dma_start3A_103 = arith.constant 0 : i32
      %dma_start3A_104 = tpu.memref_slice %arg4[%squeeze3A, %dma_start3A_103] : memref<1000001x64xf32, #tpu.memory_space<hbm>> -> memref<1x64xf32, #tpu.memory_space<hbm>>
      %dma_start3A_105 = arith.constant 0 : i32
      %dma_start3A_106 = tpu.memref_slice %arg8[%add3A_101, %dma_start3A_105] : memref<256x64xf32, #tpu.memory_space<vmem>> -> memref<1x64xf32, #tpu.memory_space<vmem>>
      %dma_start3A_107 = arith.constant 0 : i32
      %dma_start3A_108 = tpu.memref_slice %arg4[%squeeze3A, %dma_start3A_107] : memref<1000001x64xf32, #tpu.memory_space<hbm>> -> memref<1x64xf32, #tpu.memory_space<hbm>>
      tpu.enqueue_dma source(%dma_start3A_108 : memref<1x64xf32, #tpu.memory_space<hbm>>) target(%dma_start3A_106 : memref<1x64xf32, #tpu.memory_space<vmem>>) target_semaphore(%arg11 : memref<!tpu.dma_semaphore, #tpu.memory_space<semaphore_mem>>)
      %slice3A_109 = vector.extract_strided_slice %get3A_97 {offsets = [1], sizes = [1], strides = [1]} : vector<16xi32> to vector<1xi32>
      %squeeze3A_110 = vector.extract %slice3A_109[0] : i32 from vector<1xi32>
      %mul3A_111 = arith.constant 16 : i32
      %mul3A_112 = arith.muli %scan3A_91, %mul3A_111 : i32
      %add3A_113 = arith.constant 1 : i32
      %add3A_114 = arith.addi %mul3A_112, %add3A_113 : i32
      %dma_start3A_115 = arith.constant 0 : i32
      %dma_start3A_116 = tpu.memref_slice %arg8[%add3A_114, %dma_start3A_115] : memref<256x64xf32, #tpu.memory_space<vmem>> -> memref<1x64xf32, #tpu.memory_space<vmem>>
      %dma_start3A_117 = arith.constant 0 : i32
      %dma_start3A_118 = tpu.memref_slice %arg4[%squeeze3A_110, %dma_start3A_117] : memref<1000001x64xf32, #tpu.memory_space<hbm>> -> memref<1x64xf32, #tpu.memory_space<hbm>>
      %dma_start3A_119 = arith.constant 0 : i32
      %dma_start3A_120 = tpu.memref_slice %arg8[%add3A_114, %dma_start3A_119] : memref<256x64xf32, #tpu.memory_space<vmem>> -> memref<1x64xf32, #tpu.memory_space<vmem>>
      %dma_start3A_121 = arith.constant 0 : i32
      %dma_start3A_122 = tpu.memref_slice %arg4[%squeeze3A_110, %dma_start3A_121] : memref<1000001x64xf32, #tpu.memory_space<hbm>> -> memref<1x64xf32, #tpu.memory_space<hbm>>
      tpu.enqueue_dma source(%dma_start3A_122 : memref<1x64xf32, #tpu.memory_space<hbm>>) target(%dma_start3A_120 : memref<1x64xf32, #tpu.memory_space<vmem>>) target_semaphore(%arg11 : memref<!tpu.dma_semaphore, #tpu.memory_space<semaphore_mem>>)
      %slice3A_123 = vector.extract_strided_slice %get3A_97 {offsets = [2], sizes = [1], strides = [1]} : vector<16xi32> to vector<1xi32>
      %squeeze3A_124 = vector.extract %slice3A_123[0] : i32 from vector<1xi32>
      %mul3A_125 = arith.constant 16 : i32
      %mul3A_126 = arith.muli %scan3A_91, %mul3A_125 : i32
      %add3A_127 = arith.constant 2 : i32
      %add3A_128 = arith.addi %mul3A_126, %add3A_127 : i32
      %dma_start3A_129 = arith.constant 0 : i32
      %dma_start3A_130 = tpu.memref_slice %arg8[%add3A_128, %dma_start3A_129] : memref<256x64xf32, #tpu.memory_space<vmem>> -> memref<1x64xf32, #tpu.memory_space<vmem>>
      %dma_start3A_131 = arith.constant 0 : i32
      %dma_start3A_132 = tpu.memref_slice %arg4[%squeeze3A_124, %dma_start3A_131] : memref<1000001x64xf32, #tpu.memory_space<hbm>> -> memref<1x64xf32, #tpu.memory_space<hbm>>
      %dma_start3A_133 = arith.constant 0 : i32
      %dma_start3A_134 = tpu.memref_slice %arg8[%add3A_128, %dma_start3A_133] : memref<256x64xf32, #tpu.memory_space<vmem>> -> memref<1x64xf32, #tpu.memory_space<vmem>>
      %dma_start3A_135 = arith.constant 0 : i32
      %dma_start3A_136 = tpu.memref_slice %arg4[%squeeze3A_124, %dma_start3A_135] : memref<1000001x64xf32, #tpu.memory_space<hbm>> -> memref<1x64xf32, #tpu.memory_space<hbm>>
      tpu.enqueue_dma source(%dma_start3A_136 : memref<1x64xf32, #tpu.memory_space<hbm>>) target(%dma_start3A_134 : memref<1x64xf32, #tpu.memory_space<vmem>>) target_semaphore(%arg11 : memref<!tpu.dma_semaphore, #tpu.memory_space<semaphore_mem>>)
      %slice3A_137 = vector.extract_strided_slice %get3A_97 {offsets = [3], sizes = [1], strides = [1]} : vector<16xi32> to vector<1xi32>
      %squeeze3A_138 = vector.extract %slice3A_137[0] : i32 from vector<1xi32>
      %mul3A_139 = arith.constant 16 : i32
      %mul3A_140 = arith.muli %scan3A_91, %mul3A_139 : i32
      %add3A_141 = arith.constant 3 : i32
      %add3A_142 = arith.addi %mul3A_140, %add3A_141 : i32
      %dma_start3A_143 = arith.constant 0 : i32
      %dma_start3A_144 = tpu.memref_slice %arg8[%add3A_142, %dma_start3A_143] : memref<256x64xf32, #tpu.memory_space<vmem>> -> memref<1x64xf32, #tpu.memory_space<vmem>>
      %dma_start3A_145 = arith.constant 0 : i32
      %dma_start3A_146 = tpu.memref_slice %arg4[%squeeze3A_138, %dma_start3A_145] : memref<1000001x64xf32, #tpu.memory_space<hbm>> -> memref<1x64xf32, #tpu.memory_space<hbm>>
      %dma_start3A_147 = arith.constant 0 : i32
      %dma_start3A_148 = tpu.memref_slice %arg8[%add3A_142, %dma_start3A_147] : memref<256x64xf32, #tpu.memory_space<vmem>> -> memref<1x64xf32, #tpu.memory_space<vmem>>
      %dma_start3A_149 = arith.constant 0 : i32
      %dma_start3A_150 = tpu.memref_slice %arg4[%squeeze3A_138, %dma_start3A_149] : memref<1000001x64xf32, #tpu.memory_space<hbm>> -> memref<1x64xf32, #tpu.memory_space<hbm>>
      tpu.enqueue_dma source(%dma_start3A_150 : memref<1x64xf32, #tpu.memory_space<hbm>>) target(%dma_start3A_148 : memref<1x64xf32, #tpu.memory_space<vmem>>) target_semaphore(%arg11 : memref<!tpu.dma_semaphore, #tpu.memory_space<semaphore_mem>>)
      %slice3A_151 = vector.extract_strided_slice %get3A_97 {offsets = [4], sizes = [1], strides = [1]} : vector<16xi32> to vector<1xi32>
      %squeeze3A_152 = vector.extract %slice3A_151[0] : i32 from vector<1xi32>
      %mul3A_153 = arith.constant 16 : i32
      %mul3A_154 = arith.muli %scan3A_91, %mul3A_153 : i32
      %add3A_155 = arith.constant 4 : i32
      %add3A_156 = arith.addi %mul3A_154, %add3A_155 : i32
      %dma_start3A_157 = arith.constant 0 : i32
      %dma_start3A_158 = tpu.memref_slice %arg8[%add3A_156, %dma_start3A_157] : memref<256x64xf32, #tpu.memory_space<vmem>> -> memref<1x64xf32, #tpu.memory_space<vmem>>
      %dma_start3A_159 = arith.constant 0 : i32
      %dma_start3A_160 = tpu.memref_slice %arg4[%squeeze3A_152, %dma_start3A_159] : memref<1000001x64xf32, #tpu.memory_space<hbm>> -> memref<1x64xf32, #tpu.memory_space<hbm>>
      %dma_start3A_161 = arith.constant 0 : i32
      %dma_start3A_162 = tpu.memref_slice %arg8[%add3A_156, %dma_start3A_161] : memref<256x64xf32, #tpu.memory_space<vmem>> -> memref<1x64xf32, #tpu.memory_space<vmem>>
      %dma_start3A_163 = arith.constant 0 : i32
      %dma_start3A_164 = tpu.memref_slice %arg4[%squeeze3A_152, %dma_start3A_163] : memref<1000001x64xf32, #tpu.memory_space<hbm>> -> memref<1x64xf32, #tpu.memory_space<hbm>>
      tpu.enqueue_dma source(%dma_start3A_164 : memref<1x64xf32, #tpu.memory_space<hbm>>) target(%dma_start3A_162 : memref<1x64xf32, #tpu.memory_space<vmem>>) target_semaphore(%arg11 : memref<!tpu.dma_semaphore, #tpu.memory_space<semaphore_mem>>)
      %slice3A_165 = vector.extract_strided_slice %get3A_97 {offsets = [5], sizes = [1], strides = [1]} : vector<16xi32> to vector<1xi32>
      %squeeze3A_166 = vector.extract %slice3A_165[0] : i32 from vector<1xi32>
      %mul3A_167 = arith.constant 16 : i32
      %mul3A_168 = arith.muli %scan3A_91, %mul3A_167 : i32
      %add3A_169 = arith.constant 5 : i32
      %add3A_170 = arith.addi %mul3A_168, %add3A_169 : i32
      %dma_start3A_171 = arith.constant 0 : i32
      %dma_start3A_172 = tpu.memref_slice %arg8[%add3A_170, %dma_start3A_171] : memref<256x64xf32, #tpu.memory_space<vmem>> -> memref<1x64xf32, #tpu.memory_space<vmem>>
      %dma_start3A_173 = arith.constant 0 : i32
      %dma_start3A_174 = tpu.memref_slice %arg4[%squeeze3A_166, %dma_start3A_173] : memref<1000001x64xf32, #tpu.memory_space<hbm>> -> memref<1x64xf32, #tpu.memory_space<hbm>>
      %dma_start3A_175 = arith.constant 0 : i32
      %dma_start3A_176 = tpu.memref_slice %arg8[%add3A_170, %dma_start3A_175] : memref<256x64xf32, #tpu.memory_space<vmem>> -> memref<1x64xf32, #tpu.memory_space<vmem>>
      %dma_start3A_177 = arith.constant 0 : i32
      %dma_start3A_178 = tpu.memref_slice %arg4[%squeeze3A_166, %dma_start3A_177] : memref<1000001x64xf32, #tpu.memory_space<hbm>> -> memref<1x64xf32, #tpu.memory_space<hbm>>
      tpu.enqueue_dma source(%dma_start3A_178 : memref<1x64xf32, #tpu.memory_space<hbm>>) target(%dma_start3A_176 : memref<1x64xf32, #tpu.memory_space<vmem>>) target_semaphore(%arg11 : memref<!tpu.dma_semaphore, #tpu.memory_space<semaphore_mem>>)
      %slice3A_179 = vector.extract_strided_slice %get3A_97 {offsets = [6], sizes = [1], strides = [1]} : vector<16xi32> to vector<1xi32>
      %squeeze3A_180 = vector.extract %slice3A_179[0] : i32 from vector<1xi32>
      %mul3A_181 = arith.constant 16 : i32
      %mul3A_182 = arith.muli %scan3A_91, %mul3A_181 : i32
      %add3A_183 = arith.constant 6 : i32
      %add3A_184 = arith.addi %mul3A_182, %add3A_183 : i32
      %dma_start3A_185 = arith.constant 0 : i32
      %dma_start3A_186 = tpu.memref_slice %arg8[%add3A_184, %dma_start3A_185] : memref<256x64xf32, #tpu.memory_space<vmem>> -> memref<1x64xf32, #tpu.memory_space<vmem>>
      %dma_start3A_187 = arith.constant 0 : i32
      %dma_start3A_188 = tpu.memref_slice %arg4[%squeeze3A_180, %dma_start3A_187] : memref<1000001x64xf32, #tpu.memory_space<hbm>> -> memref<1x64xf32, #tpu.memory_space<hbm>>
      %dma_start3A_189 = arith.constant 0 : i32
      %dma_start3A_190 = tpu.memref_slice %arg8[%add3A_184, %dma_start3A_189] : memref<256x64xf32, #tpu.memory_space<vmem>> -> memref<1x64xf32, #tpu.memory_space<vmem>>
      %dma_start3A_191 = arith.constant 0 : i32
      %dma_start3A_192 = tpu.memref_slice %arg4[%squeeze3A_180, %dma_start3A_191] : memref<1000001x64xf32, #tpu.memory_space<hbm>> -> memref<1x64xf32, #tpu.memory_space<hbm>>
      tpu.enqueue_dma source(%dma_start3A_192 : memref<1x64xf32, #tpu.memory_space<hbm>>) target(%dma_start3A_190 : memref<1x64xf32, #tpu.memory_space<vmem>>) target_semaphore(%arg11 : memref<!tpu.dma_semaphore, #tpu.memory_space<semaphore_mem>>)
      %slice3A_193 = vector.extract_strided_slice %get3A_97 {offsets = [7], sizes = [1], strides = [1]} : vector<16xi32> to vector<1xi32>
      %squeeze3A_194 = vector.extract %slice3A_193[0] : i32 from vector<1xi32>
      %mul3A_195 = arith.constant 16 : i32
      %mul3A_196 = arith.muli %scan3A_91, %mul3A_195 : i32
      %add3A_197 = arith.constant 7 : i32
      %add3A_198 = arith.addi %mul3A_196, %add3A_197 : i32
      %dma_start3A_199 = arith.constant 0 : i32
      %dma_start3A_200 = tpu.memref_slice %arg8[%add3A_198, %dma_start3A_199] : memref<256x64xf32, #tpu.memory_space<vmem>> -> memref<1x64xf32, #tpu.memory_space<vmem>>
      %dma_start3A_201 = arith.constant 0 : i32
      %dma_start3A_202 = tpu.memref_slice %arg4[%squeeze3A_194, %dma_start3A_201] : memref<1000001x64xf32, #tpu.memory_space<hbm>> -> memref<1x64xf32, #tpu.memory_space<hbm>>
      %dma_start3A_203 = arith.constant 0 : i32
      %dma_start3A_204 = tpu.memref_slice %arg8[%add3A_198, %dma_start3A_203] : memref<256x64xf32, #tpu.memory_space<vmem>> -> memref<1x64xf32, #tpu.memory_space<vmem>>
      %dma_start3A_205 = arith.constant 0 : i32
      %dma_start3A_206 = tpu.memref_slice %arg4[%squeeze3A_194, %dma_start3A_205] : memref<1000001x64xf32, #tpu.memory_space<hbm>> -> memref<1x64xf32, #tpu.memory_space<hbm>>
      tpu.enqueue_dma source(%dma_start3A_206 : memref<1x64xf32, #tpu.memory_space<hbm>>) target(%dma_start3A_204 : memref<1x64xf32, #tpu.memory_space<vmem>>) target_semaphore(%arg11 : memref<!tpu.dma_semaphore, #tpu.memory_space<semaphore_mem>>)
      %slice3A_207 = vector.extract_strided_slice %get3A_97 {offsets = [8], sizes = [1], strides = [1]} : vector<16xi32> to vector<1xi32>
      %squeeze3A_208 = vector.extract %slice3A_207[0] : i32 from vector<1xi32>
      %mul3A_209 = arith.constant 16 : i32
      %mul3A_210 = arith.muli %scan3A_91, %mul3A_209 : i32
      %add3A_211 = arith.constant 8 : i32
      %add3A_212 = arith.addi %mul3A_210, %add3A_211 : i32
      %dma_start3A_213 = arith.constant 0 : i32
      %dma_start3A_214 = tpu.memref_slice %arg8[%add3A_212, %dma_start3A_213] : memref<256x64xf32, #tpu.memory_space<vmem>> -> memref<1x64xf32, #tpu.memory_space<vmem>>
      %dma_start3A_215 = arith.constant 0 : i32
      %dma_start3A_216 = tpu.memref_slice %arg4[%squeeze3A_208, %dma_start3A_215] : memref<1000001x64xf32, #tpu.memory_space<hbm>> -> memref<1x64xf32, #tpu.memory_space<hbm>>
      %dma_start3A_217 = arith.constant 0 : i32
      %dma_start3A_218 = tpu.memref_slice %arg8[%add3A_212, %dma_start3A_217] : memref<256x64xf32, #tpu.memory_space<vmem>> -> memref<1x64xf32, #tpu.memory_space<vmem>>
      %dma_start3A_219 = arith.constant 0 : i32
      %dma_start3A_220 = tpu.memref_slice %arg4[%squeeze3A_208, %dma_start3A_219] : memref<1000001x64xf32, #tpu.memory_space<hbm>> -> memref<1x64xf32, #tpu.memory_space<hbm>>
      tpu.enqueue_dma source(%dma_start3A_220 : memref<1x64xf32, #tpu.memory_space<hbm>>) target(%dma_start3A_218 : memref<1x64xf32, #tpu.memory_space<vmem>>) target_semaphore(%arg11 : memref<!tpu.dma_semaphore, #tpu.memory_space<semaphore_mem>>)
      %slice3A_221 = vector.extract_strided_slice %get3A_97 {offsets = [9], sizes = [1], strides = [1]} : vector<16xi32> to vector<1xi32>
      %squeeze3A_222 = vector.extract %slice3A_221[0] : i32 from vector<1xi32>
      %mul3A_223 = arith.constant 16 : i32
      %mul3A_224 = arith.muli %scan3A_91, %mul3A_223 : i32
      %add3A_225 = arith.constant 9 : i32
      %add3A_226 = arith.addi %mul3A_224, %add3A_225 : i32
      %dma_start3A_227 = arith.constant 0 : i32
      %dma_start3A_228 = tpu.memref_slice %arg8[%add3A_226, %dma_start3A_227] : memref<256x64xf32, #tpu.memory_space<vmem>> -> memref<1x64xf32, #tpu.memory_space<vmem>>
      %dma_start3A_229 = arith.constant 0 : i32
      %dma_start3A_230 = tpu.memref_slice %arg4[%squeeze3A_222, %dma_start3A_229] : memref<1000001x64xf32, #tpu.memory_space<hbm>> -> memref<1x64xf32, #tpu.memory_space<hbm>>
      %dma_start3A_231 = arith.constant 0 : i32
      %dma_start3A_232 = tpu.memref_slice %arg8[%add3A_226, %dma_start3A_231] : memref<256x64xf32, #tpu.memory_space<vmem>> -> memref<1x64xf32, #tpu.memory_space<vmem>>
      %dma_start3A_233 = arith.constant 0 : i32
      %dma_start3A_234 = tpu.memref_slice %arg4[%squeeze3A_222, %dma_start3A_233] : memref<1000001x64xf32, #tpu.memory_space<hbm>> -> memref<1x64xf32, #tpu.memory_space<hbm>>
      tpu.enqueue_dma source(%dma_start3A_234 : memref<1x64xf32, #tpu.memory_space<hbm>>) target(%dma_start3A_232 : memref<1x64xf32, #tpu.memory_space<vmem>>) target_semaphore(%arg11 : memref<!tpu.dma_semaphore, #tpu.memory_space<semaphore_mem>>)
      %slice3A_235 = vector.extract_strided_slice %get3A_97 {offsets = [10], sizes = [1], strides = [1]} : vector<16xi32> to vector<1xi32>
      %squeeze3A_236 = vector.extract %slice3A_235[0] : i32 from vector<1xi32>
      %mul3A_237 = arith.constant 16 : i32
      %mul3A_238 = arith.muli %scan3A_91, %mul3A_237 : i32
      %add3A_239 = arith.constant 10 : i32
      %add3A_240 = arith.addi %mul3A_238, %add3A_239 : i32
      %dma_start3A_241 = arith.constant 0 : i32
      %dma_start3A_242 = tpu.memref_slice %arg8[%add3A_240, %dma_start3A_241] : memref<256x64xf32, #tpu.memory_space<vmem>> -> memref<1x64xf32, #tpu.memory_space<vmem>>
      %dma_start3A_243 = arith.constant 0 : i32
      %dma_start3A_244 = tpu.memref_slice %arg4[%squeeze3A_236, %dma_start3A_243] : memref<1000001x64xf32, #tpu.memory_space<hbm>> -> memref<1x64xf32, #tpu.memory_space<hbm>>
      %dma_start3A_245 = arith.constant 0 : i32
      %dma_start3A_246 = tpu.memref_slice %arg8[%add3A_240, %dma_start3A_245] : memref<256x64xf32, #tpu.memory_space<vmem>> -> memref<1x64xf32, #tpu.memory_space<vmem>>
      %dma_start3A_247 = arith.constant 0 : i32
      %dma_start3A_248 = tpu.memref_slice %arg4[%squeeze3A_236, %dma_start3A_247] : memref<1000001x64xf32, #tpu.memory_space<hbm>> -> memref<1x64xf32, #tpu.memory_space<hbm>>
      tpu.enqueue_dma source(%dma_start3A_248 : memref<1x64xf32, #tpu.memory_space<hbm>>) target(%dma_start3A_246 : memref<1x64xf32, #tpu.memory_space<vmem>>) target_semaphore(%arg11 : memref<!tpu.dma_semaphore, #tpu.memory_space<semaphore_mem>>)
      %slice3A_249 = vector.extract_strided_slice %get3A_97 {offsets = [11], sizes = [1], strides = [1]} : vector<16xi32> to vector<1xi32>
      %squeeze3A_250 = vector.extract %slice3A_249[0] : i32 from vector<1xi32>
      %mul3A_251 = arith.constant 16 : i32
      %mul3A_252 = arith.muli %scan3A_91, %mul3A_251 : i32
      %add3A_253 = arith.constant 11 : i32
      %add3A_254 = arith.addi %mul3A_252, %add3A_253 : i32
      %dma_start3A_255 = arith.constant 0 : i32
      %dma_start3A_256 = tpu.memref_slice %arg8[%add3A_254, %dma_start3A_255] : memref<256x64xf32, #tpu.memory_space<vmem>> -> memref<1x64xf32, #tpu.memory_space<vmem>>
      %dma_start3A_257 = arith.constant 0 : i32
      %dma_start3A_258 = tpu.memref_slice %arg4[%squeeze3A_250, %dma_start3A_257] : memref<1000001x64xf32, #tpu.memory_space<hbm>> -> memref<1x64xf32, #tpu.memory_space<hbm>>
      %dma_start3A_259 = arith.constant 0 : i32
      %dma_start3A_260 = tpu.memref_slice %arg8[%add3A_254, %dma_start3A_259] : memref<256x64xf32, #tpu.memory_space<vmem>> -> memref<1x64xf32, #tpu.memory_space<vmem>>
      %dma_start3A_261 = arith.constant 0 : i32
      %dma_start3A_262 = tpu.memref_slice %arg4[%squeeze3A_250, %dma_start3A_261] : memref<1000001x64xf32, #tpu.memory_space<hbm>> -> memref<1x64xf32, #tpu.memory_space<hbm>>
      tpu.enqueue_dma source(%dma_start3A_262 : memref<1x64xf32, #tpu.memory_space<hbm>>) target(%dma_start3A_260 : memref<1x64xf32, #tpu.memory_space<vmem>>) target_semaphore(%arg11 : memref<!tpu.dma_semaphore, #tpu.memory_space<semaphore_mem>>)
      %slice3A_263 = vector.extract_strided_slice %get3A_97 {offsets = [12], sizes = [1], strides = [1]} : vector<16xi32> to vector<1xi32>
      %squeeze3A_264 = vector.extract %slice3A_263[0] : i32 from vector<1xi32>
      %mul3A_265 = arith.constant 16 : i32
      %mul3A_266 = arith.muli %scan3A_91, %mul3A_265 : i32
      %add3A_267 = arith.constant 12 : i32
      %add3A_268 = arith.addi %mul3A_266, %add3A_267 : i32
      %dma_start3A_269 = arith.constant 0 : i32
      %dma_start3A_270 = tpu.memref_slice %arg8[%add3A_268, %dma_start3A_269] : memref<256x64xf32, #tpu.memory_space<vmem>> -> memref<1x64xf32, #tpu.memory_space<vmem>>
      %dma_start3A_271 = arith.constant 0 : i32
      %dma_start3A_272 = tpu.memref_slice %arg4[%squeeze3A_264, %dma_start3A_271] : memref<1000001x64xf32, #tpu.memory_space<hbm>> -> memref<1x64xf32, #tpu.memory_space<hbm>>
      %dma_start3A_273 = arith.constant 0 : i32
      %dma_start3A_274 = tpu.memref_slice %arg8[%add3A_268, %dma_start3A_273] : memref<256x64xf32, #tpu.memory_space<vmem>> -> memref<1x64xf32, #tpu.memory_space<vmem>>
      %dma_start3A_275 = arith.constant 0 : i32
      %dma_start3A_276 = tpu.memref_slice %arg4[%squeeze3A_264, %dma_start3A_275] : memref<1000001x64xf32, #tpu.memory_space<hbm>> -> memref<1x64xf32, #tpu.memory_space<hbm>>
      tpu.enqueue_dma source(%dma_start3A_276 : memref<1x64xf32, #tpu.memory_space<hbm>>) target(%dma_start3A_274 : memref<1x64xf32, #tpu.memory_space<vmem>>) target_semaphore(%arg11 : memref<!tpu.dma_semaphore, #tpu.memory_space<semaphore_mem>>)
      %slice3A_277 = vector.extract_strided_slice %get3A_97 {offsets = [13], sizes = [1], strides = [1]} : vector<16xi32> to vector<1xi32>
      %squeeze3A_278 = vector.extract %slice3A_277[0] : i32 from vector<1xi32>
      %mul3A_279 = arith.constant 16 : i32
      %mul3A_280 = arith.muli %scan3A_91, %mul3A_279 : i32
      %add3A_281 = arith.constant 13 : i32
      %add3A_282 = arith.addi %mul3A_280, %add3A_281 : i32
      %dma_start3A_283 = arith.constant 0 : i32
      %dma_start3A_284 = tpu.memref_slice %arg8[%add3A_282, %dma_start3A_283] : memref<256x64xf32, #tpu.memory_space<vmem>> -> memref<1x64xf32, #tpu.memory_space<vmem>>
      %dma_start3A_285 = arith.constant 0 : i32
      %dma_start3A_286 = tpu.memref_slice %arg4[%squeeze3A_278, %dma_start3A_285] : memref<1000001x64xf32, #tpu.memory_space<hbm>> -> memref<1x64xf32, #tpu.memory_space<hbm>>
      %dma_start3A_287 = arith.constant 0 : i32
      %dma_start3A_288 = tpu.memref_slice %arg8[%add3A_282, %dma_start3A_287] : memref<256x64xf32, #tpu.memory_space<vmem>> -> memref<1x64xf32, #tpu.memory_space<vmem>>
      %dma_start3A_289 = arith.constant 0 : i32
      %dma_start3A_290 = tpu.memref_slice %arg4[%squeeze3A_278, %dma_start3A_289] : memref<1000001x64xf32, #tpu.memory_space<hbm>> -> memref<1x64xf32, #tpu.memory_space<hbm>>
      tpu.enqueue_dma source(%dma_start3A_290 : memref<1x64xf32, #tpu.memory_space<hbm>>) target(%dma_start3A_288 : memref<1x64xf32, #tpu.memory_space<vmem>>) target_semaphore(%arg11 : memref<!tpu.dma_semaphore, #tpu.memory_space<semaphore_mem>>)
      %slice3A_291 = vector.extract_strided_slice %get3A_97 {offsets = [14], sizes = [1], strides = [1]} : vector<16xi32> to vector<1xi32>
      %squeeze3A_292 = vector.extract %slice3A_291[0] : i32 from vector<1xi32>
      %mul3A_293 = arith.constant 16 : i32
      %mul3A_294 = arith.muli %scan3A_91, %mul3A_293 : i32
      %add3A_295 = arith.constant 14 : i32
      %add3A_296 = arith.addi %mul3A_294, %add3A_295 : i32
      %dma_start3A_297 = arith.constant 0 : i32
      %dma_start3A_298 = tpu.memref_slice %arg8[%add3A_296, %dma_start3A_297] : memref<256x64xf32, #tpu.memory_space<vmem>> -> memref<1x64xf32, #tpu.memory_space<vmem>>
      %dma_start3A_299 = arith.constant 0 : i32
      %dma_start3A_300 = tpu.memref_slice %arg4[%squeeze3A_292, %dma_start3A_299] : memref<1000001x64xf32, #tpu.memory_space<hbm>> -> memref<1x64xf32, #tpu.memory_space<hbm>>
      %dma_start3A_301 = arith.constant 0 : i32
      %dma_start3A_302 = tpu.memref_slice %arg8[%add3A_296, %dma_start3A_301] : memref<256x64xf32, #tpu.memory_space<vmem>> -> memref<1x64xf32, #tpu.memory_space<vmem>>
      %dma_start3A_303 = arith.constant 0 : i32
      %dma_start3A_304 = tpu.memref_slice %arg4[%squeeze3A_292, %dma_start3A_303] : memref<1000001x64xf32, #tpu.memory_space<hbm>> -> memref<1x64xf32, #tpu.memory_space<hbm>>
      tpu.enqueue_dma source(%dma_start3A_304 : memref<1x64xf32, #tpu.memory_space<hbm>>) target(%dma_start3A_302 : memref<1x64xf32, #tpu.memory_space<vmem>>) target_semaphore(%arg11 : memref<!tpu.dma_semaphore, #tpu.memory_space<semaphore_mem>>)
      %slice3A_305 = vector.extract_strided_slice %get3A_97 {offsets = [15], sizes = [1], strides = [1]} : vector<16xi32> to vector<1xi32>
      %squeeze3A_306 = vector.extract %slice3A_305[0] : i32 from vector<1xi32>
      %mul3A_307 = arith.constant 16 : i32
      %mul3A_308 = arith.muli %scan3A_91, %mul3A_307 : i32
      %add3A_309 = arith.constant 15 : i32
      %add3A_310 = arith.addi %mul3A_308, %add3A_309 : i32
      %dma_start3A_311 = arith.constant 0 : i32
      %dma_start3A_312 = tpu.memref_slice %arg8[%add3A_310, %dma_start3A_311] : memref<256x64xf32, #tpu.memory_space<vmem>> -> memref<1x64xf32, #tpu.memory_space<vmem>>
      %dma_start3A_313 = arith.constant 0 : i32
      %dma_start3A_314 = tpu.memref_slice %arg4[%squeeze3A_306, %dma_start3A_313] : memref<1000001x64xf32, #tpu.memory_space<hbm>> -> memref<1x64xf32, #tpu.memory_space<hbm>>
      %dma_start3A_315 = arith.constant 0 : i32
      %dma_start3A_316 = tpu.memref_slice %arg8[%add3A_310, %dma_start3A_315] : memref<256x64xf32, #tpu.memory_space<vmem>> -> memref<1x64xf32, #tpu.memory_space<vmem>>
      %dma_start3A_317 = arith.constant 0 : i32
      %dma_start3A_318 = tpu.memref_slice %arg4[%squeeze3A_306, %dma_start3A_317] : memref<1000001x64xf32, #tpu.memory_space<hbm>> -> memref<1x64xf32, #tpu.memory_space<hbm>>
      tpu.enqueue_dma source(%dma_start3A_318 : memref<1x64xf32, #tpu.memory_space<hbm>>) target(%dma_start3A_316 : memref<1x64xf32, #tpu.memory_space<vmem>>) target_semaphore(%arg11 : memref<!tpu.dma_semaphore, #tpu.memory_space<semaphore_mem>>)
      %gt3A = arith.constant 0 : i32
      %gt3A_319 = arith.cmpi sgt, %scan3A_91, %gt3A : i32
      %convert_element_type3A = arith.extui %gt3A_319 : i1 to i32
      %cond3A = arith.constant 0 : i32
      %cond3A_320 = arith.cmpi ne, %convert_element_type3A, %cond3A : i32
      scf.if %cond3A_320 {
        %sub3A = arith.constant 1 : i32
        %sub3A_321 = arith.subi %scan3A_91, %sub3A : i32
        %mul3A_322 = arith.constant 16 : i32
        %mul3A_323 = arith.muli %sub3A_321, %mul3A_322 : i32
        %dma_wait3A_324 = arith.constant 0 : i32
        %dma_wait3A_325 = tpu.memref_slice %arg8[%mul3A_323, %dma_wait3A_324] : memref<256x64xf32, #tpu.memory_space<vmem>> -> memref<16x64xf32, #tpu.memory_space<vmem>>
        %dma_wait3A_326 = arith.constant 0 : i32
        %dma_wait3A_327 = arith.constant 0 : i32
        %dma_wait3A_328 = tpu.memref_slice %arg4[%dma_wait3A_326, %dma_wait3A_327] : memref<1000001x64xf32, #tpu.memory_space<hbm>> -> memref<16x64xf32, #tpu.memory_space<hbm>>
        %dma_wait3A_329 = arith.constant 0 : i32
        %dma_wait3A_330 = tpu.memref_slice %arg8[%mul3A_323, %dma_wait3A_329] : memref<256x64xf32, #tpu.memory_space<vmem>> -> memref<16x64xf32, #tpu.memory_space<vmem>>
        %dma_wait3A_331 = arith.constant 0 : i32
        %dma_wait3A_332 = arith.constant 0 : i32
        %dma_wait3A_333 = tpu.memref_slice %arg4[%dma_wait3A_331, %dma_wait3A_332] : memref<1000001x64xf32, #tpu.memory_space<hbm>> -> memref<16x64xf32, #tpu.memory_space<hbm>>
        tpu.wait_dma2 semaphore(%arg11 : memref<!tpu.dma_semaphore, #tpu.memory_space<semaphore_mem>>) src(%dma_wait3A_333 : memref<16x64xf32, #tpu.memory_space<hbm>>) dst(%dma_wait3A_330 : memref<16x64xf32, #tpu.memory_space<vmem>>)
      } else {
      }
    }
    %scan3A_7 = arith.constant 16 : i32
    %dma_wait3A = arith.constant 240 : i32
    %dma_wait3A_8 = arith.constant 0 : i32
    %dma_wait3A_9 = tpu.memref_slice %arg8[%dma_wait3A, %dma_wait3A_8] : memref<256x64xf32, #tpu.memory_space<vmem>> -> memref<16x64xf32, #tpu.memory_space<vmem>>
    %dma_wait3A_10 = arith.constant 0 : i32
    %dma_wait3A_11 = arith.constant 0 : i32
    %dma_wait3A_12 = tpu.memref_slice %arg4[%dma_wait3A_10, %dma_wait3A_11] : memref<1000001x64xf32, #tpu.memory_space<hbm>> -> memref<16x64xf32, #tpu.memory_space<hbm>>
    %dma_wait3A_13 = arith.constant 240 : i32
    %dma_wait3A_14 = arith.constant 0 : i32
    %dma_wait3A_15 = tpu.memref_slice %arg8[%dma_wait3A_13, %dma_wait3A_14] : memref<256x64xf32, #tpu.memory_space<vmem>> -> memref<16x64xf32, #tpu.memory_space<vmem>>
    %dma_wait3A_16 = arith.constant 0 : i32
    %dma_wait3A_17 = arith.constant 0 : i32
    %dma_wait3A_18 = tpu.memref_slice %arg4[%dma_wait3A_16, %dma_wait3A_17] : memref<1000001x64xf32, #tpu.memory_space<hbm>> -> memref<16x64xf32, #tpu.memory_space<hbm>>
    tpu.wait_dma2 semaphore(%arg11 : memref<!tpu.dma_semaphore, #tpu.memory_space<semaphore_mem>>) src(%dma_wait3A_18 : memref<16x64xf32, #tpu.memory_space<hbm>>) dst(%dma_wait3A_15 : memref<16x64xf32, #tpu.memory_space<vmem>>)
    %scan3A_19 = arith.constant 0 : i32
    %scan3A_20 = arith.constant 0 : i32
    %scan3A_21 = arith.constant 16 : i32
    %scan3A_22 = arith.addi %scan3A_20, %scan3A_21 : i32
    %scan3A_23 = arith.constant 1 : i32
    scf.for %scan3A_91 = %scan3A_20 to %scan3A_22 step %scan3A_23  : i32 {
      %mul3A_92 = arith.constant 16 : i32
      %mul3A_93 = arith.muli %scan3A_91, %mul3A_92 : i32
      %add3A_94 = arith.constant 256 : i32
      %add3A_95 = arith.addi %add3A_94, %mul3A_93 : i32
      %get3A = arith.index_cast %add3A_95 : i32 to index
      %get3A_96 = tpu.vector_load %arg7[%get3A] {strides = array<i32>} : memref<512xi32, #tpu.memory_space<vmem>>, vector<16xi32>,
      %get3A_97 = vector.shape_cast %get3A_96 : vector<16xi32> to vector<16xi32>
      %slice3A = vector.extract_strided_slice %get3A_97 {offsets = [0], sizes = [1], strides = [1]} : vector<16xi32> to vector<1xi32>
      %squeeze3A = vector.extract %slice3A[0] : i32 from vector<1xi32>
      %mul3A_98 = arith.constant 16 : i32
      %mul3A_99 = arith.muli %scan3A_91, %mul3A_98 : i32
      %add3A_100 = arith.constant 0 : i32
      %add3A_101 = arith.addi %mul3A_99, %add3A_100 : i32
      %dma_start3A = arith.constant 0 : i32
      %dma_start3A_102 = tpu.memref_slice %arg9[%add3A_101, %dma_start3A] : memref<256x64xf32, #tpu.memory_space<vmem>> -> memref<1x64xf32, #tpu.memory_space<vmem>>
      %dma_start3A_103 = arith.constant 0 : i32
      %dma_start3A_104 = tpu.memref_slice %arg4[%squeeze3A, %dma_start3A_103] : memref<1000001x64xf32, #tpu.memory_space<hbm>> -> memref<1x64xf32, #tpu.memory_space<hbm>>
      %dma_start3A_105 = arith.constant 0 : i32
      %dma_start3A_106 = tpu.memref_slice %arg9[%add3A_101, %dma_start3A_105] : memref<256x64xf32, #tpu.memory_space<vmem>> -> memref<1x64xf32, #tpu.memory_space<vmem>>
      %dma_start3A_107 = arith.constant 0 : i32
      %dma_start3A_108 = tpu.memref_slice %arg4[%squeeze3A, %dma_start3A_107] : memref<1000001x64xf32, #tpu.memory_space<hbm>> -> memref<1x64xf32, #tpu.memory_space<hbm>>
      tpu.enqueue_dma source(%dma_start3A_108 : memref<1x64xf32, #tpu.memory_space<hbm>>) target(%dma_start3A_106 : memref<1x64xf32, #tpu.memory_space<vmem>>) target_semaphore(%arg11 : memref<!tpu.dma_semaphore, #tpu.memory_space<semaphore_mem>>)
      %slice3A_109 = vector.extract_strided_slice %get3A_97 {offsets = [1], sizes = [1], strides = [1]} : vector<16xi32> to vector<1xi32>
      %squeeze3A_110 = vector.extract %slice3A_109[0] : i32 from vector<1xi32>
      %mul3A_111 = arith.constant 16 : i32
      %mul3A_112 = arith.muli %scan3A_91, %mul3A_111 : i32
      %add3A_113 = arith.constant 1 : i32
      %add3A_114 = arith.addi %mul3A_112, %add3A_113 : i32
      %dma_start3A_115 = arith.constant 0 : i32
      %dma_start3A_116 = tpu.memref_slice %arg9[%add3A_114, %dma_start3A_115] : memref<256x64xf32, #tpu.memory_space<vmem>> -> memref<1x64xf32, #tpu.memory_space<vmem>>
      %dma_start3A_117 = arith.constant 0 : i32
      %dma_start3A_118 = tpu.memref_slice %arg4[%squeeze3A_110, %dma_start3A_117] : memref<1000001x64xf32, #tpu.memory_space<hbm>> -> memref<1x64xf32, #tpu.memory_space<hbm>>
      %dma_start3A_119 = arith.constant 0 : i32
      %dma_start3A_120 = tpu.memref_slice %arg9[%add3A_114, %dma_start3A_119] : memref<256x64xf32, #tpu.memory_space<vmem>> -> memref<1x64xf32, #tpu.memory_space<vmem>>
      %dma_start3A_121 = arith.constant 0 : i32
      %dma_start3A_122 = tpu.memref_slice %arg4[%squeeze3A_110, %dma_start3A_121] : memref<1000001x64xf32, #tpu.memory_space<hbm>> -> memref<1x64xf32, #tpu.memory_space<hbm>>
      tpu.enqueue_dma source(%dma_start3A_122 : memref<1x64xf32, #tpu.memory_space<hbm>>) target(%dma_start3A_120 : memref<1x64xf32, #tpu.memory_space<vmem>>) target_semaphore(%arg11 : memref<!tpu.dma_semaphore, #tpu.memory_space<semaphore_mem>>)
      %slice3A_123 = vector.extract_strided_slice %get3A_97 {offsets = [2], sizes = [1], strides = [1]} : vector<16xi32> to vector<1xi32>
      %squeeze3A_124 = vector.extract %slice3A_123[0] : i32 from vector<1xi32>
      %mul3A_125 = arith.constant 16 : i32
      %mul3A_126 = arith.muli %scan3A_91, %mul3A_125 : i32
      %add3A_127 = arith.constant 2 : i32
      %add3A_128 = arith.addi %mul3A_126, %add3A_127 : i32
      %dma_start3A_129 = arith.constant 0 : i32
      %dma_start3A_130 = tpu.memref_slice %arg9[%add3A_128, %dma_start3A_129] : memref<256x64xf32, #tpu.memory_space<vmem>> -> memref<1x64xf32, #tpu.memory_space<vmem>>
      %dma_start3A_131 = arith.constant 0 : i32
      %dma_start3A_132 = tpu.memref_slice %arg4[%squeeze3A_124, %dma_start3A_131] : memref<1000001x64xf32, #tpu.memory_space<hbm>> -> memref<1x64xf32, #tpu.memory_space<hbm>>
      %dma_start3A_133 = arith.constant 0 : i32
      %dma_start3A_134 = tpu.memref_slice %arg9[%add3A_128, %dma_start3A_133] : memref<256x64xf32, #tpu.memory_space<vmem>> -> memref<1x64xf32, #tpu.memory_space<vmem>>
      %dma_start3A_135 = arith.constant 0 : i32
      %dma_start3A_136 = tpu.memref_slice %arg4[%squeeze3A_124, %dma_start3A_135] : memref<1000001x64xf32, #tpu.memory_space<hbm>> -> memref<1x64xf32, #tpu.memory_space<hbm>>
      tpu.enqueue_dma source(%dma_start3A_136 : memref<1x64xf32, #tpu.memory_space<hbm>>) target(%dma_start3A_134 : memref<1x64xf32, #tpu.memory_space<vmem>>) target_semaphore(%arg11 : memref<!tpu.dma_semaphore, #tpu.memory_space<semaphore_mem>>)
      %slice3A_137 = vector.extract_strided_slice %get3A_97 {offsets = [3], sizes = [1], strides = [1]} : vector<16xi32> to vector<1xi32>
      %squeeze3A_138 = vector.extract %slice3A_137[0] : i32 from vector<1xi32>
      %mul3A_139 = arith.constant 16 : i32
      %mul3A_140 = arith.muli %scan3A_91, %mul3A_139 : i32
      %add3A_141 = arith.constant 3 : i32
      %add3A_142 = arith.addi %mul3A_140, %add3A_141 : i32
      %dma_start3A_143 = arith.constant 0 : i32
      %dma_start3A_144 = tpu.memref_slice %arg9[%add3A_142, %dma_start3A_143] : memref<256x64xf32, #tpu.memory_space<vmem>> -> memref<1x64xf32, #tpu.memory_space<vmem>>
      %dma_start3A_145 = arith.constant 0 : i32
      %dma_start3A_146 = tpu.memref_slice %arg4[%squeeze3A_138, %dma_start3A_145] : memref<1000001x64xf32, #tpu.memory_space<hbm>> -> memref<1x64xf32, #tpu.memory_space<hbm>>
      %dma_start3A_147 = arith.constant 0 : i32
      %dma_start3A_148 = tpu.memref_slice %arg9[%add3A_142, %dma_start3A_147] : memref<256x64xf32, #tpu.memory_space<vmem>> -> memref<1x64xf32, #tpu.memory_space<vmem>>
      %dma_start3A_149 = arith.constant 0 : i32
      %dma_start3A_150 = tpu.memref_slice %arg4[%squeeze3A_138, %dma_start3A_149] : memref<1000001x64xf32, #tpu.memory_space<hbm>> -> memref<1x64xf32, #tpu.memory_space<hbm>>
      tpu.enqueue_dma source(%dma_start3A_150 : memref<1x64xf32, #tpu.memory_space<hbm>>) target(%dma_start3A_148 : memref<1x64xf32, #tpu.memory_space<vmem>>) target_semaphore(%arg11 : memref<!tpu.dma_semaphore, #tpu.memory_space<semaphore_mem>>)
      %slice3A_151 = vector.extract_strided_slice %get3A_97 {offsets = [4], sizes = [1], strides = [1]} : vector<16xi32> to vector<1xi32>
      %squeeze3A_152 = vector.extract %slice3A_151[0] : i32 from vector<1xi32>
      %mul3A_153 = arith.constant 16 : i32
      %mul3A_154 = arith.muli %scan3A_91, %mul3A_153 : i32
      %add3A_155 = arith.constant 4 : i32
      %add3A_156 = arith.addi %mul3A_154, %add3A_155 : i32
      %dma_start3A_157 = arith.constant 0 : i32
      %dma_start3A_158 = tpu.memref_slice %arg9[%add3A_156, %dma_start3A_157] : memref<256x64xf32, #tpu.memory_space<vmem>> -> memref<1x64xf32, #tpu.memory_space<vmem>>
      %dma_start3A_159 = arith.constant 0 : i32
      %dma_start3A_160 = tpu.memref_slice %arg4[%squeeze3A_152, %dma_start3A_159] : memref<1000001x64xf32, #tpu.memory_space<hbm>> -> memref<1x64xf32, #tpu.memory_space<hbm>>
      %dma_start3A_161 = arith.constant 0 : i32
      %dma_start3A_162 = tpu.memref_slice %arg9[%add3A_156, %dma_start3A_161] : memref<256x64xf32, #tpu.memory_space<vmem>> -> memref<1x64xf32, #tpu.memory_space<vmem>>
      %dma_start3A_163 = arith.constant 0 : i32
      %dma_start3A_164 = tpu.memref_slice %arg4[%squeeze3A_152, %dma_start3A_163] : memref<1000001x64xf32, #tpu.memory_space<hbm>> -> memref<1x64xf32, #tpu.memory_space<hbm>>
      tpu.enqueue_dma source(%dma_start3A_164 : memref<1x64xf32, #tpu.memory_space<hbm>>) target(%dma_start3A_162 : memref<1x64xf32, #tpu.memory_space<vmem>>) target_semaphore(%arg11 : memref<!tpu.dma_semaphore, #tpu.memory_space<semaphore_mem>>)
      %slice3A_165 = vector.extract_strided_slice %get3A_97 {offsets = [5], sizes = [1], strides = [1]} : vector<16xi32> to vector<1xi32>
      %squeeze3A_166 = vector.extract %slice3A_165[0] : i32 from vector<1xi32>
      %mul3A_167 = arith.constant 16 : i32
      %mul3A_168 = arith.muli %scan3A_91, %mul3A_167 : i32
      %add3A_169 = arith.constant 5 : i32
      %add3A_170 = arith.addi %mul3A_168, %add3A_169 : i32
      %dma_start3A_171 = arith.constant 0 : i32
      %dma_start3A_172 = tpu.memref_slice %arg9[%add3A_170, %dma_start3A_171] : memref<256x64xf32, #tpu.memory_space<vmem>> -> memref<1x64xf32, #tpu.memory_space<vmem>>
      %dma_start3A_173 = arith.constant 0 : i32
      %dma_start3A_174 = tpu.memref_slice %arg4[%squeeze3A_166, %dma_start3A_173] : memref<1000001x64xf32, #tpu.memory_space<hbm>> -> memref<1x64xf32, #tpu.memory_space<hbm>>
      %dma_start3A_175 = arith.constant 0 : i32
      %dma_start3A_176 = tpu.memref_slice %arg9[%add3A_170, %dma_start3A_175] : memref<256x64xf32, #tpu.memory_space<vmem>> -> memref<1x64xf32, #tpu.memory_space<vmem>>
      %dma_start3A_177 = arith.constant 0 : i32
      %dma_start3A_178 = tpu.memref_slice %arg4[%squeeze3A_166, %dma_start3A_177] : memref<1000001x64xf32, #tpu.memory_space<hbm>> -> memref<1x64xf32, #tpu.memory_space<hbm>>
      tpu.enqueue_dma source(%dma_start3A_178 : memref<1x64xf32, #tpu.memory_space<hbm>>) target(%dma_start3A_176 : memref<1x64xf32, #tpu.memory_space<vmem>>) target_semaphore(%arg11 : memref<!tpu.dma_semaphore, #tpu.memory_space<semaphore_mem>>)
      %slice3A_179 = vector.extract_strided_slice %get3A_97 {offsets = [6], sizes = [1], strides = [1]} : vector<16xi32> to vector<1xi32>
      %squeeze3A_180 = vector.extract %slice3A_179[0] : i32 from vector<1xi32>
      %mul3A_181 = arith.constant 16 : i32
      %mul3A_182 = arith.muli %scan3A_91, %mul3A_181 : i32
      %add3A_183 = arith.constant 6 : i32
      %add3A_184 = arith.addi %mul3A_182, %add3A_183 : i32
      %dma_start3A_185 = arith.constant 0 : i32
      %dma_start3A_186 = tpu.memref_slice %arg9[%add3A_184, %dma_start3A_185] : memref<256x64xf32, #tpu.memory_space<vmem>> -> memref<1x64xf32, #tpu.memory_space<vmem>>
      %dma_start3A_187 = arith.constant 0 : i32
      %dma_start3A_188 = tpu.memref_slice %arg4[%squeeze3A_180, %dma_start3A_187] : memref<1000001x64xf32, #tpu.memory_space<hbm>> -> memref<1x64xf32, #tpu.memory_space<hbm>>
      %dma_start3A_189 = arith.constant 0 : i32
      %dma_start3A_190 = tpu.memref_slice %arg9[%add3A_184, %dma_start3A_189] : memref<256x64xf32, #tpu.memory_space<vmem>> -> memref<1x64xf32, #tpu.memory_space<vmem>>
      %dma_start3A_191 = arith.constant 0 : i32
      %dma_start3A_192 = tpu.memref_slice %arg4[%squeeze3A_180, %dma_start3A_191] : memref<1000001x64xf32, #tpu.memory_space<hbm>> -> memref<1x64xf32, #tpu.memory_space<hbm>>
      tpu.enqueue_dma source(%dma_start3A_192 : memref<1x64xf32, #tpu.memory_space<hbm>>) target(%dma_start3A_190 : memref<1x64xf32, #tpu.memory_space<vmem>>) target_semaphore(%arg11 : memref<!tpu.dma_semaphore, #tpu.memory_space<semaphore_mem>>)
      %slice3A_193 = vector.extract_strided_slice %get3A_97 {offsets = [7], sizes = [1], strides = [1]} : vector<16xi32> to vector<1xi32>
      %squeeze3A_194 = vector.extract %slice3A_193[0] : i32 from vector<1xi32>
      %mul3A_195 = arith.constant 16 : i32
      %mul3A_196 = arith.muli %scan3A_91, %mul3A_195 : i32
      %add3A_197 = arith.constant 7 : i32
      %add3A_198 = arith.addi %mul3A_196, %add3A_197 : i32
      %dma_start3A_199 = arith.constant 0 : i32
      %dma_start3A_200 = tpu.memref_slice %arg9[%add3A_198, %dma_start3A_199] : memref<256x64xf32, #tpu.memory_space<vmem>> -> memref<1x64xf32, #tpu.memory_space<vmem>>
      %dma_start3A_201 = arith.constant 0 : i32
      %dma_start3A_202 = tpu.memref_slice %arg4[%squeeze3A_194, %dma_start3A_201] : memref<1000001x64xf32, #tpu.memory_space<hbm>> -> memref<1x64xf32, #tpu.memory_space<hbm>>
      %dma_start3A_203 = arith.constant 0 : i32
      %dma_start3A_204 = tpu.memref_slice %arg9[%add3A_198, %dma_start3A_203] : memref<256x64xf32, #tpu.memory_space<vmem>> -> memref<1x64xf32, #tpu.memory_space<vmem>>
      %dma_start3A_205 = arith.constant 0 : i32
      %dma_start3A_206 = tpu.memref_slice %arg4[%squeeze3A_194, %dma_start3A_205] : memref<1000001x64xf32, #tpu.memory_space<hbm>> -> memref<1x64xf32, #tpu.memory_space<hbm>>
      tpu.enqueue_dma source(%dma_start3A_206 : memref<1x64xf32, #tpu.memory_space<hbm>>) target(%dma_start3A_204 : memref<1x64xf32, #tpu.memory_space<vmem>>) target_semaphore(%arg11 : memref<!tpu.dma_semaphore, #tpu.memory_space<semaphore_mem>>)
      %slice3A_207 = vector.extract_strided_slice %get3A_97 {offsets = [8], sizes = [1], strides = [1]} : vector<16xi32> to vector<1xi32>
      %squeeze3A_208 = vector.extract %slice3A_207[0] : i32 from vector<1xi32>
      %mul3A_209 = arith.constant 16 : i32
      %mul3A_210 = arith.muli %scan3A_91, %mul3A_209 : i32
      %add3A_211 = arith.constant 8 : i32
      %add3A_212 = arith.addi %mul3A_210, %add3A_211 : i32
      %dma_start3A_213 = arith.constant 0 : i32
      %dma_start3A_214 = tpu.memref_slice %arg9[%add3A_212, %dma_start3A_213] : memref<256x64xf32, #tpu.memory_space<vmem>> -> memref<1x64xf32, #tpu.memory_space<vmem>>
      %dma_start3A_215 = arith.constant 0 : i32
      %dma_start3A_216 = tpu.memref_slice %arg4[%squeeze3A_208, %dma_start3A_215] : memref<1000001x64xf32, #tpu.memory_space<hbm>> -> memref<1x64xf32, #tpu.memory_space<hbm>>
      %dma_start3A_217 = arith.constant 0 : i32
      %dma_start3A_218 = tpu.memref_slice %arg9[%add3A_212, %dma_start3A_217] : memref<256x64xf32, #tpu.memory_space<vmem>> -> memref<1x64xf32, #tpu.memory_space<vmem>>
      %dma_start3A_219 = arith.constant 0 : i32
      %dma_start3A_220 = tpu.memref_slice %arg4[%squeeze3A_208, %dma_start3A_219] : memref<1000001x64xf32, #tpu.memory_space<hbm>> -> memref<1x64xf32, #tpu.memory_space<hbm>>
      tpu.enqueue_dma source(%dma_start3A_220 : memref<1x64xf32, #tpu.memory_space<hbm>>) target(%dma_start3A_218 : memref<1x64xf32, #tpu.memory_space<vmem>>) target_semaphore(%arg11 : memref<!tpu.dma_semaphore, #tpu.memory_space<semaphore_mem>>)
      %slice3A_221 = vector.extract_strided_slice %get3A_97 {offsets = [9], sizes = [1], strides = [1]} : vector<16xi32> to vector<1xi32>
      %squeeze3A_222 = vector.extract %slice3A_221[0] : i32 from vector<1xi32>
      %mul3A_223 = arith.constant 16 : i32
      %mul3A_224 = arith.muli %scan3A_91, %mul3A_223 : i32
      %add3A_225 = arith.constant 9 : i32
      %add3A_226 = arith.addi %mul3A_224, %add3A_225 : i32
      %dma_start3A_227 = arith.constant 0 : i32
      %dma_start3A_228 = tpu.memref_slice %arg9[%add3A_226, %dma_start3A_227] : memref<256x64xf32, #tpu.memory_space<vmem>> -> memref<1x64xf32, #tpu.memory_space<vmem>>
      %dma_start3A_229 = arith.constant 0 : i32
      %dma_start3A_230 = tpu.memref_slice %arg4[%squeeze3A_222, %dma_start3A_229] : memref<1000001x64xf32, #tpu.memory_space<hbm>> -> memref<1x64xf32, #tpu.memory_space<hbm>>
      %dma_start3A_231 = arith.constant 0 : i32
      %dma_start3A_232 = tpu.memref_slice %arg9[%add3A_226, %dma_start3A_231] : memref<256x64xf32, #tpu.memory_space<vmem>> -> memref<1x64xf32, #tpu.memory_space<vmem>>
      %dma_start3A_233 = arith.constant 0 : i32
      %dma_start3A_234 = tpu.memref_slice %arg4[%squeeze3A_222, %dma_start3A_233] : memref<1000001x64xf32, #tpu.memory_space<hbm>> -> memref<1x64xf32, #tpu.memory_space<hbm>>
      tpu.enqueue_dma source(%dma_start3A_234 : memref<1x64xf32, #tpu.memory_space<hbm>>) target(%dma_start3A_232 : memref<1x64xf32, #tpu.memory_space<vmem>>) target_semaphore(%arg11 : memref<!tpu.dma_semaphore, #tpu.memory_space<semaphore_mem>>)
      %slice3A_235 = vector.extract_strided_slice %get3A_97 {offsets = [10], sizes = [1], strides = [1]} : vector<16xi32> to vector<1xi32>
      %squeeze3A_236 = vector.extract %slice3A_235[0] : i32 from vector<1xi32>
      %mul3A_237 = arith.constant 16 : i32
      %mul3A_238 = arith.muli %scan3A_91, %mul3A_237 : i32
      %add3A_239 = arith.constant 10 : i32
      %add3A_240 = arith.addi %mul3A_238, %add3A_239 : i32
      %dma_start3A_241 = arith.constant 0 : i32
      %dma_start3A_242 = tpu.memref_slice %arg9[%add3A_240, %dma_start3A_241] : memref<256x64xf32, #tpu.memory_space<vmem>> -> memref<1x64xf32, #tpu.memory_space<vmem>>
      %dma_start3A_243 = arith.constant 0 : i32
      %dma_start3A_244 = tpu.memref_slice %arg4[%squeeze3A_236, %dma_start3A_243] : memref<1000001x64xf32, #tpu.memory_space<hbm>> -> memref<1x64xf32, #tpu.memory_space<hbm>>
      %dma_start3A_245 = arith.constant 0 : i32
      %dma_start3A_246 = tpu.memref_slice %arg9[%add3A_240, %dma_start3A_245] : memref<256x64xf32, #tpu.memory_space<vmem>> -> memref<1x64xf32, #tpu.memory_space<vmem>>
      %dma_start3A_247 = arith.constant 0 : i32
      %dma_start3A_248 = tpu.memref_slice %arg4[%squeeze3A_236, %dma_start3A_247] : memref<1000001x64xf32, #tpu.memory_space<hbm>> -> memref<1x64xf32, #tpu.memory_space<hbm>>
      tpu.enqueue_dma source(%dma_start3A_248 : memref<1x64xf32, #tpu.memory_space<hbm>>) target(%dma_start3A_246 : memref<1x64xf32, #tpu.memory_space<vmem>>) target_semaphore(%arg11 : memref<!tpu.dma_semaphore, #tpu.memory_space<semaphore_mem>>)
      %slice3A_249 = vector.extract_strided_slice %get3A_97 {offsets = [11], sizes = [1], strides = [1]} : vector<16xi32> to vector<1xi32>
      %squeeze3A_250 = vector.extract %slice3A_249[0] : i32 from vector<1xi32>
      %mul3A_251 = arith.constant 16 : i32
      %mul3A_252 = arith.muli %scan3A_91, %mul3A_251 : i32
      %add3A_253 = arith.constant 11 : i32
      %add3A_254 = arith.addi %mul3A_252, %add3A_253 : i32
      %dma_start3A_255 = arith.constant 0 : i32
      %dma_start3A_256 = tpu.memref_slice %arg9[%add3A_254, %dma_start3A_255] : memref<256x64xf32, #tpu.memory_space<vmem>> -> memref<1x64xf32, #tpu.memory_space<vmem>>
      %dma_start3A_257 = arith.constant 0 : i32
      %dma_start3A_258 = tpu.memref_slice %arg4[%squeeze3A_250, %dma_start3A_257] : memref<1000001x64xf32, #tpu.memory_space<hbm>> -> memref<1x64xf32, #tpu.memory_space<hbm>>
      %dma_start3A_259 = arith.constant 0 : i32
      %dma_start3A_260 = tpu.memref_slice %arg9[%add3A_254, %dma_start3A_259] : memref<256x64xf32, #tpu.memory_space<vmem>> -> memref<1x64xf32, #tpu.memory_space<vmem>>
      %dma_start3A_261 = arith.constant 0 : i32
      %dma_start3A_262 = tpu.memref_slice %arg4[%squeeze3A_250, %dma_start3A_261] : memref<1000001x64xf32, #tpu.memory_space<hbm>> -> memref<1x64xf32, #tpu.memory_space<hbm>>
      tpu.enqueue_dma source(%dma_start3A_262 : memref<1x64xf32, #tpu.memory_space<hbm>>) target(%dma_start3A_260 : memref<1x64xf32, #tpu.memory_space<vmem>>) target_semaphore(%arg11 : memref<!tpu.dma_semaphore, #tpu.memory_space<semaphore_mem>>)
      %slice3A_263 = vector.extract_strided_slice %get3A_97 {offsets = [12], sizes = [1], strides = [1]} : vector<16xi32> to vector<1xi32>
      %squeeze3A_264 = vector.extract %slice3A_263[0] : i32 from vector<1xi32>
      %mul3A_265 = arith.constant 16 : i32
      %mul3A_266 = arith.muli %scan3A_91, %mul3A_265 : i32
      %add3A_267 = arith.constant 12 : i32
      %add3A_268 = arith.addi %mul3A_266, %add3A_267 : i32
      %dma_start3A_269 = arith.constant 0 : i32
      %dma_start3A_270 = tpu.memref_slice %arg9[%add3A_268, %dma_start3A_269] : memref<256x64xf32, #tpu.memory_space<vmem>> -> memref<1x64xf32, #tpu.memory_space<vmem>>
      %dma_start3A_271 = arith.constant 0 : i32
      %dma_start3A_272 = tpu.memref_slice %arg4[%squeeze3A_264, %dma_start3A_271] : memref<1000001x64xf32, #tpu.memory_space<hbm>> -> memref<1x64xf32, #tpu.memory_space<hbm>>
      %dma_start3A_273 = arith.constant 0 : i32
      %dma_start3A_274 = tpu.memref_slice %arg9[%add3A_268, %dma_start3A_273] : memref<256x64xf32, #tpu.memory_space<vmem>> -> memref<1x64xf32, #tpu.memory_space<vmem>>
      %dma_start3A_275 = arith.constant 0 : i32
      %dma_start3A_276 = tpu.memref_slice %arg4[%squeeze3A_264, %dma_start3A_275] : memref<1000001x64xf32, #tpu.memory_space<hbm>> -> memref<1x64xf32, #tpu.memory_space<hbm>>
      tpu.enqueue_dma source(%dma_start3A_276 : memref<1x64xf32, #tpu.memory_space<hbm>>) target(%dma_start3A_274 : memref<1x64xf32, #tpu.memory_space<vmem>>) target_semaphore(%arg11 : memref<!tpu.dma_semaphore, #tpu.memory_space<semaphore_mem>>)
      %slice3A_277 = vector.extract_strided_slice %get3A_97 {offsets = [13], sizes = [1], strides = [1]} : vector<16xi32> to vector<1xi32>
      %squeeze3A_278 = vector.extract %slice3A_277[0] : i32 from vector<1xi32>
      %mul3A_279 = arith.constant 16 : i32
      %mul3A_280 = arith.muli %scan3A_91, %mul3A_279 : i32
      %add3A_281 = arith.constant 13 : i32
      %add3A_282 = arith.addi %mul3A_280, %add3A_281 : i32
      %dma_start3A_283 = arith.constant 0 : i32
      %dma_start3A_284 = tpu.memref_slice %arg9[%add3A_282, %dma_start3A_283] : memref<256x64xf32, #tpu.memory_space<vmem>> -> memref<1x64xf32, #tpu.memory_space<vmem>>
      %dma_start3A_285 = arith.constant 0 : i32
      %dma_start3A_286 = tpu.memref_slice %arg4[%squeeze3A_278, %dma_start3A_285] : memref<1000001x64xf32, #tpu.memory_space<hbm>> -> memref<1x64xf32, #tpu.memory_space<hbm>>
      %dma_start3A_287 = arith.constant 0 : i32
      %dma_start3A_288 = tpu.memref_slice %arg9[%add3A_282, %dma_start3A_287] : memref<256x64xf32, #tpu.memory_space<vmem>> -> memref<1x64xf32, #tpu.memory_space<vmem>>
      %dma_start3A_289 = arith.constant 0 : i32
      %dma_start3A_290 = tpu.memref_slice %arg4[%squeeze3A_278, %dma_start3A_289] : memref<1000001x64xf32, #tpu.memory_space<hbm>> -> memref<1x64xf32, #tpu.memory_space<hbm>>
      tpu.enqueue_dma source(%dma_start3A_290 : memref<1x64xf32, #tpu.memory_space<hbm>>) target(%dma_start3A_288 : memref<1x64xf32, #tpu.memory_space<vmem>>) target_semaphore(%arg11 : memref<!tpu.dma_semaphore, #tpu.memory_space<semaphore_mem>>)
      %slice3A_291 = vector.extract_strided_slice %get3A_97 {offsets = [14], sizes = [1], strides = [1]} : vector<16xi32> to vector<1xi32>
      %squeeze3A_292 = vector.extract %slice3A_291[0] : i32 from vector<1xi32>
      %mul3A_293 = arith.constant 16 : i32
      %mul3A_294 = arith.muli %scan3A_91, %mul3A_293 : i32
      %add3A_295 = arith.constant 14 : i32
      %add3A_296 = arith.addi %mul3A_294, %add3A_295 : i32
      %dma_start3A_297 = arith.constant 0 : i32
      %dma_start3A_298 = tpu.memref_slice %arg9[%add3A_296, %dma_start3A_297] : memref<256x64xf32, #tpu.memory_space<vmem>> -> memref<1x64xf32, #tpu.memory_space<vmem>>
      %dma_start3A_299 = arith.constant 0 : i32
      %dma_start3A_300 = tpu.memref_slice %arg4[%squeeze3A_292, %dma_start3A_299] : memref<1000001x64xf32, #tpu.memory_space<hbm>> -> memref<1x64xf32, #tpu.memory_space<hbm>>
      %dma_start3A_301 = arith.constant 0 : i32
      %dma_start3A_302 = tpu.memref_slice %arg9[%add3A_296, %dma_start3A_301] : memref<256x64xf32, #tpu.memory_space<vmem>> -> memref<1x64xf32, #tpu.memory_space<vmem>>
      %dma_start3A_303 = arith.constant 0 : i32
      %dma_start3A_304 = tpu.memref_slice %arg4[%squeeze3A_292, %dma_start3A_303] : memref<1000001x64xf32, #tpu.memory_space<hbm>> -> memref<1x64xf32, #tpu.memory_space<hbm>>
      tpu.enqueue_dma source(%dma_start3A_304 : memref<1x64xf32, #tpu.memory_space<hbm>>) target(%dma_start3A_302 : memref<1x64xf32, #tpu.memory_space<vmem>>) target_semaphore(%arg11 : memref<!tpu.dma_semaphore, #tpu.memory_space<semaphore_mem>>)
      %slice3A_305 = vector.extract_strided_slice %get3A_97 {offsets = [15], sizes = [1], strides = [1]} : vector<16xi32> to vector<1xi32>
      %squeeze3A_306 = vector.extract %slice3A_305[0] : i32 from vector<1xi32>
      %mul3A_307 = arith.constant 16 : i32
      %mul3A_308 = arith.muli %scan3A_91, %mul3A_307 : i32
      %add3A_309 = arith.constant 15 : i32
      %add3A_310 = arith.addi %mul3A_308, %add3A_309 : i32
      %dma_start3A_311 = arith.constant 0 : i32
      %dma_start3A_312 = tpu.memref_slice %arg9[%add3A_310, %dma_start3A_311] : memref<256x64xf32, #tpu.memory_space<vmem>> -> memref<1x64xf32, #tpu.memory_space<vmem>>
      %dma_start3A_313 = arith.constant 0 : i32
      %dma_start3A_314 = tpu.memref_slice %arg4[%squeeze3A_306, %dma_start3A_313] : memref<1000001x64xf32, #tpu.memory_space<hbm>> -> memref<1x64xf32, #tpu.memory_space<hbm>>
      %dma_start3A_315 = arith.constant 0 : i32
      %dma_start3A_316 = tpu.memref_slice %arg9[%add3A_310, %dma_start3A_315] : memref<256x64xf32, #tpu.memory_space<vmem>> -> memref<1x64xf32, #tpu.memory_space<vmem>>
      %dma_start3A_317 = arith.constant 0 : i32
      %dma_start3A_318 = tpu.memref_slice %arg4[%squeeze3A_306, %dma_start3A_317] : memref<1000001x64xf32, #tpu.memory_space<hbm>> -> memref<1x64xf32, #tpu.memory_space<hbm>>
      tpu.enqueue_dma source(%dma_start3A_318 : memref<1x64xf32, #tpu.memory_space<hbm>>) target(%dma_start3A_316 : memref<1x64xf32, #tpu.memory_space<vmem>>) target_semaphore(%arg11 : memref<!tpu.dma_semaphore, #tpu.memory_space<semaphore_mem>>)
      %gt3A = arith.constant 0 : i32
      %gt3A_319 = arith.cmpi sgt, %scan3A_91, %gt3A : i32
      %convert_element_type3A = arith.extui %gt3A_319 : i1 to i32
      %cond3A = arith.constant 0 : i32
      %cond3A_320 = arith.cmpi ne, %convert_element_type3A, %cond3A : i32
      scf.if %cond3A_320 {
        %sub3A = arith.constant 1 : i32
        %sub3A_321 = arith.subi %scan3A_91, %sub3A : i32
        %mul3A_322 = arith.constant 16 : i32
        %mul3A_323 = arith.muli %sub3A_321, %mul3A_322 : i32
        %dma_wait3A_324 = arith.constant 0 : i32
        %dma_wait3A_325 = tpu.memref_slice %arg9[%mul3A_323, %dma_wait3A_324] : memref<256x64xf32, #tpu.memory_space<vmem>> -> memref<16x64xf32, #tpu.memory_space<vmem>>
        %dma_wait3A_326 = arith.constant 0 : i32
        %dma_wait3A_327 = arith.constant 0 : i32
        %dma_wait3A_328 = tpu.memref_slice %arg4[%dma_wait3A_326, %dma_wait3A_327] : memref<1000001x64xf32, #tpu.memory_space<hbm>> -> memref<16x64xf32, #tpu.memory_space<hbm>>
        %dma_wait3A_329 = arith.constant 0 : i32
        %dma_wait3A_330 = tpu.memref_slice %arg9[%mul3A_323, %dma_wait3A_329] : memref<256x64xf32, #tpu.memory_space<vmem>> -> memref<16x64xf32, #tpu.memory_space<vmem>>
        %dma_wait3A_331 = arith.constant 0 : i32
        %dma_wait3A_332 = arith.constant 0 : i32
        %dma_wait3A_333 = tpu.memref_slice %arg4[%dma_wait3A_331, %dma_wait3A_332] : memref<1000001x64xf32, #tpu.memory_space<hbm>> -> memref<16x64xf32, #tpu.memory_space<hbm>>
        tpu.wait_dma2 semaphore(%arg11 : memref<!tpu.dma_semaphore, #tpu.memory_space<semaphore_mem>>) src(%dma_wait3A_333 : memref<16x64xf32, #tpu.memory_space<hbm>>) dst(%dma_wait3A_330 : memref<16x64xf32, #tpu.memory_space<vmem>>)
      } else {
      }
    }
    %scan3A_24 = arith.constant 16 : i32
    %dma_wait3A_25 = arith.constant 240 : i32
    %dma_wait3A_26 = arith.constant 0 : i32
    %dma_wait3A_27 = tpu.memref_slice %arg9[%dma_wait3A_25, %dma_wait3A_26] : memref<256x64xf32, #tpu.memory_space<vmem>> -> memref<16x64xf32, #tpu.memory_space<vmem>>
    %dma_wait3A_28 = arith.constant 0 : i32
    %dma_wait3A_29 = arith.constant 0 : i32
    %dma_wait3A_30 = tpu.memref_slice %arg4[%dma_wait3A_28, %dma_wait3A_29] : memref<1000001x64xf32, #tpu.memory_space<hbm>> -> memref<16x64xf32, #tpu.memory_space<hbm>>
    %dma_wait3A_31 = arith.constant 240 : i32
    %dma_wait3A_32 = arith.constant 0 : i32
    %dma_wait3A_33 = tpu.memref_slice %arg9[%dma_wait3A_31, %dma_wait3A_32] : memref<256x64xf32, #tpu.memory_space<vmem>> -> memref<16x64xf32, #tpu.memory_space<vmem>>
    %dma_wait3A_34 = arith.constant 0 : i32
    %dma_wait3A_35 = arith.constant 0 : i32
    %dma_wait3A_36 = tpu.memref_slice %arg4[%dma_wait3A_34, %dma_wait3A_35] : memref<1000001x64xf32, #tpu.memory_space<hbm>> -> memref<16x64xf32, #tpu.memory_space<hbm>>
    tpu.wait_dma2 semaphore(%arg11 : memref<!tpu.dma_semaphore, #tpu.memory_space<semaphore_mem>>) src(%dma_wait3A_36 : memref<16x64xf32, #tpu.memory_space<hbm>>) dst(%dma_wait3A_33 : memref<16x64xf32, #tpu.memory_space<vmem>>)
    "tpu.region"() ({
      %run_scoped3A = tpu.sem_alloc : memref<!tpu.dma_semaphore, #tpu.memory_space<semaphore_mem>>
      %dma_start3A = arith.constant 0 : i32
      %dma_start3A_91 = tpu.memref_slice %arg5[%mul3A_2, %dma_start3A] : memref<16384x64xf32, #tpu.memory_space<hbm>> -> memref<256x64xf32, #tpu.memory_space<hbm>>
      %dma_start3A_92 = arith.constant 0 : i32
      %dma_start3A_93 = tpu.memref_slice %arg5[%mul3A_2, %dma_start3A_92] : memref<16384x64xf32, #tpu.memory_space<hbm>> -> memref<256x64xf32, #tpu.memory_space<hbm>>
      tpu.enqueue_dma source(%arg8 : memref<256x64xf32, #tpu.memory_space<vmem>>) target(%dma_start3A_93 : memref<256x64xf32, #tpu.memory_space<hbm>>) target_semaphore(%run_scoped3A : memref<!tpu.dma_semaphore, #tpu.memory_space<semaphore_mem>>)
      %dma_wait3A_94 = arith.constant 0 : i32
      %dma_wait3A_95 = tpu.memref_slice %arg5[%mul3A_2, %dma_wait3A_94] : memref<16384x64xf32, #tpu.memory_space<hbm>> -> memref<256x64xf32, #tpu.memory_space<hbm>>
      %dma_wait3A_96 = arith.constant 0 : i32
      %dma_wait3A_97 = tpu.memref_slice %arg5[%mul3A_2, %dma_wait3A_96] : memref<16384x64xf32, #tpu.memory_space<hbm>> -> memref<256x64xf32, #tpu.memory_space<hbm>>
      tpu.wait_dma2 semaphore(%run_scoped3A : memref<!tpu.dma_semaphore, #tpu.memory_space<semaphore_mem>>) src(%arg8 : memref<256x64xf32, #tpu.memory_space<vmem>>) dst(%dma_wait3A_97 : memref<256x64xf32, #tpu.memory_space<hbm>>)
      tpu.yield
    }) : () -> ()
    %add3A_37 = arith.constant 256 : i32
    %add3A_38 = arith.addi %mul3A_2, %add3A_37 : i32
    "tpu.region"() ({
      %run_scoped3A = tpu.sem_alloc : memref<!tpu.dma_semaphore, #tpu.memory_space<semaphore_mem>>
      %dma_start3A = arith.constant 0 : i32
      %dma_start3A_91 = tpu.memref_slice %arg5[%add3A_38, %dma_start3A] : memref<16384x64xf32, #tpu.memory_space<hbm>> -> memref<256x64xf32, #tpu.memory_space<hbm>>
      %dma_start3A_92 = arith.constant 0 : i32
      %dma_start3A_93 = tpu.memref_slice %arg5[%add3A_38, %dma_start3A_92] : memref<16384x64xf32, #tpu.memory_space<hbm>> -> memref<256x64xf32, #tpu.memory_space<hbm>>
      tpu.enqueue_dma source(%arg9 : memref<256x64xf32, #tpu.memory_space<vmem>>) target(%dma_start3A_93 : memref<256x64xf32, #tpu.memory_space<hbm>>) target_semaphore(%run_scoped3A : memref<!tpu.dma_semaphore, #tpu.memory_space<semaphore_mem>>)
      %dma_wait3A_94 = arith.constant 0 : i32
      %dma_wait3A_95 = tpu.memref_slice %arg5[%add3A_38, %dma_wait3A_94] : memref<16384x64xf32, #tpu.memory_space<hbm>> -> memref<256x64xf32, #tpu.memory_space<hbm>>
      %dma_wait3A_96 = arith.constant 0 : i32
      %dma_wait3A_97 = tpu.memref_slice %arg5[%add3A_38, %dma_wait3A_96] : memref<16384x64xf32, #tpu.memory_space<hbm>> -> memref<256x64xf32, #tpu.memory_space<hbm>>
      tpu.wait_dma2 semaphore(%run_scoped3A : memref<!tpu.dma_semaphore, #tpu.memory_space<semaphore_mem>>) src(%arg9 : memref<256x64xf32, #tpu.memory_space<vmem>>) dst(%dma_wait3A_97 : memref<256x64xf32, #tpu.memory_space<hbm>>)
      tpu.yield
    }) : () -> ()
    %add3A_39 = arith.constant 0 : i32
    %add3A_40 = arith.addi %mul3A_2, %add3A_39 : i32
    "tpu.region"() ({
      %run_scoped3A = tpu.sem_alloc : memref<!tpu.dma_semaphore, #tpu.memory_space<semaphore_mem>>
      %dma_start3A = arith.constant 0 : i32
      %dma_start3A_91 = tpu.memref_slice %arg3[%add3A_40, %dma_start3A] : memref<16384x64xf32, #tpu.memory_space<hbm>> -> memref<256x64xf32, #tpu.memory_space<hbm>>
      %dma_start3A_92 = arith.constant 0 : i32
      %dma_start3A_93 = tpu.memref_slice %arg3[%add3A_40, %dma_start3A_92] : memref<16384x64xf32, #tpu.memory_space<hbm>> -> memref<256x64xf32, #tpu.memory_space<hbm>>
      tpu.enqueue_dma source(%dma_start3A_93 : memref<256x64xf32, #tpu.memory_space<hbm>>) target(%arg10 : memref<256x64xf32, #tpu.memory_space<vmem>>) target_semaphore(%run_scoped3A : memref<!tpu.dma_semaphore, #tpu.memory_space<semaphore_mem>>)
      %dma_wait3A_94 = arith.constant 0 : i32
      %dma_wait3A_95 = tpu.memref_slice %arg3[%add3A_40, %dma_wait3A_94] : memref<16384x64xf32, #tpu.memory_space<hbm>> -> memref<256x64xf32, #tpu.memory_space<hbm>>
      %dma_wait3A_96 = arith.constant 0 : i32
      %dma_wait3A_97 = tpu.memref_slice %arg3[%add3A_40, %dma_wait3A_96] : memref<16384x64xf32, #tpu.memory_space<hbm>> -> memref<256x64xf32, #tpu.memory_space<hbm>>
      tpu.wait_dma2 semaphore(%run_scoped3A : memref<!tpu.dma_semaphore, #tpu.memory_space<semaphore_mem>>) src(%dma_wait3A_97 : memref<256x64xf32, #tpu.memory_space<hbm>>) dst(%arg10 : memref<256x64xf32, #tpu.memory_space<vmem>>)
      tpu.yield
    }) : () -> ()
    %scan3A_41 = arith.constant 0 : i32
    %scan3A_42 = arith.constant 0 : i32
    %scan3A_43 = arith.constant 256 : i32
    %scan3A_44 = arith.addi %scan3A_42, %scan3A_43 : i32
    %scan3A_45 = arith.constant 1 : i32
    scf.for %scan3A_91 = %scan3A_42 to %scan3A_44 step %scan3A_45  : i32 {
      %get3A = arith.index_cast %scan3A_91 : i32 to index
      %get3A_92 = arith.constant 0 : index
      %get3A_93 = tpu.vector_load %arg8[%get3A, %get3A_92] {strides = array<i32>} : memref<256x64xf32, #tpu.memory_space<vmem>>, vector<1x16xf32>,
      %get3A_94 = vector.shape_cast %get3A_93 : vector<1x16xf32> to vector<16xf32>
      %mul3A_95 = arith.constant 0.899999976 : f32
      %mul3A_96 = vector.broadcast %mul3A_95 : f32 to vector<16xf32>
      %mul3A_97 = arith.mulf %get3A_94, %mul3A_96 : vector<16xf32>
      %get3A_98 = arith.index_cast %scan3A_91 : i32 to index
      %get3A_99 = arith.constant 0 : index
      %get3A_100 = tpu.vector_load %arg10[%get3A_98, %get3A_99] {strides = array<i32>} : memref<256x64xf32, #tpu.memory_space<vmem>>, vector<1x16xf32>,
      %get3A_101 = vector.shape_cast %get3A_100 : vector<1x16xf32> to vector<16xf32>
      %mul3A_102 = arith.constant 1.000000e-01 : f32
      %mul3A_103 = vector.broadcast %mul3A_102 : f32 to vector<16xf32>
      %mul3A_104 = arith.mulf %get3A_101, %mul3A_103 : vector<16xf32>
      %add3A_105 = arith.addf %mul3A_97, %mul3A_104 : vector<16xf32>
      %swap3A = arith.index_cast %scan3A_91 : i32 to index
      %swap3A_106 = arith.constant 0 : index
      %swap3A_107 = tpu.vector_load %arg8[%swap3A, %swap3A_106] {strides = array<i32>} : memref<256x64xf32, #tpu.memory_space<vmem>>, vector<1x16xf32>,
      %swap3A_108 = vector.shape_cast %swap3A_107 : vector<1x16xf32> to vector<16xf32>
      %swap3A_109 = vector.shape_cast %add3A_105 : vector<16xf32> to vector<1x16xf32>
      tpu.vector_store %arg8[%swap3A, %swap3A_106], %swap3A_109 {strides = array<i32>} : memref<256x64xf32, #tpu.memory_space<vmem>>, vector<1x16xf32>,
      %get3A_110 = arith.index_cast %scan3A_91 : i32 to index
      %get3A_111 = arith.constant 16 : index
      %get3A_112 = tpu.vector_load %arg8[%get3A_110, %get3A_111] {strides = array<i32>} : memref<256x64xf32, #tpu.memory_space<vmem>>, vector<1x16xf32>,
      %get3A_113 = vector.shape_cast %get3A_112 : vector<1x16xf32> to vector<16xf32>
      %mul3A_114 = arith.constant 0.899999976 : f32
      %mul3A_115 = vector.broadcast %mul3A_114 : f32 to vector<16xf32>
      %mul3A_116 = arith.mulf %get3A_113, %mul3A_115 : vector<16xf32>
      %get3A_117 = arith.index_cast %scan3A_91 : i32 to index
      %get3A_118 = arith.constant 16 : index
      %get3A_119 = tpu.vector_load %arg10[%get3A_117, %get3A_118] {strides = array<i32>} : memref<256x64xf32, #tpu.memory_space<vmem>>, vector<1x16xf32>,
      %get3A_120 = vector.shape_cast %get3A_119 : vector<1x16xf32> to vector<16xf32>
      %mul3A_121 = arith.constant 1.000000e-01 : f32
      %mul3A_122 = vector.broadcast %mul3A_121 : f32 to vector<16xf32>
      %mul3A_123 = arith.mulf %get3A_120, %mul3A_122 : vector<16xf32>
      %add3A_124 = arith.addf %mul3A_116, %mul3A_123 : vector<16xf32>
      %swap3A_125 = arith.index_cast %scan3A_91 : i32 to index
      %swap3A_126 = arith.constant 16 : index
      %swap3A_127 = tpu.vector_load %arg8[%swap3A_125, %swap3A_126] {strides = array<i32>} : memref<256x64xf32, #tpu.memory_space<vmem>>, vector<1x16xf32>,
      %swap3A_128 = vector.shape_cast %swap3A_127 : vector<1x16xf32> to vector<16xf32>
      %swap3A_129 = vector.shape_cast %add3A_124 : vector<16xf32> to vector<1x16xf32>
      tpu.vector_store %arg8[%swap3A_125, %swap3A_126], %swap3A_129 {strides = array<i32>} : memref<256x64xf32, #tpu.memory_space<vmem>>, vector<1x16xf32>,
      %get3A_130 = arith.index_cast %scan3A_91 : i32 to index
      %get3A_131 = arith.constant 32 : index
      %get3A_132 = tpu.vector_load %arg8[%get3A_130, %get3A_131] {strides = array<i32>} : memref<256x64xf32, #tpu.memory_space<vmem>>, vector<1x16xf32>,
      %get3A_133 = vector.shape_cast %get3A_132 : vector<1x16xf32> to vector<16xf32>
      %mul3A_134 = arith.constant 0.899999976 : f32
      %mul3A_135 = vector.broadcast %mul3A_134 : f32 to vector<16xf32>
      %mul3A_136 = arith.mulf %get3A_133, %mul3A_135 : vector<16xf32>
      %get3A_137 = arith.index_cast %scan3A_91 : i32 to index
      %get3A_138 = arith.constant 32 : index
      %get3A_139 = tpu.vector_load %arg10[%get3A_137, %get3A_138] {strides = array<i32>} : memref<256x64xf32, #tpu.memory_space<vmem>>, vector<1x16xf32>,
      %get3A_140 = vector.shape_cast %get3A_139 : vector<1x16xf32> to vector<16xf32>
      %mul3A_141 = arith.constant 1.000000e-01 : f32
      %mul3A_142 = vector.broadcast %mul3A_141 : f32 to vector<16xf32>
      %mul3A_143 = arith.mulf %get3A_140, %mul3A_142 : vector<16xf32>
      %add3A_144 = arith.addf %mul3A_136, %mul3A_143 : vector<16xf32>
      %swap3A_145 = arith.index_cast %scan3A_91 : i32 to index
      %swap3A_146 = arith.constant 32 : index
      %swap3A_147 = tpu.vector_load %arg8[%swap3A_145, %swap3A_146] {strides = array<i32>} : memref<256x64xf32, #tpu.memory_space<vmem>>, vector<1x16xf32>,
      %swap3A_148 = vector.shape_cast %swap3A_147 : vector<1x16xf32> to vector<16xf32>
      %swap3A_149 = vector.shape_cast %add3A_144 : vector<16xf32> to vector<1x16xf32>
      tpu.vector_store %arg8[%swap3A_145, %swap3A_146], %swap3A_149 {strides = array<i32>} : memref<256x64xf32, #tpu.memory_space<vmem>>, vector<1x16xf32>,
      %get3A_150 = arith.index_cast %scan3A_91 : i32 to index
      %get3A_151 = arith.constant 48 : index
      %get3A_152 = tpu.vector_load %arg8[%get3A_150, %get3A_151] {strides = array<i32>} : memref<256x64xf32, #tpu.memory_space<vmem>>, vector<1x16xf32>,
      %get3A_153 = vector.shape_cast %get3A_152 : vector<1x16xf32> to vector<16xf32>
      %mul3A_154 = arith.constant 0.899999976 : f32
      %mul3A_155 = vector.broadcast %mul3A_154 : f32 to vector<16xf32>
      %mul3A_156 = arith.mulf %get3A_153, %mul3A_155 : vector<16xf32>
      %get3A_157 = arith.index_cast %scan3A_91 : i32 to index
      %get3A_158 = arith.constant 48 : index
      %get3A_159 = tpu.vector_load %arg10[%get3A_157, %get3A_158] {strides = array<i32>} : memref<256x64xf32, #tpu.memory_space<vmem>>, vector<1x16xf32>,
      %get3A_160 = vector.shape_cast %get3A_159 : vector<1x16xf32> to vector<16xf32>
      %mul3A_161 = arith.constant 1.000000e-01 : f32
      %mul3A_162 = vector.broadcast %mul3A_161 : f32 to vector<16xf32>
      %mul3A_163 = arith.mulf %get3A_160, %mul3A_162 : vector<16xf32>
      %add3A_164 = arith.addf %mul3A_156, %mul3A_163 : vector<16xf32>
      %swap3A_165 = arith.index_cast %scan3A_91 : i32 to index
      %swap3A_166 = arith.constant 48 : index
      %swap3A_167 = tpu.vector_load %arg8[%swap3A_165, %swap3A_166] {strides = array<i32>} : memref<256x64xf32, #tpu.memory_space<vmem>>, vector<1x16xf32>,
      %swap3A_168 = vector.shape_cast %swap3A_167 : vector<1x16xf32> to vector<16xf32>
      %swap3A_169 = vector.shape_cast %add3A_164 : vector<16xf32> to vector<1x16xf32>
      tpu.vector_store %arg8[%swap3A_165, %swap3A_166], %swap3A_169 {strides = array<i32>} : memref<256x64xf32, #tpu.memory_space<vmem>>, vector<1x16xf32>,
    }
    %scan3A_46 = arith.constant 256 : i32
    %add3A_47 = arith.constant 256 : i32
    %add3A_48 = arith.addi %mul3A_2, %add3A_47 : i32
    "tpu.region"() ({
      %run_scoped3A = tpu.sem_alloc : memref<!tpu.dma_semaphore, #tpu.memory_space<semaphore_mem>>
      %dma_start3A = arith.constant 0 : i32
      %dma_start3A_91 = tpu.memref_slice %arg3[%add3A_48, %dma_start3A] : memref<16384x64xf32, #tpu.memory_space<hbm>> -> memref<256x64xf32, #tpu.memory_space<hbm>>
      %dma_start3A_92 = arith.constant 0 : i32
      %dma_start3A_93 = tpu.memref_slice %arg3[%add3A_48, %dma_start3A_92] : memref<16384x64xf32, #tpu.memory_space<hbm>> -> memref<256x64xf32, #tpu.memory_space<hbm>>
      tpu.enqueue_dma source(%dma_start3A_93 : memref<256x64xf32, #tpu.memory_space<hbm>>) target(%arg10 : memref<256x64xf32, #tpu.memory_space<vmem>>) target_semaphore(%run_scoped3A : memref<!tpu.dma_semaphore, #tpu.memory_space<semaphore_mem>>)
      %dma_wait3A_94 = arith.constant 0 : i32
      %dma_wait3A_95 = tpu.memref_slice %arg3[%add3A_48, %dma_wait3A_94] : memref<16384x64xf32, #tpu.memory_space<hbm>> -> memref<256x64xf32, #tpu.memory_space<hbm>>
      %dma_wait3A_96 = arith.constant 0 : i32
      %dma_wait3A_97 = tpu.memref_slice %arg3[%add3A_48, %dma_wait3A_96] : memref<16384x64xf32, #tpu.memory_space<hbm>> -> memref<256x64xf32, #tpu.memory_space<hbm>>
      tpu.wait_dma2 semaphore(%run_scoped3A : memref<!tpu.dma_semaphore, #tpu.memory_space<semaphore_mem>>) src(%dma_wait3A_97 : memref<256x64xf32, #tpu.memory_space<hbm>>) dst(%arg10 : memref<256x64xf32, #tpu.memory_space<vmem>>)
      tpu.yield
    }) : () -> ()
    %scan3A_49 = arith.constant 0 : i32
    %scan3A_50 = arith.constant 0 : i32
    %scan3A_51 = arith.constant 256 : i32
    %scan3A_52 = arith.addi %scan3A_50, %scan3A_51 : i32
    %scan3A_53 = arith.constant 1 : i32
    scf.for %scan3A_91 = %scan3A_50 to %scan3A_52 step %scan3A_53  : i32 {
      %get3A = arith.index_cast %scan3A_91 : i32 to index
      %get3A_92 = arith.constant 0 : index
      %get3A_93 = tpu.vector_load %arg9[%get3A, %get3A_92] {strides = array<i32>} : memref<256x64xf32, #tpu.memory_space<vmem>>, vector<1x16xf32>,
      %get3A_94 = vector.shape_cast %get3A_93 : vector<1x16xf32> to vector<16xf32>
      %mul3A_95 = arith.constant 0.899999976 : f32
      %mul3A_96 = vector.broadcast %mul3A_95 : f32 to vector<16xf32>
      %mul3A_97 = arith.mulf %get3A_94, %mul3A_96 : vector<16xf32>
      %get3A_98 = arith.index_cast %scan3A_91 : i32 to index
      %get3A_99 = arith.constant 0 : index
      %get3A_100 = tpu.vector_load %arg10[%get3A_98, %get3A_99] {strides = array<i32>} : memref<256x64xf32, #tpu.memory_space<vmem>>, vector<1x16xf32>,
      %get3A_101 = vector.shape_cast %get3A_100 : vector<1x16xf32> to vector<16xf32>
      %mul3A_102 = arith.constant 1.000000e-01 : f32
      %mul3A_103 = vector.broadcast %mul3A_102 : f32 to vector<16xf32>
      %mul3A_104 = arith.mulf %get3A_101, %mul3A_103 : vector<16xf32>
      %add3A_105 = arith.addf %mul3A_97, %mul3A_104 : vector<16xf32>
      %swap3A = arith.index_cast %scan3A_91 : i32 to index
      %swap3A_106 = arith.constant 0 : index
      %swap3A_107 = tpu.vector_load %arg9[%swap3A, %swap3A_106] {strides = array<i32>} : memref<256x64xf32, #tpu.memory_space<vmem>>, vector<1x16xf32>,
      %swap3A_108 = vector.shape_cast %swap3A_107 : vector<1x16xf32> to vector<16xf32>
      %swap3A_109 = vector.shape_cast %add3A_105 : vector<16xf32> to vector<1x16xf32>
      tpu.vector_store %arg9[%swap3A, %swap3A_106], %swap3A_109 {strides = array<i32>} : memref<256x64xf32, #tpu.memory_space<vmem>>, vector<1x16xf32>,
      %get3A_110 = arith.index_cast %scan3A_91 : i32 to index
      %get3A_111 = arith.constant 16 : index
      %get3A_112 = tpu.vector_load %arg9[%get3A_110, %get3A_111] {strides = array<i32>} : memref<256x64xf32, #tpu.memory_space<vmem>>, vector<1x16xf32>,
      %get3A_113 = vector.shape_cast %get3A_112 : vector<1x16xf32> to vector<16xf32>
      %mul3A_114 = arith.constant 0.899999976 : f32
      %mul3A_115 = vector.broadcast %mul3A_114 : f32 to vector<16xf32>
      %mul3A_116 = arith.mulf %get3A_113, %mul3A_115 : vector<16xf32>
      %get3A_117 = arith.index_cast %scan3A_91 : i32 to index
      %get3A_118 = arith.constant 16 : index
      %get3A_119 = tpu.vector_load %arg10[%get3A_117, %get3A_118] {strides = array<i32>} : memref<256x64xf32, #tpu.memory_space<vmem>>, vector<1x16xf32>,
      %get3A_120 = vector.shape_cast %get3A_119 : vector<1x16xf32> to vector<16xf32>
      %mul3A_121 = arith.constant 1.000000e-01 : f32
      %mul3A_122 = vector.broadcast %mul3A_121 : f32 to vector<16xf32>
      %mul3A_123 = arith.mulf %get3A_120, %mul3A_122 : vector<16xf32>
      %add3A_124 = arith.addf %mul3A_116, %mul3A_123 : vector<16xf32>
      %swap3A_125 = arith.index_cast %scan3A_91 : i32 to index
      %swap3A_126 = arith.constant 16 : index
      %swap3A_127 = tpu.vector_load %arg9[%swap3A_125, %swap3A_126] {strides = array<i32>} : memref<256x64xf32, #tpu.memory_space<vmem>>, vector<1x16xf32>,
      %swap3A_128 = vector.shape_cast %swap3A_127 : vector<1x16xf32> to vector<16xf32>
      %swap3A_129 = vector.shape_cast %add3A_124 : vector<16xf32> to vector<1x16xf32>
      tpu.vector_store %arg9[%swap3A_125, %swap3A_126], %swap3A_129 {strides = array<i32>} : memref<256x64xf32, #tpu.memory_space<vmem>>, vector<1x16xf32>,
      %get3A_130 = arith.index_cast %scan3A_91 : i32 to index
      %get3A_131 = arith.constant 32 : index
      %get3A_132 = tpu.vector_load %arg9[%get3A_130, %get3A_131] {strides = array<i32>} : memref<256x64xf32, #tpu.memory_space<vmem>>, vector<1x16xf32>,
      %get3A_133 = vector.shape_cast %get3A_132 : vector<1x16xf32> to vector<16xf32>
      %mul3A_134 = arith.constant 0.899999976 : f32
      %mul3A_135 = vector.broadcast %mul3A_134 : f32 to vector<16xf32>
      %mul3A_136 = arith.mulf %get3A_133, %mul3A_135 : vector<16xf32>
      %get3A_137 = arith.index_cast %scan3A_91 : i32 to index
      %get3A_138 = arith.constant 32 : index
      %get3A_139 = tpu.vector_load %arg10[%get3A_137, %get3A_138] {strides = array<i32>} : memref<256x64xf32, #tpu.memory_space<vmem>>, vector<1x16xf32>,
      %get3A_140 = vector.shape_cast %get3A_139 : vector<1x16xf32> to vector<16xf32>
      %mul3A_141 = arith.constant 1.000000e-01 : f32
      %mul3A_142 = vector.broadcast %mul3A_141 : f32 to vector<16xf32>
      %mul3A_143 = arith.mulf %get3A_140, %mul3A_142 : vector<16xf32>
      %add3A_144 = arith.addf %mul3A_136, %mul3A_143 : vector<16xf32>
      %swap3A_145 = arith.index_cast %scan3A_91 : i32 to index
      %swap3A_146 = arith.constant 32 : index
      %swap3A_147 = tpu.vector_load %arg9[%swap3A_145, %swap3A_146] {strides = array<i32>} : memref<256x64xf32, #tpu.memory_space<vmem>>, vector<1x16xf32>,
      %swap3A_148 = vector.shape_cast %swap3A_147 : vector<1x16xf32> to vector<16xf32>
      %swap3A_149 = vector.shape_cast %add3A_144 : vector<16xf32> to vector<1x16xf32>
      tpu.vector_store %arg9[%swap3A_145, %swap3A_146], %swap3A_149 {strides = array<i32>} : memref<256x64xf32, #tpu.memory_space<vmem>>, vector<1x16xf32>,
      %get3A_150 = arith.index_cast %scan3A_91 : i32 to index
      %get3A_151 = arith.constant 48 : index
      %get3A_152 = tpu.vector_load %arg9[%get3A_150, %get3A_151] {strides = array<i32>} : memref<256x64xf32, #tpu.memory_space<vmem>>, vector<1x16xf32>,
      %get3A_153 = vector.shape_cast %get3A_152 : vector<1x16xf32> to vector<16xf32>
      %mul3A_154 = arith.constant 0.899999976 : f32
      %mul3A_155 = vector.broadcast %mul3A_154 : f32 to vector<16xf32>
      %mul3A_156 = arith.mulf %get3A_153, %mul3A_155 : vector<16xf32>
      %get3A_157 = arith.index_cast %scan3A_91 : i32 to index
      %get3A_158 = arith.constant 48 : index
      %get3A_159 = tpu.vector_load %arg10[%get3A_157, %get3A_158] {strides = array<i32>} : memref<256x64xf32, #tpu.memory_space<vmem>>, vector<1x16xf32>,
      %get3A_160 = vector.shape_cast %get3A_159 : vector<1x16xf32> to vector<16xf32>
      %mul3A_161 = arith.constant 1.000000e-01 : f32
      %mul3A_162 = vector.broadcast %mul3A_161 : f32 to vector<16xf32>
      %mul3A_163 = arith.mulf %get3A_160, %mul3A_162 : vector<16xf32>
      %add3A_164 = arith.addf %mul3A_156, %mul3A_163 : vector<16xf32>
      %swap3A_165 = arith.index_cast %scan3A_91 : i32 to index
      %swap3A_166 = arith.constant 48 : index
      %swap3A_167 = tpu.vector_load %arg9[%swap3A_165, %swap3A_166] {strides = array<i32>} : memref<256x64xf32, #tpu.memory_space<vmem>>, vector<1x16xf32>,
      %swap3A_168 = vector.shape_cast %swap3A_167 : vector<1x16xf32> to vector<16xf32>
      %swap3A_169 = vector.shape_cast %add3A_164 : vector<16xf32> to vector<1x16xf32>
      tpu.vector_store %arg9[%swap3A_165, %swap3A_166], %swap3A_169 {strides = array<i32>} : memref<256x64xf32, #tpu.memory_space<vmem>>, vector<1x16xf32>,
    }
    %scan3A_54 = arith.constant 256 : i32
    %scan3A_55 = arith.constant 0 : i32
    %scan3A_56 = arith.constant 0 : i32
    %scan3A_57 = arith.constant 16 : i32
    %scan3A_58 = arith.addi %scan3A_56, %scan3A_57 : i32
    %scan3A_59 = arith.constant 1 : i32
    scf.for %scan3A_91 = %scan3A_56 to %scan3A_58 step %scan3A_59  : i32 {
      %mul3A_92 = arith.constant 16 : i32
      %mul3A_93 = arith.muli %scan3A_91, %mul3A_92 : i32
      %add3A_94 = arith.constant 0 : i32
      %add3A_95 = arith.addi %add3A_94, %mul3A_93 : i32
      %get3A = arith.index_cast %add3A_95 : i32 to index
      %get3A_96 = tpu.vector_load %arg7[%get3A] {strides = array<i32>} : memref<512xi32, #tpu.memory_space<vmem>>, vector<16xi32>,
      %get3A_97 = vector.shape_cast %get3A_96 : vector<16xi32> to vector<16xi32>
      %mul3A_98 = arith.constant 16 : i32
      %mul3A_99 = arith.muli %scan3A_91, %mul3A_98 : i32
      %add3A_100 = arith.constant 0 : i32
      %add3A_101 = arith.addi %mul3A_99, %add3A_100 : i32
      %slice3A = vector.extract_strided_slice %get3A_97 {offsets = [0], sizes = [1], strides = [1]} : vector<16xi32> to vector<1xi32>
      %squeeze3A = vector.extract %slice3A[0] : i32 from vector<1xi32>
      %dma_start3A = arith.constant 0 : i32
      %dma_start3A_102 = tpu.memref_slice %arg8[%add3A_101, %dma_start3A] : memref<256x64xf32, #tpu.memory_space<vmem>> -> memref<1x64xf32, #tpu.memory_space<vmem>>
      %dma_start3A_103 = arith.constant 0 : i32
      %dma_start3A_104 = tpu.memref_slice %arg4[%squeeze3A, %dma_start3A_103] : memref<1000001x64xf32, #tpu.memory_space<hbm>> -> memref<1x64xf32, #tpu.memory_space<hbm>>
      %dma_start3A_105 = arith.constant 0 : i32
      %dma_start3A_106 = tpu.memref_slice %arg4[%squeeze3A, %dma_start3A_105] : memref<1000001x64xf32, #tpu.memory_space<hbm>> -> memref<1x64xf32, #tpu.memory_space<hbm>>
      %dma_start3A_107 = arith.constant 0 : i32
      %dma_start3A_108 = tpu.memref_slice %arg8[%add3A_101, %dma_start3A_107] : memref<256x64xf32, #tpu.memory_space<vmem>> -> memref<1x64xf32, #tpu.memory_space<vmem>>
      tpu.enqueue_dma source(%dma_start3A_108 : memref<1x64xf32, #tpu.memory_space<vmem>>) target(%dma_start3A_106 : memref<1x64xf32, #tpu.memory_space<hbm>>) target_semaphore(%arg11 : memref<!tpu.dma_semaphore, #tpu.memory_space<semaphore_mem>>)
      %mul3A_109 = arith.constant 16 : i32
      %mul3A_110 = arith.muli %scan3A_91, %mul3A_109 : i32
      %add3A_111 = arith.constant 1 : i32
      %add3A_112 = arith.addi %mul3A_110, %add3A_111 : i32
      %slice3A_113 = vector.extract_strided_slice %get3A_97 {offsets = [1], sizes = [1], strides = [1]} : vector<16xi32> to vector<1xi32>
      %squeeze3A_114 = vector.extract %slice3A_113[0] : i32 from vector<1xi32>
      %dma_start3A_115 = arith.constant 0 : i32
      %dma_start3A_116 = tpu.memref_slice %arg8[%add3A_112, %dma_start3A_115] : memref<256x64xf32, #tpu.memory_space<vmem>> -> memref<1x64xf32, #tpu.memory_space<vmem>>
      %dma_start3A_117 = arith.constant 0 : i32
      %dma_start3A_118 = tpu.memref_slice %arg4[%squeeze3A_114, %dma_start3A_117] : memref<1000001x64xf32, #tpu.memory_space<hbm>> -> memref<1x64xf32, #tpu.memory_space<hbm>>
      %dma_start3A_119 = arith.constant 0 : i32
      %dma_start3A_120 = tpu.memref_slice %arg4[%squeeze3A_114, %dma_start3A_119] : memref<1000001x64xf32, #tpu.memory_space<hbm>> -> memref<1x64xf32, #tpu.memory_space<hbm>>
      %dma_start3A_121 = arith.constant 0 : i32
      %dma_start3A_122 = tpu.memref_slice %arg8[%add3A_112, %dma_start3A_121] : memref<256x64xf32, #tpu.memory_space<vmem>> -> memref<1x64xf32, #tpu.memory_space<vmem>>
      tpu.enqueue_dma source(%dma_start3A_122 : memref<1x64xf32, #tpu.memory_space<vmem>>) target(%dma_start3A_120 : memref<1x64xf32, #tpu.memory_space<hbm>>) target_semaphore(%arg11 : memref<!tpu.dma_semaphore, #tpu.memory_space<semaphore_mem>>)
      %mul3A_123 = arith.constant 16 : i32
      %mul3A_124 = arith.muli %scan3A_91, %mul3A_123 : i32
      %add3A_125 = arith.constant 2 : i32
      %add3A_126 = arith.addi %mul3A_124, %add3A_125 : i32
      %slice3A_127 = vector.extract_strided_slice %get3A_97 {offsets = [2], sizes = [1], strides = [1]} : vector<16xi32> to vector<1xi32>
      %squeeze3A_128 = vector.extract %slice3A_127[0] : i32 from vector<1xi32>
      %dma_start3A_129 = arith.constant 0 : i32
      %dma_start3A_130 = tpu.memref_slice %arg8[%add3A_126, %dma_start3A_129] : memref<256x64xf32, #tpu.memory_space<vmem>> -> memref<1x64xf32, #tpu.memory_space<vmem>>
      %dma_start3A_131 = arith.constant 0 : i32
      %dma_start3A_132 = tpu.memref_slice %arg4[%squeeze3A_128, %dma_start3A_131] : memref<1000001x64xf32, #tpu.memory_space<hbm>> -> memref<1x64xf32, #tpu.memory_space<hbm>>
      %dma_start3A_133 = arith.constant 0 : i32
      %dma_start3A_134 = tpu.memref_slice %arg4[%squeeze3A_128, %dma_start3A_133] : memref<1000001x64xf32, #tpu.memory_space<hbm>> -> memref<1x64xf32, #tpu.memory_space<hbm>>
      %dma_start3A_135 = arith.constant 0 : i32
      %dma_start3A_136 = tpu.memref_slice %arg8[%add3A_126, %dma_start3A_135] : memref<256x64xf32, #tpu.memory_space<vmem>> -> memref<1x64xf32, #tpu.memory_space<vmem>>
      tpu.enqueue_dma source(%dma_start3A_136 : memref<1x64xf32, #tpu.memory_space<vmem>>) target(%dma_start3A_134 : memref<1x64xf32, #tpu.memory_space<hbm>>) target_semaphore(%arg11 : memref<!tpu.dma_semaphore, #tpu.memory_space<semaphore_mem>>)
      %mul3A_137 = arith.constant 16 : i32
      %mul3A_138 = arith.muli %scan3A_91, %mul3A_137 : i32
      %add3A_139 = arith.constant 3 : i32
      %add3A_140 = arith.addi %mul3A_138, %add3A_139 : i32
      %slice3A_141 = vector.extract_strided_slice %get3A_97 {offsets = [3], sizes = [1], strides = [1]} : vector<16xi32> to vector<1xi32>
      %squeeze3A_142 = vector.extract %slice3A_141[0] : i32 from vector<1xi32>
      %dma_start3A_143 = arith.constant 0 : i32
      %dma_start3A_144 = tpu.memref_slice %arg8[%add3A_140, %dma_start3A_143] : memref<256x64xf32, #tpu.memory_space<vmem>> -> memref<1x64xf32, #tpu.memory_space<vmem>>
      %dma_start3A_145 = arith.constant 0 : i32
      %dma_start3A_146 = tpu.memref_slice %arg4[%squeeze3A_142, %dma_start3A_145] : memref<1000001x64xf32, #tpu.memory_space<hbm>> -> memref<1x64xf32, #tpu.memory_space<hbm>>
      %dma_start3A_147 = arith.constant 0 : i32
      %dma_start3A_148 = tpu.memref_slice %arg4[%squeeze3A_142, %dma_start3A_147] : memref<1000001x64xf32, #tpu.memory_space<hbm>> -> memref<1x64xf32, #tpu.memory_space<hbm>>
      %dma_start3A_149 = arith.constant 0 : i32
      %dma_start3A_150 = tpu.memref_slice %arg8[%add3A_140, %dma_start3A_149] : memref<256x64xf32, #tpu.memory_space<vmem>> -> memref<1x64xf32, #tpu.memory_space<vmem>>
      tpu.enqueue_dma source(%dma_start3A_150 : memref<1x64xf32, #tpu.memory_space<vmem>>) target(%dma_start3A_148 : memref<1x64xf32, #tpu.memory_space<hbm>>) target_semaphore(%arg11 : memref<!tpu.dma_semaphore, #tpu.memory_space<semaphore_mem>>)
      %mul3A_151 = arith.constant 16 : i32
      %mul3A_152 = arith.muli %scan3A_91, %mul3A_151 : i32
      %add3A_153 = arith.constant 4 : i32
      %add3A_154 = arith.addi %mul3A_152, %add3A_153 : i32
      %slice3A_155 = vector.extract_strided_slice %get3A_97 {offsets = [4], sizes = [1], strides = [1]} : vector<16xi32> to vector<1xi32>
      %squeeze3A_156 = vector.extract %slice3A_155[0] : i32 from vector<1xi32>
      %dma_start3A_157 = arith.constant 0 : i32
      %dma_start3A_158 = tpu.memref_slice %arg8[%add3A_154, %dma_start3A_157] : memref<256x64xf32, #tpu.memory_space<vmem>> -> memref<1x64xf32, #tpu.memory_space<vmem>>
      %dma_start3A_159 = arith.constant 0 : i32
      %dma_start3A_160 = tpu.memref_slice %arg4[%squeeze3A_156, %dma_start3A_159] : memref<1000001x64xf32, #tpu.memory_space<hbm>> -> memref<1x64xf32, #tpu.memory_space<hbm>>
      %dma_start3A_161 = arith.constant 0 : i32
      %dma_start3A_162 = tpu.memref_slice %arg4[%squeeze3A_156, %dma_start3A_161] : memref<1000001x64xf32, #tpu.memory_space<hbm>> -> memref<1x64xf32, #tpu.memory_space<hbm>>
      %dma_start3A_163 = arith.constant 0 : i32
      %dma_start3A_164 = tpu.memref_slice %arg8[%add3A_154, %dma_start3A_163] : memref<256x64xf32, #tpu.memory_space<vmem>> -> memref<1x64xf32, #tpu.memory_space<vmem>>
      tpu.enqueue_dma source(%dma_start3A_164 : memref<1x64xf32, #tpu.memory_space<vmem>>) target(%dma_start3A_162 : memref<1x64xf32, #tpu.memory_space<hbm>>) target_semaphore(%arg11 : memref<!tpu.dma_semaphore, #tpu.memory_space<semaphore_mem>>)
      %mul3A_165 = arith.constant 16 : i32
      %mul3A_166 = arith.muli %scan3A_91, %mul3A_165 : i32
      %add3A_167 = arith.constant 5 : i32
      %add3A_168 = arith.addi %mul3A_166, %add3A_167 : i32
      %slice3A_169 = vector.extract_strided_slice %get3A_97 {offsets = [5], sizes = [1], strides = [1]} : vector<16xi32> to vector<1xi32>
      %squeeze3A_170 = vector.extract %slice3A_169[0] : i32 from vector<1xi32>
      %dma_start3A_171 = arith.constant 0 : i32
      %dma_start3A_172 = tpu.memref_slice %arg8[%add3A_168, %dma_start3A_171] : memref<256x64xf32, #tpu.memory_space<vmem>> -> memref<1x64xf32, #tpu.memory_space<vmem>>
      %dma_start3A_173 = arith.constant 0 : i32
      %dma_start3A_174 = tpu.memref_slice %arg4[%squeeze3A_170, %dma_start3A_173] : memref<1000001x64xf32, #tpu.memory_space<hbm>> -> memref<1x64xf32, #tpu.memory_space<hbm>>
      %dma_start3A_175 = arith.constant 0 : i32
      %dma_start3A_176 = tpu.memref_slice %arg4[%squeeze3A_170, %dma_start3A_175] : memref<1000001x64xf32, #tpu.memory_space<hbm>> -> memref<1x64xf32, #tpu.memory_space<hbm>>
      %dma_start3A_177 = arith.constant 0 : i32
      %dma_start3A_178 = tpu.memref_slice %arg8[%add3A_168, %dma_start3A_177] : memref<256x64xf32, #tpu.memory_space<vmem>> -> memref<1x64xf32, #tpu.memory_space<vmem>>
      tpu.enqueue_dma source(%dma_start3A_178 : memref<1x64xf32, #tpu.memory_space<vmem>>) target(%dma_start3A_176 : memref<1x64xf32, #tpu.memory_space<hbm>>) target_semaphore(%arg11 : memref<!tpu.dma_semaphore, #tpu.memory_space<semaphore_mem>>)
      %mul3A_179 = arith.constant 16 : i32
      %mul3A_180 = arith.muli %scan3A_91, %mul3A_179 : i32
      %add3A_181 = arith.constant 6 : i32
      %add3A_182 = arith.addi %mul3A_180, %add3A_181 : i32
      %slice3A_183 = vector.extract_strided_slice %get3A_97 {offsets = [6], sizes = [1], strides = [1]} : vector<16xi32> to vector<1xi32>
      %squeeze3A_184 = vector.extract %slice3A_183[0] : i32 from vector<1xi32>
      %dma_start3A_185 = arith.constant 0 : i32
      %dma_start3A_186 = tpu.memref_slice %arg8[%add3A_182, %dma_start3A_185] : memref<256x64xf32, #tpu.memory_space<vmem>> -> memref<1x64xf32, #tpu.memory_space<vmem>>
      %dma_start3A_187 = arith.constant 0 : i32
      %dma_start3A_188 = tpu.memref_slice %arg4[%squeeze3A_184, %dma_start3A_187] : memref<1000001x64xf32, #tpu.memory_space<hbm>> -> memref<1x64xf32, #tpu.memory_space<hbm>>
      %dma_start3A_189 = arith.constant 0 : i32
      %dma_start3A_190 = tpu.memref_slice %arg4[%squeeze3A_184, %dma_start3A_189] : memref<1000001x64xf32, #tpu.memory_space<hbm>> -> memref<1x64xf32, #tpu.memory_space<hbm>>
      %dma_start3A_191 = arith.constant 0 : i32
      %dma_start3A_192 = tpu.memref_slice %arg8[%add3A_182, %dma_start3A_191] : memref<256x64xf32, #tpu.memory_space<vmem>> -> memref<1x64xf32, #tpu.memory_space<vmem>>
      tpu.enqueue_dma source(%dma_start3A_192 : memref<1x64xf32, #tpu.memory_space<vmem>>) target(%dma_start3A_190 : memref<1x64xf32, #tpu.memory_space<hbm>>) target_semaphore(%arg11 : memref<!tpu.dma_semaphore, #tpu.memory_space<semaphore_mem>>)
      %mul3A_193 = arith.constant 16 : i32
      %mul3A_194 = arith.muli %scan3A_91, %mul3A_193 : i32
      %add3A_195 = arith.constant 7 : i32
      %add3A_196 = arith.addi %mul3A_194, %add3A_195 : i32
      %slice3A_197 = vector.extract_strided_slice %get3A_97 {offsets = [7], sizes = [1], strides = [1]} : vector<16xi32> to vector<1xi32>
      %squeeze3A_198 = vector.extract %slice3A_197[0] : i32 from vector<1xi32>
      %dma_start3A_199 = arith.constant 0 : i32
      %dma_start3A_200 = tpu.memref_slice %arg8[%add3A_196, %dma_start3A_199] : memref<256x64xf32, #tpu.memory_space<vmem>> -> memref<1x64xf32, #tpu.memory_space<vmem>>
      %dma_start3A_201 = arith.constant 0 : i32
      %dma_start3A_202 = tpu.memref_slice %arg4[%squeeze3A_198, %dma_start3A_201] : memref<1000001x64xf32, #tpu.memory_space<hbm>> -> memref<1x64xf32, #tpu.memory_space<hbm>>
      %dma_start3A_203 = arith.constant 0 : i32
      %dma_start3A_204 = tpu.memref_slice %arg4[%squeeze3A_198, %dma_start3A_203] : memref<1000001x64xf32, #tpu.memory_space<hbm>> -> memref<1x64xf32, #tpu.memory_space<hbm>>
      %dma_start3A_205 = arith.constant 0 : i32
      %dma_start3A_206 = tpu.memref_slice %arg8[%add3A_196, %dma_start3A_205] : memref<256x64xf32, #tpu.memory_space<vmem>> -> memref<1x64xf32, #tpu.memory_space<vmem>>
      tpu.enqueue_dma source(%dma_start3A_206 : memref<1x64xf32, #tpu.memory_space<vmem>>) target(%dma_start3A_204 : memref<1x64xf32, #tpu.memory_space<hbm>>) target_semaphore(%arg11 : memref<!tpu.dma_semaphore, #tpu.memory_space<semaphore_mem>>)
      %mul3A_207 = arith.constant 16 : i32
      %mul3A_208 = arith.muli %scan3A_91, %mul3A_207 : i32
      %add3A_209 = arith.constant 8 : i32
      %add3A_210 = arith.addi %mul3A_208, %add3A_209 : i32
      %slice3A_211 = vector.extract_strided_slice %get3A_97 {offsets = [8], sizes = [1], strides = [1]} : vector<16xi32> to vector<1xi32>
      %squeeze3A_212 = vector.extract %slice3A_211[0] : i32 from vector<1xi32>
      %dma_start3A_213 = arith.constant 0 : i32
      %dma_start3A_214 = tpu.memref_slice %arg8[%add3A_210, %dma_start3A_213] : memref<256x64xf32, #tpu.memory_space<vmem>> -> memref<1x64xf32, #tpu.memory_space<vmem>>
      %dma_start3A_215 = arith.constant 0 : i32
      %dma_start3A_216 = tpu.memref_slice %arg4[%squeeze3A_212, %dma_start3A_215] : memref<1000001x64xf32, #tpu.memory_space<hbm>> -> memref<1x64xf32, #tpu.memory_space<hbm>>
      %dma_start3A_217 = arith.constant 0 : i32
      %dma_start3A_218 = tpu.memref_slice %arg4[%squeeze3A_212, %dma_start3A_217] : memref<1000001x64xf32, #tpu.memory_space<hbm>> -> memref<1x64xf32, #tpu.memory_space<hbm>>
      %dma_start3A_219 = arith.constant 0 : i32
      %dma_start3A_220 = tpu.memref_slice %arg8[%add3A_210, %dma_start3A_219] : memref<256x64xf32, #tpu.memory_space<vmem>> -> memref<1x64xf32, #tpu.memory_space<vmem>>
      tpu.enqueue_dma source(%dma_start3A_220 : memref<1x64xf32, #tpu.memory_space<vmem>>) target(%dma_start3A_218 : memref<1x64xf32, #tpu.memory_space<hbm>>) target_semaphore(%arg11 : memref<!tpu.dma_semaphore, #tpu.memory_space<semaphore_mem>>)
      %mul3A_221 = arith.constant 16 : i32
      %mul3A_222 = arith.muli %scan3A_91, %mul3A_221 : i32
      %add3A_223 = arith.constant 9 : i32
      %add3A_224 = arith.addi %mul3A_222, %add3A_223 : i32
      %slice3A_225 = vector.extract_strided_slice %get3A_97 {offsets = [9], sizes = [1], strides = [1]} : vector<16xi32> to vector<1xi32>
      %squeeze3A_226 = vector.extract %slice3A_225[0] : i32 from vector<1xi32>
      %dma_start3A_227 = arith.constant 0 : i32
      %dma_start3A_228 = tpu.memref_slice %arg8[%add3A_224, %dma_start3A_227] : memref<256x64xf32, #tpu.memory_space<vmem>> -> memref<1x64xf32, #tpu.memory_space<vmem>>
      %dma_start3A_229 = arith.constant 0 : i32
      %dma_start3A_230 = tpu.memref_slice %arg4[%squeeze3A_226, %dma_start3A_229] : memref<1000001x64xf32, #tpu.memory_space<hbm>> -> memref<1x64xf32, #tpu.memory_space<hbm>>
      %dma_start3A_231 = arith.constant 0 : i32
      %dma_start3A_232 = tpu.memref_slice %arg4[%squeeze3A_226, %dma_start3A_231] : memref<1000001x64xf32, #tpu.memory_space<hbm>> -> memref<1x64xf32, #tpu.memory_space<hbm>>
      %dma_start3A_233 = arith.constant 0 : i32
      %dma_start3A_234 = tpu.memref_slice %arg8[%add3A_224, %dma_start3A_233] : memref<256x64xf32, #tpu.memory_space<vmem>> -> memref<1x64xf32, #tpu.memory_space<vmem>>
      tpu.enqueue_dma source(%dma_start3A_234 : memref<1x64xf32, #tpu.memory_space<vmem>>) target(%dma_start3A_232 : memref<1x64xf32, #tpu.memory_space<hbm>>) target_semaphore(%arg11 : memref<!tpu.dma_semaphore, #tpu.memory_space<semaphore_mem>>)
      %mul3A_235 = arith.constant 16 : i32
      %mul3A_236 = arith.muli %scan3A_91, %mul3A_235 : i32
      %add3A_237 = arith.constant 10 : i32
      %add3A_238 = arith.addi %mul3A_236, %add3A_237 : i32
      %slice3A_239 = vector.extract_strided_slice %get3A_97 {offsets = [10], sizes = [1], strides = [1]} : vector<16xi32> to vector<1xi32>
      %squeeze3A_240 = vector.extract %slice3A_239[0] : i32 from vector<1xi32>
      %dma_start3A_241 = arith.constant 0 : i32
      %dma_start3A_242 = tpu.memref_slice %arg8[%add3A_238, %dma_start3A_241] : memref<256x64xf32, #tpu.memory_space<vmem>> -> memref<1x64xf32, #tpu.memory_space<vmem>>
      %dma_start3A_243 = arith.constant 0 : i32
      %dma_start3A_244 = tpu.memref_slice %arg4[%squeeze3A_240, %dma_start3A_243] : memref<1000001x64xf32, #tpu.memory_space<hbm>> -> memref<1x64xf32, #tpu.memory_space<hbm>>
      %dma_start3A_245 = arith.constant 0 : i32
      %dma_start3A_246 = tpu.memref_slice %arg4[%squeeze3A_240, %dma_start3A_245] : memref<1000001x64xf32, #tpu.memory_space<hbm>> -> memref<1x64xf32, #tpu.memory_space<hbm>>
      %dma_start3A_247 = arith.constant 0 : i32
      %dma_start3A_248 = tpu.memref_slice %arg8[%add3A_238, %dma_start3A_247] : memref<256x64xf32, #tpu.memory_space<vmem>> -> memref<1x64xf32, #tpu.memory_space<vmem>>
      tpu.enqueue_dma source(%dma_start3A_248 : memref<1x64xf32, #tpu.memory_space<vmem>>) target(%dma_start3A_246 : memref<1x64xf32, #tpu.memory_space<hbm>>) target_semaphore(%arg11 : memref<!tpu.dma_semaphore, #tpu.memory_space<semaphore_mem>>)
      %mul3A_249 = arith.constant 16 : i32
      %mul3A_250 = arith.muli %scan3A_91, %mul3A_249 : i32
      %add3A_251 = arith.constant 11 : i32
      %add3A_252 = arith.addi %mul3A_250, %add3A_251 : i32
      %slice3A_253 = vector.extract_strided_slice %get3A_97 {offsets = [11], sizes = [1], strides = [1]} : vector<16xi32> to vector<1xi32>
      %squeeze3A_254 = vector.extract %slice3A_253[0] : i32 from vector<1xi32>
      %dma_start3A_255 = arith.constant 0 : i32
      %dma_start3A_256 = tpu.memref_slice %arg8[%add3A_252, %dma_start3A_255] : memref<256x64xf32, #tpu.memory_space<vmem>> -> memref<1x64xf32, #tpu.memory_space<vmem>>
      %dma_start3A_257 = arith.constant 0 : i32
      %dma_start3A_258 = tpu.memref_slice %arg4[%squeeze3A_254, %dma_start3A_257] : memref<1000001x64xf32, #tpu.memory_space<hbm>> -> memref<1x64xf32, #tpu.memory_space<hbm>>
      %dma_start3A_259 = arith.constant 0 : i32
      %dma_start3A_260 = tpu.memref_slice %arg4[%squeeze3A_254, %dma_start3A_259] : memref<1000001x64xf32, #tpu.memory_space<hbm>> -> memref<1x64xf32, #tpu.memory_space<hbm>>
      %dma_start3A_261 = arith.constant 0 : i32
      %dma_start3A_262 = tpu.memref_slice %arg8[%add3A_252, %dma_start3A_261] : memref<256x64xf32, #tpu.memory_space<vmem>> -> memref<1x64xf32, #tpu.memory_space<vmem>>
      tpu.enqueue_dma source(%dma_start3A_262 : memref<1x64xf32, #tpu.memory_space<vmem>>) target(%dma_start3A_260 : memref<1x64xf32, #tpu.memory_space<hbm>>) target_semaphore(%arg11 : memref<!tpu.dma_semaphore, #tpu.memory_space<semaphore_mem>>)
      %mul3A_263 = arith.constant 16 : i32
      %mul3A_264 = arith.muli %scan3A_91, %mul3A_263 : i32
      %add3A_265 = arith.constant 12 : i32
      %add3A_266 = arith.addi %mul3A_264, %add3A_265 : i32
      %slice3A_267 = vector.extract_strided_slice %get3A_97 {offsets = [12], sizes = [1], strides = [1]} : vector<16xi32> to vector<1xi32>
      %squeeze3A_268 = vector.extract %slice3A_267[0] : i32 from vector<1xi32>
      %dma_start3A_269 = arith.constant 0 : i32
      %dma_start3A_270 = tpu.memref_slice %arg8[%add3A_266, %dma_start3A_269] : memref<256x64xf32, #tpu.memory_space<vmem>> -> memref<1x64xf32, #tpu.memory_space<vmem>>
      %dma_start3A_271 = arith.constant 0 : i32
      %dma_start3A_272 = tpu.memref_slice %arg4[%squeeze3A_268, %dma_start3A_271] : memref<1000001x64xf32, #tpu.memory_space<hbm>> -> memref<1x64xf32, #tpu.memory_space<hbm>>
      %dma_start3A_273 = arith.constant 0 : i32
      %dma_start3A_274 = tpu.memref_slice %arg4[%squeeze3A_268, %dma_start3A_273] : memref<1000001x64xf32, #tpu.memory_space<hbm>> -> memref<1x64xf32, #tpu.memory_space<hbm>>
      %dma_start3A_275 = arith.constant 0 : i32
      %dma_start3A_276 = tpu.memref_slice %arg8[%add3A_266, %dma_start3A_275] : memref<256x64xf32, #tpu.memory_space<vmem>> -> memref<1x64xf32, #tpu.memory_space<vmem>>
      tpu.enqueue_dma source(%dma_start3A_276 : memref<1x64xf32, #tpu.memory_space<vmem>>) target(%dma_start3A_274 : memref<1x64xf32, #tpu.memory_space<hbm>>) target_semaphore(%arg11 : memref<!tpu.dma_semaphore, #tpu.memory_space<semaphore_mem>>)
      %mul3A_277 = arith.constant 16 : i32
      %mul3A_278 = arith.muli %scan3A_91, %mul3A_277 : i32
      %add3A_279 = arith.constant 13 : i32
      %add3A_280 = arith.addi %mul3A_278, %add3A_279 : i32
      %slice3A_281 = vector.extract_strided_slice %get3A_97 {offsets = [13], sizes = [1], strides = [1]} : vector<16xi32> to vector<1xi32>
      %squeeze3A_282 = vector.extract %slice3A_281[0] : i32 from vector<1xi32>
      %dma_start3A_283 = arith.constant 0 : i32
      %dma_start3A_284 = tpu.memref_slice %arg8[%add3A_280, %dma_start3A_283] : memref<256x64xf32, #tpu.memory_space<vmem>> -> memref<1x64xf32, #tpu.memory_space<vmem>>
      %dma_start3A_285 = arith.constant 0 : i32
      %dma_start3A_286 = tpu.memref_slice %arg4[%squeeze3A_282, %dma_start3A_285] : memref<1000001x64xf32, #tpu.memory_space<hbm>> -> memref<1x64xf32, #tpu.memory_space<hbm>>
      %dma_start3A_287 = arith.constant 0 : i32
      %dma_start3A_288 = tpu.memref_slice %arg4[%squeeze3A_282, %dma_start3A_287] : memref<1000001x64xf32, #tpu.memory_space<hbm>> -> memref<1x64xf32, #tpu.memory_space<hbm>>
      %dma_start3A_289 = arith.constant 0 : i32
      %dma_start3A_290 = tpu.memref_slice %arg8[%add3A_280, %dma_start3A_289] : memref<256x64xf32, #tpu.memory_space<vmem>> -> memref<1x64xf32, #tpu.memory_space<vmem>>
      tpu.enqueue_dma source(%dma_start3A_290 : memref<1x64xf32, #tpu.memory_space<vmem>>) target(%dma_start3A_288 : memref<1x64xf32, #tpu.memory_space<hbm>>) target_semaphore(%arg11 : memref<!tpu.dma_semaphore, #tpu.memory_space<semaphore_mem>>)
      %mul3A_291 = arith.constant 16 : i32
      %mul3A_292 = arith.muli %scan3A_91, %mul3A_291 : i32
      %add3A_293 = arith.constant 14 : i32
      %add3A_294 = arith.addi %mul3A_292, %add3A_293 : i32
      %slice3A_295 = vector.extract_strided_slice %get3A_97 {offsets = [14], sizes = [1], strides = [1]} : vector<16xi32> to vector<1xi32>
      %squeeze3A_296 = vector.extract %slice3A_295[0] : i32 from vector<1xi32>
      %dma_start3A_297 = arith.constant 0 : i32
      %dma_start3A_298 = tpu.memref_slice %arg8[%add3A_294, %dma_start3A_297] : memref<256x64xf32, #tpu.memory_space<vmem>> -> memref<1x64xf32, #tpu.memory_space<vmem>>
      %dma_start3A_299 = arith.constant 0 : i32
      %dma_start3A_300 = tpu.memref_slice %arg4[%squeeze3A_296, %dma_start3A_299] : memref<1000001x64xf32, #tpu.memory_space<hbm>> -> memref<1x64xf32, #tpu.memory_space<hbm>>
      %dma_start3A_301 = arith.constant 0 : i32
      %dma_start3A_302 = tpu.memref_slice %arg4[%squeeze3A_296, %dma_start3A_301] : memref<1000001x64xf32, #tpu.memory_space<hbm>> -> memref<1x64xf32, #tpu.memory_space<hbm>>
      %dma_start3A_303 = arith.constant 0 : i32
      %dma_start3A_304 = tpu.memref_slice %arg8[%add3A_294, %dma_start3A_303] : memref<256x64xf32, #tpu.memory_space<vmem>> -> memref<1x64xf32, #tpu.memory_space<vmem>>
      tpu.enqueue_dma source(%dma_start3A_304 : memref<1x64xf32, #tpu.memory_space<vmem>>) target(%dma_start3A_302 : memref<1x64xf32, #tpu.memory_space<hbm>>) target_semaphore(%arg11 : memref<!tpu.dma_semaphore, #tpu.memory_space<semaphore_mem>>)
      %mul3A_305 = arith.constant 16 : i32
      %mul3A_306 = arith.muli %scan3A_91, %mul3A_305 : i32
      %add3A_307 = arith.constant 15 : i32
      %add3A_308 = arith.addi %mul3A_306, %add3A_307 : i32
      %slice3A_309 = vector.extract_strided_slice %get3A_97 {offsets = [15], sizes = [1], strides = [1]} : vector<16xi32> to vector<1xi32>
      %squeeze3A_310 = vector.extract %slice3A_309[0] : i32 from vector<1xi32>
      %dma_start3A_311 = arith.constant 0 : i32
      %dma_start3A_312 = tpu.memref_slice %arg8[%add3A_308, %dma_start3A_311] : memref<256x64xf32, #tpu.memory_space<vmem>> -> memref<1x64xf32, #tpu.memory_space<vmem>>
      %dma_start3A_313 = arith.constant 0 : i32
      %dma_start3A_314 = tpu.memref_slice %arg4[%squeeze3A_310, %dma_start3A_313] : memref<1000001x64xf32, #tpu.memory_space<hbm>> -> memref<1x64xf32, #tpu.memory_space<hbm>>
      %dma_start3A_315 = arith.constant 0 : i32
      %dma_start3A_316 = tpu.memref_slice %arg4[%squeeze3A_310, %dma_start3A_315] : memref<1000001x64xf32, #tpu.memory_space<hbm>> -> memref<1x64xf32, #tpu.memory_space<hbm>>
      %dma_start3A_317 = arith.constant 0 : i32
      %dma_start3A_318 = tpu.memref_slice %arg8[%add3A_308, %dma_start3A_317] : memref<256x64xf32, #tpu.memory_space<vmem>> -> memref<1x64xf32, #tpu.memory_space<vmem>>
      tpu.enqueue_dma source(%dma_start3A_318 : memref<1x64xf32, #tpu.memory_space<vmem>>) target(%dma_start3A_316 : memref<1x64xf32, #tpu.memory_space<hbm>>) target_semaphore(%arg11 : memref<!tpu.dma_semaphore, #tpu.memory_space<semaphore_mem>>)
      %gt3A = arith.constant 0 : i32
      %gt3A_319 = arith.cmpi sgt, %scan3A_91, %gt3A : i32
      %convert_element_type3A = arith.extui %gt3A_319 : i1 to i32
      %cond3A = arith.constant 0 : i32
      %cond3A_320 = arith.cmpi ne, %convert_element_type3A, %cond3A : i32
      scf.if %cond3A_320 {
        %sub3A = arith.constant 1 : i32
        %sub3A_321 = arith.subi %scan3A_91, %sub3A : i32
        %mul3A_322 = arith.constant 16 : i32
        %mul3A_323 = arith.muli %sub3A_321, %mul3A_322 : i32
        %dma_wait3A_324 = arith.constant 0 : i32
        %dma_wait3A_325 = tpu.memref_slice %arg8[%mul3A_323, %dma_wait3A_324] : memref<256x64xf32, #tpu.memory_space<vmem>> -> memref<16x64xf32, #tpu.memory_space<vmem>>
        %dma_wait3A_326 = arith.constant 0 : i32
        %dma_wait3A_327 = arith.constant 0 : i32
        %dma_wait3A_328 = tpu.memref_slice %arg4[%dma_wait3A_326, %dma_wait3A_327] : memref<1000001x64xf32, #tpu.memory_space<hbm>> -> memref<16x64xf32, #tpu.memory_space<hbm>>
        %dma_wait3A_329 = arith.constant 0 : i32
        %dma_wait3A_330 = arith.constant 0 : i32
        %dma_wait3A_331 = tpu.memref_slice %arg4[%dma_wait3A_329, %dma_wait3A_330] : memref<1000001x64xf32, #tpu.memory_space<hbm>> -> memref<16x64xf32, #tpu.memory_space<hbm>>
        %dma_wait3A_332 = arith.constant 0 : i32
        %dma_wait3A_333 = tpu.memref_slice %arg8[%mul3A_323, %dma_wait3A_332] : memref<256x64xf32, #tpu.memory_space<vmem>> -> memref<16x64xf32, #tpu.memory_space<vmem>>
        tpu.wait_dma2 semaphore(%arg11 : memref<!tpu.dma_semaphore, #tpu.memory_space<semaphore_mem>>) src(%dma_wait3A_333 : memref<16x64xf32, #tpu.memory_space<vmem>>) dst(%dma_wait3A_331 : memref<16x64xf32, #tpu.memory_space<hbm>>)
      } else {
      }
    }
    %scan3A_60 = arith.constant 16 : i32
    %dma_wait3A_61 = arith.constant 240 : i32
    %dma_wait3A_62 = arith.constant 0 : i32
    %dma_wait3A_63 = tpu.memref_slice %arg8[%dma_wait3A_61, %dma_wait3A_62] : memref<256x64xf32, #tpu.memory_space<vmem>> -> memref<16x64xf32, #tpu.memory_space<vmem>>
    %dma_wait3A_64 = arith.constant 0 : i32
    %dma_wait3A_65 = arith.constant 0 : i32
    %dma_wait3A_66 = tpu.memref_slice %arg4[%dma_wait3A_64, %dma_wait3A_65] : memref<1000001x64xf32, #tpu.memory_space<hbm>> -> memref<16x64xf32, #tpu.memory_space<hbm>>
    %dma_wait3A_67 = arith.constant 0 : i32
    %dma_wait3A_68 = arith.constant 0 : i32
    %dma_wait3A_69 = tpu.memref_slice %arg4[%dma_wait3A_67, %dma_wait3A_68] : memref<1000001x64xf32, #tpu.memory_space<hbm>> -> memref<16x64xf32, #tpu.memory_space<hbm>>
    %dma_wait3A_70 = arith.constant 240 : i32
    %dma_wait3A_71 = arith.constant 0 : i32
    %dma_wait3A_72 = tpu.memref_slice %arg8[%dma_wait3A_70, %dma_wait3A_71] : memref<256x64xf32, #tpu.memory_space<vmem>> -> memref<16x64xf32, #tpu.memory_space<vmem>>
    tpu.wait_dma2 semaphore(%arg11 : memref<!tpu.dma_semaphore, #tpu.memory_space<semaphore_mem>>) src(%dma_wait3A_72 : memref<16x64xf32, #tpu.memory_space<vmem>>) dst(%dma_wait3A_69 : memref<16x64xf32, #tpu.memory_space<hbm>>)
    %scan3A_73 = arith.constant 0 : i32
    %scan3A_74 = arith.constant 0 : i32
    %scan3A_75 = arith.constant 16 : i32
    %scan3A_76 = arith.addi %scan3A_74, %scan3A_75 : i32
    %scan3A_77 = arith.constant 1 : i32
    scf.for %scan3A_91 = %scan3A_74 to %scan3A_76 step %scan3A_77  : i32 {
      %mul3A_92 = arith.constant 16 : i32
      %mul3A_93 = arith.muli %scan3A_91, %mul3A_92 : i32
      %add3A_94 = arith.constant 256 : i32
      %add3A_95 = arith.addi %add3A_94, %mul3A_93 : i32
      %get3A = arith.index_cast %add3A_95 : i32 to index
      %get3A_96 = tpu.vector_load %arg7[%get3A] {strides = array<i32>} : memref<512xi32, #tpu.memory_space<vmem>>, vector<16xi32>,
      %get3A_97 = vector.shape_cast %get3A_96 : vector<16xi32> to vector<16xi32>
      %mul3A_98 = arith.constant 16 : i32
      %mul3A_99 = arith.muli %scan3A_91, %mul3A_98 : i32
      %add3A_100 = arith.constant 0 : i32
      %add3A_101 = arith.addi %mul3A_99, %add3A_100 : i32
      %slice3A = vector.extract_strided_slice %get3A_97 {offsets = [0], sizes = [1], strides = [1]} : vector<16xi32> to vector<1xi32>
      %squeeze3A = vector.extract %slice3A[0] : i32 from vector<1xi32>
      %dma_start3A = arith.constant 0 : i32
      %dma_start3A_102 = tpu.memref_slice %arg9[%add3A_101, %dma_start3A] : memref<256x64xf32, #tpu.memory_space<vmem>> -> memref<1x64xf32, #tpu.memory_space<vmem>>
      %dma_start3A_103 = arith.constant 0 : i32
      %dma_start3A_104 = tpu.memref_slice %arg4[%squeeze3A, %dma_start3A_103] : memref<1000001x64xf32, #tpu.memory_space<hbm>> -> memref<1x64xf32, #tpu.memory_space<hbm>>
      %dma_start3A_105 = arith.constant 0 : i32
      %dma_start3A_106 = tpu.memref_slice %arg4[%squeeze3A, %dma_start3A_105] : memref<1000001x64xf32, #tpu.memory_space<hbm>> -> memref<1x64xf32, #tpu.memory_space<hbm>>
      %dma_start3A_107 = arith.constant 0 : i32
      %dma_start3A_108 = tpu.memref_slice %arg9[%add3A_101, %dma_start3A_107] : memref<256x64xf32, #tpu.memory_space<vmem>> -> memref<1x64xf32, #tpu.memory_space<vmem>>
      tpu.enqueue_dma source(%dma_start3A_108 : memref<1x64xf32, #tpu.memory_space<vmem>>) target(%dma_start3A_106 : memref<1x64xf32, #tpu.memory_space<hbm>>) target_semaphore(%arg11 : memref<!tpu.dma_semaphore, #tpu.memory_space<semaphore_mem>>)
      %mul3A_109 = arith.constant 16 : i32
      %mul3A_110 = arith.muli %scan3A_91, %mul3A_109 : i32
      %add3A_111 = arith.constant 1 : i32
      %add3A_112 = arith.addi %mul3A_110, %add3A_111 : i32
      %slice3A_113 = vector.extract_strided_slice %get3A_97 {offsets = [1], sizes = [1], strides = [1]} : vector<16xi32> to vector<1xi32>
      %squeeze3A_114 = vector.extract %slice3A_113[0] : i32 from vector<1xi32>
      %dma_start3A_115 = arith.constant 0 : i32
      %dma_start3A_116 = tpu.memref_slice %arg9[%add3A_112, %dma_start3A_115] : memref<256x64xf32, #tpu.memory_space<vmem>> -> memref<1x64xf32, #tpu.memory_space<vmem>>
      %dma_start3A_117 = arith.constant 0 : i32
      %dma_start3A_118 = tpu.memref_slice %arg4[%squeeze3A_114, %dma_start3A_117] : memref<1000001x64xf32, #tpu.memory_space<hbm>> -> memref<1x64xf32, #tpu.memory_space<hbm>>
      %dma_start3A_119 = arith.constant 0 : i32
      %dma_start3A_120 = tpu.memref_slice %arg4[%squeeze3A_114, %dma_start3A_119] : memref<1000001x64xf32, #tpu.memory_space<hbm>> -> memref<1x64xf32, #tpu.memory_space<hbm>>
      %dma_start3A_121 = arith.constant 0 : i32
      %dma_start3A_122 = tpu.memref_slice %arg9[%add3A_112, %dma_start3A_121] : memref<256x64xf32, #tpu.memory_space<vmem>> -> memref<1x64xf32, #tpu.memory_space<vmem>>
      tpu.enqueue_dma source(%dma_start3A_122 : memref<1x64xf32, #tpu.memory_space<vmem>>) target(%dma_start3A_120 : memref<1x64xf32, #tpu.memory_space<hbm>>) target_semaphore(%arg11 : memref<!tpu.dma_semaphore, #tpu.memory_space<semaphore_mem>>)
      %mul3A_123 = arith.constant 16 : i32
      %mul3A_124 = arith.muli %scan3A_91, %mul3A_123 : i32
      %add3A_125 = arith.constant 2 : i32
      %add3A_126 = arith.addi %mul3A_124, %add3A_125 : i32
      %slice3A_127 = vector.extract_strided_slice %get3A_97 {offsets = [2], sizes = [1], strides = [1]} : vector<16xi32> to vector<1xi32>
      %squeeze3A_128 = vector.extract %slice3A_127[0] : i32 from vector<1xi32>
      %dma_start3A_129 = arith.constant 0 : i32
      %dma_start3A_130 = tpu.memref_slice %arg9[%add3A_126, %dma_start3A_129] : memref<256x64xf32, #tpu.memory_space<vmem>> -> memref<1x64xf32, #tpu.memory_space<vmem>>
      %dma_start3A_131 = arith.constant 0 : i32
      %dma_start3A_132 = tpu.memref_slice %arg4[%squeeze3A_128, %dma_start3A_131] : memref<1000001x64xf32, #tpu.memory_space<hbm>> -> memref<1x64xf32, #tpu.memory_space<hbm>>
      %dma_start3A_133 = arith.constant 0 : i32
      %dma_start3A_134 = tpu.memref_slice %arg4[%squeeze3A_128, %dma_start3A_133] : memref<1000001x64xf32, #tpu.memory_space<hbm>> -> memref<1x64xf32, #tpu.memory_space<hbm>>
      %dma_start3A_135 = arith.constant 0 : i32
      %dma_start3A_136 = tpu.memref_slice %arg9[%add3A_126, %dma_start3A_135] : memref<256x64xf32, #tpu.memory_space<vmem>> -> memref<1x64xf32, #tpu.memory_space<vmem>>
      tpu.enqueue_dma source(%dma_start3A_136 : memref<1x64xf32, #tpu.memory_space<vmem>>) target(%dma_start3A_134 : memref<1x64xf32, #tpu.memory_space<hbm>>) target_semaphore(%arg11 : memref<!tpu.dma_semaphore, #tpu.memory_space<semaphore_mem>>)
      %mul3A_137 = arith.constant 16 : i32
      %mul3A_138 = arith.muli %scan3A_91, %mul3A_137 : i32
      %add3A_139 = arith.constant 3 : i32
      %add3A_140 = arith.addi %mul3A_138, %add3A_139 : i32
      %slice3A_141 = vector.extract_strided_slice %get3A_97 {offsets = [3], sizes = [1], strides = [1]} : vector<16xi32> to vector<1xi32>
      %squeeze3A_142 = vector.extract %slice3A_141[0] : i32 from vector<1xi32>
      %dma_start3A_143 = arith.constant 0 : i32
      %dma_start3A_144 = tpu.memref_slice %arg9[%add3A_140, %dma_start3A_143] : memref<256x64xf32, #tpu.memory_space<vmem>> -> memref<1x64xf32, #tpu.memory_space<vmem>>
      %dma_start3A_145 = arith.constant 0 : i32
      %dma_start3A_146 = tpu.memref_slice %arg4[%squeeze3A_142, %dma_start3A_145] : memref<1000001x64xf32, #tpu.memory_space<hbm>> -> memref<1x64xf32, #tpu.memory_space<hbm>>
      %dma_start3A_147 = arith.constant 0 : i32
      %dma_start3A_148 = tpu.memref_slice %arg4[%squeeze3A_142, %dma_start3A_147] : memref<1000001x64xf32, #tpu.memory_space<hbm>> -> memref<1x64xf32, #tpu.memory_space<hbm>>
      %dma_start3A_149 = arith.constant 0 : i32
      %dma_start3A_150 = tpu.memref_slice %arg9[%add3A_140, %dma_start3A_149] : memref<256x64xf32, #tpu.memory_space<vmem>> -> memref<1x64xf32, #tpu.memory_space<vmem>>
      tpu.enqueue_dma source(%dma_start3A_150 : memref<1x64xf32, #tpu.memory_space<vmem>>) target(%dma_start3A_148 : memref<1x64xf32, #tpu.memory_space<hbm>>) target_semaphore(%arg11 : memref<!tpu.dma_semaphore, #tpu.memory_space<semaphore_mem>>)
      %mul3A_151 = arith.constant 16 : i32
      %mul3A_152 = arith.muli %scan3A_91, %mul3A_151 : i32
      %add3A_153 = arith.constant 4 : i32
      %add3A_154 = arith.addi %mul3A_152, %add3A_153 : i32
      %slice3A_155 = vector.extract_strided_slice %get3A_97 {offsets = [4], sizes = [1], strides = [1]} : vector<16xi32> to vector<1xi32>
      %squeeze3A_156 = vector.extract %slice3A_155[0] : i32 from vector<1xi32>
      %dma_start3A_157 = arith.constant 0 : i32
      %dma_start3A_158 = tpu.memref_slice %arg9[%add3A_154, %dma_start3A_157] : memref<256x64xf32, #tpu.memory_space<vmem>> -> memref<1x64xf32, #tpu.memory_space<vmem>>
      %dma_start3A_159 = arith.constant 0 : i32
      %dma_start3A_160 = tpu.memref_slice %arg4[%squeeze3A_156, %dma_start3A_159] : memref<1000001x64xf32, #tpu.memory_space<hbm>> -> memref<1x64xf32, #tpu.memory_space<hbm>>
      %dma_start3A_161 = arith.constant 0 : i32
      %dma_start3A_162 = tpu.memref_slice %arg4[%squeeze3A_156, %dma_start3A_161] : memref<1000001x64xf32, #tpu.memory_space<hbm>> -> memref<1x64xf32, #tpu.memory_space<hbm>>
      %dma_start3A_163 = arith.constant 0 : i32
      %dma_start3A_164 = tpu.memref_slice %arg9[%add3A_154, %dma_start3A_163] : memref<256x64xf32, #tpu.memory_space<vmem>> -> memref<1x64xf32, #tpu.memory_space<vmem>>
      tpu.enqueue_dma source(%dma_start3A_164 : memref<1x64xf32, #tpu.memory_space<vmem>>) target(%dma_start3A_162 : memref<1x64xf32, #tpu.memory_space<hbm>>) target_semaphore(%arg11 : memref<!tpu.dma_semaphore, #tpu.memory_space<semaphore_mem>>)
      %mul3A_165 = arith.constant 16 : i32
      %mul3A_166 = arith.muli %scan3A_91, %mul3A_165 : i32
      %add3A_167 = arith.constant 5 : i32
      %add3A_168 = arith.addi %mul3A_166, %add3A_167 : i32
      %slice3A_169 = vector.extract_strided_slice %get3A_97 {offsets = [5], sizes = [1], strides = [1]} : vector<16xi32> to vector<1xi32>
      %squeeze3A_170 = vector.extract %slice3A_169[0] : i32 from vector<1xi32>
      %dma_start3A_171 = arith.constant 0 : i32
      %dma_start3A_172 = tpu.memref_slice %arg9[%add3A_168, %dma_start3A_171] : memref<256x64xf32, #tpu.memory_space<vmem>> -> memref<1x64xf32, #tpu.memory_space<vmem>>
      %dma_start3A_173 = arith.constant 0 : i32
      %dma_start3A_174 = tpu.memref_slice %arg4[%squeeze3A_170, %dma_start3A_173] : memref<1000001x64xf32, #tpu.memory_space<hbm>> -> memref<1x64xf32, #tpu.memory_space<hbm>>
      %dma_start3A_175 = arith.constant 0 : i32
      %dma_start3A_176 = tpu.memref_slice %arg4[%squeeze3A_170, %dma_start3A_175] : memref<1000001x64xf32, #tpu.memory_space<hbm>> -> memref<1x64xf32, #tpu.memory_space<hbm>>
      %dma_start3A_177 = arith.constant 0 : i32
      %dma_start3A_178 = tpu.memref_slice %arg9[%add3A_168, %dma_start3A_177] : memref<256x64xf32, #tpu.memory_space<vmem>> -> memref<1x64xf32, #tpu.memory_space<vmem>>
      tpu.enqueue_dma source(%dma_start3A_178 : memref<1x64xf32, #tpu.memory_space<vmem>>) target(%dma_start3A_176 : memref<1x64xf32, #tpu.memory_space<hbm>>) target_semaphore(%arg11 : memref<!tpu.dma_semaphore, #tpu.memory_space<semaphore_mem>>)
      %mul3A_179 = arith.constant 16 : i32
      %mul3A_180 = arith.muli %scan3A_91, %mul3A_179 : i32
      %add3A_181 = arith.constant 6 : i32
      %add3A_182 = arith.addi %mul3A_180, %add3A_181 : i32
      %slice3A_183 = vector.extract_strided_slice %get3A_97 {offsets = [6], sizes = [1], strides = [1]} : vector<16xi32> to vector<1xi32>
      %squeeze3A_184 = vector.extract %slice3A_183[0] : i32 from vector<1xi32>
      %dma_start3A_185 = arith.constant 0 : i32
      %dma_start3A_186 = tpu.memref_slice %arg9[%add3A_182, %dma_start3A_185] : memref<256x64xf32, #tpu.memory_space<vmem>> -> memref<1x64xf32, #tpu.memory_space<vmem>>
      %dma_start3A_187 = arith.constant 0 : i32
      %dma_start3A_188 = tpu.memref_slice %arg4[%squeeze3A_184, %dma_start3A_187] : memref<1000001x64xf32, #tpu.memory_space<hbm>> -> memref<1x64xf32, #tpu.memory_space<hbm>>
      %dma_start3A_189 = arith.constant 0 : i32
      %dma_start3A_190 = tpu.memref_slice %arg4[%squeeze3A_184, %dma_start3A_189] : memref<1000001x64xf32, #tpu.memory_space<hbm>> -> memref<1x64xf32, #tpu.memory_space<hbm>>
      %dma_start3A_191 = arith.constant 0 : i32
      %dma_start3A_192 = tpu.memref_slice %arg9[%add3A_182, %dma_start3A_191] : memref<256x64xf32, #tpu.memory_space<vmem>> -> memref<1x64xf32, #tpu.memory_space<vmem>>
      tpu.enqueue_dma source(%dma_start3A_192 : memref<1x64xf32, #tpu.memory_space<vmem>>) target(%dma_start3A_190 : memref<1x64xf32, #tpu.memory_space<hbm>>) target_semaphore(%arg11 : memref<!tpu.dma_semaphore, #tpu.memory_space<semaphore_mem>>)
      %mul3A_193 = arith.constant 16 : i32
      %mul3A_194 = arith.muli %scan3A_91, %mul3A_193 : i32
      %add3A_195 = arith.constant 7 : i32
      %add3A_196 = arith.addi %mul3A_194, %add3A_195 : i32
      %slice3A_197 = vector.extract_strided_slice %get3A_97 {offsets = [7], sizes = [1], strides = [1]} : vector<16xi32> to vector<1xi32>
      %squeeze3A_198 = vector.extract %slice3A_197[0] : i32 from vector<1xi32>
      %dma_start3A_199 = arith.constant 0 : i32
      %dma_start3A_200 = tpu.memref_slice %arg9[%add3A_196, %dma_start3A_199] : memref<256x64xf32, #tpu.memory_space<vmem>> -> memref<1x64xf32, #tpu.memory_space<vmem>>
      %dma_start3A_201 = arith.constant 0 : i32
      %dma_start3A_202 = tpu.memref_slice %arg4[%squeeze3A_198, %dma_start3A_201] : memref<1000001x64xf32, #tpu.memory_space<hbm>> -> memref<1x64xf32, #tpu.memory_space<hbm>>
      %dma_start3A_203 = arith.constant 0 : i32
      %dma_start3A_204 = tpu.memref_slice %arg4[%squeeze3A_198, %dma_start3A_203] : memref<1000001x64xf32, #tpu.memory_space<hbm>> -> memref<1x64xf32, #tpu.memory_space<hbm>>
      %dma_start3A_205 = arith.constant 0 : i32
      %dma_start3A_206 = tpu.memref_slice %arg9[%add3A_196, %dma_start3A_205] : memref<256x64xf32, #tpu.memory_space<vmem>> -> memref<1x64xf32, #tpu.memory_space<vmem>>
      tpu.enqueue_dma source(%dma_start3A_206 : memref<1x64xf32, #tpu.memory_space<vmem>>) target(%dma_start3A_204 : memref<1x64xf32, #tpu.memory_space<hbm>>) target_semaphore(%arg11 : memref<!tpu.dma_semaphore, #tpu.memory_space<semaphore_mem>>)
      %mul3A_207 = arith.constant 16 : i32
      %mul3A_208 = arith.muli %scan3A_91, %mul3A_207 : i32
      %add3A_209 = arith.constant 8 : i32
      %add3A_210 = arith.addi %mul3A_208, %add3A_209 : i32
      %slice3A_211 = vector.extract_strided_slice %get3A_97 {offsets = [8], sizes = [1], strides = [1]} : vector<16xi32> to vector<1xi32>
      %squeeze3A_212 = vector.extract %slice3A_211[0] : i32 from vector<1xi32>
      %dma_start3A_213 = arith.constant 0 : i32
      %dma_start3A_214 = tpu.memref_slice %arg9[%add3A_210, %dma_start3A_213] : memref<256x64xf32, #tpu.memory_space<vmem>> -> memref<1x64xf32, #tpu.memory_space<vmem>>
      %dma_start3A_215 = arith.constant 0 : i32
      %dma_start3A_216 = tpu.memref_slice %arg4[%squeeze3A_212, %dma_start3A_215] : memref<1000001x64xf32, #tpu.memory_space<hbm>> -> memref<1x64xf32, #tpu.memory_space<hbm>>
      %dma_start3A_217 = arith.constant 0 : i32
      %dma_start3A_218 = tpu.memref_slice %arg4[%squeeze3A_212, %dma_start3A_217] : memref<1000001x64xf32, #tpu.memory_space<hbm>> -> memref<1x64xf32, #tpu.memory_space<hbm>>
      %dma_start3A_219 = arith.constant 0 : i32
      %dma_start3A_220 = tpu.memref_slice %arg9[%add3A_210, %dma_start3A_219] : memref<256x64xf32, #tpu.memory_space<vmem>> -> memref<1x64xf32, #tpu.memory_space<vmem>>
      tpu.enqueue_dma source(%dma_start3A_220 : memref<1x64xf32, #tpu.memory_space<vmem>>) target(%dma_start3A_218 : memref<1x64xf32, #tpu.memory_space<hbm>>) target_semaphore(%arg11 : memref<!tpu.dma_semaphore, #tpu.memory_space<semaphore_mem>>)
      %mul3A_221 = arith.constant 16 : i32
      %mul3A_222 = arith.muli %scan3A_91, %mul3A_221 : i32
      %add3A_223 = arith.constant 9 : i32
      %add3A_224 = arith.addi %mul3A_222, %add3A_223 : i32
      %slice3A_225 = vector.extract_strided_slice %get3A_97 {offsets = [9], sizes = [1], strides = [1]} : vector<16xi32> to vector<1xi32>
      %squeeze3A_226 = vector.extract %slice3A_225[0] : i32 from vector<1xi32>
      %dma_start3A_227 = arith.constant 0 : i32
      %dma_start3A_228 = tpu.memref_slice %arg9[%add3A_224, %dma_start3A_227] : memref<256x64xf32, #tpu.memory_space<vmem>> -> memref<1x64xf32, #tpu.memory_space<vmem>>
      %dma_start3A_229 = arith.constant 0 : i32
      %dma_start3A_230 = tpu.memref_slice %arg4[%squeeze3A_226, %dma_start3A_229] : memref<1000001x64xf32, #tpu.memory_space<hbm>> -> memref<1x64xf32, #tpu.memory_space<hbm>>
      %dma_start3A_231 = arith.constant 0 : i32
      %dma_start3A_232 = tpu.memref_slice %arg4[%squeeze3A_226, %dma_start3A_231] : memref<1000001x64xf32, #tpu.memory_space<hbm>> -> memref<1x64xf32, #tpu.memory_space<hbm>>
      %dma_start3A_233 = arith.constant 0 : i32
      %dma_start3A_234 = tpu.memref_slice %arg9[%add3A_224, %dma_start3A_233] : memref<256x64xf32, #tpu.memory_space<vmem>> -> memref<1x64xf32, #tpu.memory_space<vmem>>
      tpu.enqueue_dma source(%dma_start3A_234 : memref<1x64xf32, #tpu.memory_space<vmem>>) target(%dma_start3A_232 : memref<1x64xf32, #tpu.memory_space<hbm>>) target_semaphore(%arg11 : memref<!tpu.dma_semaphore, #tpu.memory_space<semaphore_mem>>)
      %mul3A_235 = arith.constant 16 : i32
      %mul3A_236 = arith.muli %scan3A_91, %mul3A_235 : i32
      %add3A_237 = arith.constant 10 : i32
      %add3A_238 = arith.addi %mul3A_236, %add3A_237 : i32
      %slice3A_239 = vector.extract_strided_slice %get3A_97 {offsets = [10], sizes = [1], strides = [1]} : vector<16xi32> to vector<1xi32>
      %squeeze3A_240 = vector.extract %slice3A_239[0] : i32 from vector<1xi32>
      %dma_start3A_241 = arith.constant 0 : i32
      %dma_start3A_242 = tpu.memref_slice %arg9[%add3A_238, %dma_start3A_241] : memref<256x64xf32, #tpu.memory_space<vmem>> -> memref<1x64xf32, #tpu.memory_space<vmem>>
      %dma_start3A_243 = arith.constant 0 : i32
      %dma_start3A_244 = tpu.memref_slice %arg4[%squeeze3A_240, %dma_start3A_243] : memref<1000001x64xf32, #tpu.memory_space<hbm>> -> memref<1x64xf32, #tpu.memory_space<hbm>>
      %dma_start3A_245 = arith.constant 0 : i32
      %dma_start3A_246 = tpu.memref_slice %arg4[%squeeze3A_240, %dma_start3A_245] : memref<1000001x64xf32, #tpu.memory_space<hbm>> -> memref<1x64xf32, #tpu.memory_space<hbm>>
      %dma_start3A_247 = arith.constant 0 : i32
      %dma_start3A_248 = tpu.memref_slice %arg9[%add3A_238, %dma_start3A_247] : memref<256x64xf32, #tpu.memory_space<vmem>> -> memref<1x64xf32, #tpu.memory_space<vmem>>
      tpu.enqueue_dma source(%dma_start3A_248 : memref<1x64xf32, #tpu.memory_space<vmem>>) target(%dma_start3A_246 : memref<1x64xf32, #tpu.memory_space<hbm>>) target_semaphore(%arg11 : memref<!tpu.dma_semaphore, #tpu.memory_space<semaphore_mem>>)
      %mul3A_249 = arith.constant 16 : i32
      %mul3A_250 = arith.muli %scan3A_91, %mul3A_249 : i32
      %add3A_251 = arith.constant 11 : i32
      %add3A_252 = arith.addi %mul3A_250, %add3A_251 : i32
      %slice3A_253 = vector.extract_strided_slice %get3A_97 {offsets = [11], sizes = [1], strides = [1]} : vector<16xi32> to vector<1xi32>
      %squeeze3A_254 = vector.extract %slice3A_253[0] : i32 from vector<1xi32>
      %dma_start3A_255 = arith.constant 0 : i32
      %dma_start3A_256 = tpu.memref_slice %arg9[%add3A_252, %dma_start3A_255] : memref<256x64xf32, #tpu.memory_space<vmem>> -> memref<1x64xf32, #tpu.memory_space<vmem>>
      %dma_start3A_257 = arith.constant 0 : i32
      %dma_start3A_258 = tpu.memref_slice %arg4[%squeeze3A_254, %dma_start3A_257] : memref<1000001x64xf32, #tpu.memory_space<hbm>> -> memref<1x64xf32, #tpu.memory_space<hbm>>
      %dma_start3A_259 = arith.constant 0 : i32
      %dma_start3A_260 = tpu.memref_slice %arg4[%squeeze3A_254, %dma_start3A_259] : memref<1000001x64xf32, #tpu.memory_space<hbm>> -> memref<1x64xf32, #tpu.memory_space<hbm>>
      %dma_start3A_261 = arith.constant 0 : i32
      %dma_start3A_262 = tpu.memref_slice %arg9[%add3A_252, %dma_start3A_261] : memref<256x64xf32, #tpu.memory_space<vmem>> -> memref<1x64xf32, #tpu.memory_space<vmem>>
      tpu.enqueue_dma source(%dma_start3A_262 : memref<1x64xf32, #tpu.memory_space<vmem>>) target(%dma_start3A_260 : memref<1x64xf32, #tpu.memory_space<hbm>>) target_semaphore(%arg11 : memref<!tpu.dma_semaphore, #tpu.memory_space<semaphore_mem>>)
      %mul3A_263 = arith.constant 16 : i32
      %mul3A_264 = arith.muli %scan3A_91, %mul3A_263 : i32
      %add3A_265 = arith.constant 12 : i32
      %add3A_266 = arith.addi %mul3A_264, %add3A_265 : i32
      %slice3A_267 = vector.extract_strided_slice %get3A_97 {offsets = [12], sizes = [1], strides = [1]} : vector<16xi32> to vector<1xi32>
      %squeeze3A_268 = vector.extract %slice3A_267[0] : i32 from vector<1xi32>
      %dma_start3A_269 = arith.constant 0 : i32
      %dma_start3A_270 = tpu.memref_slice %arg9[%add3A_266, %dma_start3A_269] : memref<256x64xf32, #tpu.memory_space<vmem>> -> memref<1x64xf32, #tpu.memory_space<vmem>>
      %dma_start3A_271 = arith.constant 0 : i32
      %dma_start3A_272 = tpu.memref_slice %arg4[%squeeze3A_268, %dma_start3A_271] : memref<1000001x64xf32, #tpu.memory_space<hbm>> -> memref<1x64xf32, #tpu.memory_space<hbm>>
      %dma_start3A_273 = arith.constant 0 : i32
      %dma_start3A_274 = tpu.memref_slice %arg4[%squeeze3A_268, %dma_start3A_273] : memref<1000001x64xf32, #tpu.memory_space<hbm>> -> memref<1x64xf32, #tpu.memory_space<hbm>>
      %dma_start3A_275 = arith.constant 0 : i32
      %dma_start3A_276 = tpu.memref_slice %arg9[%add3A_266, %dma_start3A_275] : memref<256x64xf32, #tpu.memory_space<vmem>> -> memref<1x64xf32, #tpu.memory_space<vmem>>
      tpu.enqueue_dma source(%dma_start3A_276 : memref<1x64xf32, #tpu.memory_space<vmem>>) target(%dma_start3A_274 : memref<1x64xf32, #tpu.memory_space<hbm>>) target_semaphore(%arg11 : memref<!tpu.dma_semaphore, #tpu.memory_space<semaphore_mem>>)
      %mul3A_277 = arith.constant 16 : i32
      %mul3A_278 = arith.muli %scan3A_91, %mul3A_277 : i32
      %add3A_279 = arith.constant 13 : i32
      %add3A_280 = arith.addi %mul3A_278, %add3A_279 : i32
      %slice3A_281 = vector.extract_strided_slice %get3A_97 {offsets = [13], sizes = [1], strides = [1]} : vector<16xi32> to vector<1xi32>
      %squeeze3A_282 = vector.extract %slice3A_281[0] : i32 from vector<1xi32>
      %dma_start3A_283 = arith.constant 0 : i32
      %dma_start3A_284 = tpu.memref_slice %arg9[%add3A_280, %dma_start3A_283] : memref<256x64xf32, #tpu.memory_space<vmem>> -> memref<1x64xf32, #tpu.memory_space<vmem>>
      %dma_start3A_285 = arith.constant 0 : i32
      %dma_start3A_286 = tpu.memref_slice %arg4[%squeeze3A_282, %dma_start3A_285] : memref<1000001x64xf32, #tpu.memory_space<hbm>> -> memref<1x64xf32, #tpu.memory_space<hbm>>
      %dma_start3A_287 = arith.constant 0 : i32
      %dma_start3A_288 = tpu.memref_slice %arg4[%squeeze3A_282, %dma_start3A_287] : memref<1000001x64xf32, #tpu.memory_space<hbm>> -> memref<1x64xf32, #tpu.memory_space<hbm>>
      %dma_start3A_289 = arith.constant 0 : i32
      %dma_start3A_290 = tpu.memref_slice %arg9[%add3A_280, %dma_start3A_289] : memref<256x64xf32, #tpu.memory_space<vmem>> -> memref<1x64xf32, #tpu.memory_space<vmem>>
      tpu.enqueue_dma source(%dma_start3A_290 : memref<1x64xf32, #tpu.memory_space<vmem>>) target(%dma_start3A_288 : memref<1x64xf32, #tpu.memory_space<hbm>>) target_semaphore(%arg11 : memref<!tpu.dma_semaphore, #tpu.memory_space<semaphore_mem>>)
      %mul3A_291 = arith.constant 16 : i32
      %mul3A_292 = arith.muli %scan3A_91, %mul3A_291 : i32
      %add3A_293 = arith.constant 14 : i32
      %add3A_294 = arith.addi %mul3A_292, %add3A_293 : i32
      %slice3A_295 = vector.extract_strided_slice %get3A_97 {offsets = [14], sizes = [1], strides = [1]} : vector<16xi32> to vector<1xi32>
      %squeeze3A_296 = vector.extract %slice3A_295[0] : i32 from vector<1xi32>
      %dma_start3A_297 = arith.constant 0 : i32
      %dma_start3A_298 = tpu.memref_slice %arg9[%add3A_294, %dma_start3A_297] : memref<256x64xf32, #tpu.memory_space<vmem>> -> memref<1x64xf32, #tpu.memory_space<vmem>>
      %dma_start3A_299 = arith.constant 0 : i32
      %dma_start3A_300 = tpu.memref_slice %arg4[%squeeze3A_296, %dma_start3A_299] : memref<1000001x64xf32, #tpu.memory_space<hbm>> -> memref<1x64xf32, #tpu.memory_space<hbm>>
      %dma_start3A_301 = arith.constant 0 : i32
      %dma_start3A_302 = tpu.memref_slice %arg4[%squeeze3A_296, %dma_start3A_301] : memref<1000001x64xf32, #tpu.memory_space<hbm>> -> memref<1x64xf32, #tpu.memory_space<hbm>>
      %dma_start3A_303 = arith.constant 0 : i32
      %dma_start3A_304 = tpu.memref_slice %arg9[%add3A_294, %dma_start3A_303] : memref<256x64xf32, #tpu.memory_space<vmem>> -> memref<1x64xf32, #tpu.memory_space<vmem>>
      tpu.enqueue_dma source(%dma_start3A_304 : memref<1x64xf32, #tpu.memory_space<vmem>>) target(%dma_start3A_302 : memref<1x64xf32, #tpu.memory_space<hbm>>) target_semaphore(%arg11 : memref<!tpu.dma_semaphore, #tpu.memory_space<semaphore_mem>>)
      %mul3A_305 = arith.constant 16 : i32
      %mul3A_306 = arith.muli %scan3A_91, %mul3A_305 : i32
      %add3A_307 = arith.constant 15 : i32
      %add3A_308 = arith.addi %mul3A_306, %add3A_307 : i32
      %slice3A_309 = vector.extract_strided_slice %get3A_97 {offsets = [15], sizes = [1], strides = [1]} : vector<16xi32> to vector<1xi32>
      %squeeze3A_310 = vector.extract %slice3A_309[0] : i32 from vector<1xi32>
      %dma_start3A_311 = arith.constant 0 : i32
      %dma_start3A_312 = tpu.memref_slice %arg9[%add3A_308, %dma_start3A_311] : memref<256x64xf32, #tpu.memory_space<vmem>> -> memref<1x64xf32, #tpu.memory_space<vmem>>
      %dma_start3A_313 = arith.constant 0 : i32
      %dma_start3A_314 = tpu.memref_slice %arg4[%squeeze3A_310, %dma_start3A_313] : memref<1000001x64xf32, #tpu.memory_space<hbm>> -> memref<1x64xf32, #tpu.memory_space<hbm>>
      %dma_start3A_315 = arith.constant 0 : i32
      %dma_start3A_316 = tpu.memref_slice %arg4[%squeeze3A_310, %dma_start3A_315] : memref<1000001x64xf32, #tpu.memory_space<hbm>> -> memref<1x64xf32, #tpu.memory_space<hbm>>
      %dma_start3A_317 = arith.constant 0 : i32
      %dma_start3A_318 = tpu.memref_slice %arg9[%add3A_308, %dma_start3A_317] : memref<256x64xf32, #tpu.memory_space<vmem>> -> memref<1x64xf32, #tpu.memory_space<vmem>>
      tpu.enqueue_dma source(%dma_start3A_318 : memref<1x64xf32, #tpu.memory_space<vmem>>) target(%dma_start3A_316 : memref<1x64xf32, #tpu.memory_space<hbm>>) target_semaphore(%arg11 : memref<!tpu.dma_semaphore, #tpu.memory_space<semaphore_mem>>)
      %gt3A = arith.constant 0 : i32
      %gt3A_319 = arith.cmpi sgt, %scan3A_91, %gt3A : i32
      %convert_element_type3A = arith.extui %gt3A_319 : i1 to i32
      %cond3A = arith.constant 0 : i32
      %cond3A_320 = arith.cmpi ne, %convert_element_type3A, %cond3A : i32
      scf.if %cond3A_320 {
        %sub3A = arith.constant 1 : i32
        %sub3A_321 = arith.subi %scan3A_91, %sub3A : i32
        %mul3A_322 = arith.constant 16 : i32
        %mul3A_323 = arith.muli %sub3A_321, %mul3A_322 : i32
        %dma_wait3A_324 = arith.constant 0 : i32
        %dma_wait3A_325 = tpu.memref_slice %arg9[%mul3A_323, %dma_wait3A_324] : memref<256x64xf32, #tpu.memory_space<vmem>> -> memref<16x64xf32, #tpu.memory_space<vmem>>
        %dma_wait3A_326 = arith.constant 0 : i32
        %dma_wait3A_327 = arith.constant 0 : i32
        %dma_wait3A_328 = tpu.memref_slice %arg4[%dma_wait3A_326, %dma_wait3A_327] : memref<1000001x64xf32, #tpu.memory_space<hbm>> -> memref<16x64xf32, #tpu.memory_space<hbm>>
        %dma_wait3A_329 = arith.constant 0 : i32
        %dma_wait3A_330 = arith.constant 0 : i32
        %dma_wait3A_331 = tpu.memref_slice %arg4[%dma_wait3A_329, %dma_wait3A_330] : memref<1000001x64xf32, #tpu.memory_space<hbm>> -> memref<16x64xf32, #tpu.memory_space<hbm>>
        %dma_wait3A_332 = arith.constant 0 : i32
        %dma_wait3A_333 = tpu.memref_slice %arg9[%mul3A_323, %dma_wait3A_332] : memref<256x64xf32, #tpu.memory_space<vmem>> -> memref<16x64xf32, #tpu.memory_space<vmem>>
        tpu.wait_dma2 semaphore(%arg11 : memref<!tpu.dma_semaphore, #tpu.memory_space<semaphore_mem>>) src(%dma_wait3A_333 : memref<16x64xf32, #tpu.memory_space<vmem>>) dst(%dma_wait3A_331 : memref<16x64xf32, #tpu.memory_space<hbm>>)
      } else {
      }
    }
    %scan3A_78 = arith.constant 16 : i32
    %dma_wait3A_79 = arith.constant 240 : i32
    %dma_wait3A_80 = arith.constant 0 : i32
    %dma_wait3A_81 = tpu.memref_slice %arg9[%dma_wait3A_79, %dma_wait3A_80] : memref<256x64xf32, #tpu.memory_space<vmem>> -> memref<16x64xf32, #tpu.memory_space<vmem>>
    %dma_wait3A_82 = arith.constant 0 : i32
    %dma_wait3A_83 = arith.constant 0 : i32
    %dma_wait3A_84 = tpu.memref_slice %arg4[%dma_wait3A_82, %dma_wait3A_83] : memref<1000001x64xf32, #tpu.memory_space<hbm>> -> memref<16x64xf32, #tpu.memory_space<hbm>>
    %dma_wait3A_85 = arith.constant 0 : i32
    %dma_wait3A_86 = arith.constant 0 : i32
    %dma_wait3A_87 = tpu.memref_slice %arg4[%dma_wait3A_85, %dma_wait3A_86] : memref<1000001x64xf32, #tpu.memory_space<hbm>> -> memref<16x64xf32, #tpu.memory_space<hbm>>
    %dma_wait3A_88 = arith.constant 240 : i32
    %dma_wait3A_89 = arith.constant 0 : i32
    %dma_wait3A_90 = tpu.memref_slice %arg9[%dma_wait3A_88, %dma_wait3A_89] : memref<256x64xf32, #tpu.memory_space<vmem>> -> memref<16x64xf32, #tpu.memory_space<vmem>>
    tpu.wait_dma2 semaphore(%arg11 : memref<!tpu.dma_semaphore, #tpu.memory_space<semaphore_mem>>) src(%dma_wait3A_90 : memref<16x64xf32, #tpu.memory_space<vmem>>) dst(%dma_wait3A_87 : memref<16x64xf32, #tpu.memory_space<hbm>>)
    return
  }
}

module attributes {stable_mosaic.version = 14 : i64} {
  func.func @_avgs_t_body(%arg0: i32, %arg1: memref<1024x64xf32, #tpu.memory_space<vmem>>, %arg2: memref<64x1024xf32, #tpu.memory_space<vmem>>) attributes {dimension_semantics = [#tpu.dimension_semantics<arbitrary>], iteration_bounds = array<i64: 16>, scalar_prefetch = 0 : i64, scratch_operands = 0 : i64, tpu.core_type = #tpu.core_type<tc>, window_params = [{transform_indices = @transform_0, window_bounds = array<i64: 1024, 64>}, {transform_indices = @transform_1, window_bounds = array<i64: 64, 1024>}]} {
    %get3A = arith.constant 0 : index
    %get3A_0 = arith.constant 0 : index
    %get3A_1 = vector.load %arg1[%get3A, %get3A_0] : memref<1024x64xf32, #tpu.memory_space<vmem>>, vector<1024x64xf32>
    %transpose3A = tpu.transpose %get3A_1, [1, 0] : vector<1024x64xf32> -> vector<64x1024xf32>
    %swap3A = arith.constant 0 : index
    %swap3A_2 = arith.constant 0 : index
    %swap3A_3 = vector.load %arg2[%swap3A, %swap3A_2] : memref<64x1024xf32, #tpu.memory_space<vmem>>, vector<64x1024xf32>
    tpu.vector_store %arg2[%swap3A, %swap3A_2], %transpose3A {strides = array<i32>} : memref<64x1024xf32, #tpu.memory_space<vmem>>, vector<64x1024xf32>,
    return
  }
  func.func @transform_0(%arg0: i32) -> (i32, i32) {
    %c0_i32 = arith.constant 0 : i32
    %c0_i32_0 = arith.constant 0 : i32
    return %arg0, %c0_i32 : i32, i32
  }
  func.func @transform_1(%arg0: i32) -> (i32, i32) {
    %c0_i32 = arith.constant 0 : i32
    %c0_i32_0 = arith.constant 0 : i32
    return %c0_i32, %arg0 : i32, i32
  }
}

</mosaic_0001>

<sc_bundles>
// kernel: kernel.4.cloned.1.call-start
scs
__scs_entry_jumppad:
0x0: {  	(pc) =	sbr.rel $0x88, $3  }
0x1: {  	(tag) =	ssettag $0x0;
	lr =	simm.s32 $0x1  }
0x2: {  	[smem:$0x3F9E] =	sst lr;
	_ =	strace $0xD0000000  }
0x3: {  	_ = 	snop  }
0x4: {  	_ = 	snop  }
0x5: {  	_ = 	snop  }
0x6: {  	_ = 	snop  }
0x7: {  	_ = 	snop  }
__scs_overlays_trampoline_lowered:
0x8: {  	[smem:$0x3FAD] =	sst s0  }
0x9: {  	[smem:$0x3FAE] =	sst s1  }
0xa: {  	[smem:$0x3FAF] =	sst s2  }
0xb: {  	[smem:$0x3FB0] =	sst s3  }
0xc: {  	[smem:$0x3FB1] =	sst s4  }
0xd: {  	[smem:$0x3FB2] =	sst s5  }
0xe: {  	[smem:$0x3FB3] =	sst s6  }
0xf: {  	[smem:$0x3FB4] =	sst s7  }
0x10: {  	[smem:$0x3FB5] =	sst s8  }
0x11: {  	[smem:$0x3FB6] =	sst s9;
	s0 =	simm.s32 @!p0 $0x0  }
0x12: {  	s1 =	sld [smem:$0x3F9C];
	s0 =	simm.s32 @p0 $0x1  }
0x13: {  	[smem:$0x3FB7] =	sst s0;
	s0 =	simm.s32 @!p1 $0x0  }
0x14: {  	s2 =	sld [smem:$0x3F9B];
	s0 =	simm.s32 @p1 $0x1  }
0x15: {  	[smem:$0x3FB8] =	sst s0;
	s0 =	simm.s32 @!p2 $0x0  }
0x16: {  	s3 =	sld [smem:$0x3FDB];
	s0 =	simm.s32 @p2 $0x1  }
0x17: {  	s4 =	simm.s32 $0x1BF5;
	[smem:$0x3FBA] =	sst s0  }
0x18: {  	s0 =	sld [smem:$0x3F9D];
	_ =	swait.ge [sflag:s4], $0x0  }
0x19: {  	s7 =	sld [smem:$0x3F9E]  }
0x1a: {  	s8 =	sadd.s32 $0xFFFFE003, lr  }
0x1b: {  	s9 =	sadd.s32 $0xFFFFFEF7, lr;
	s5 =	simm.s32 $0xFFFFFFFF;
	p2 =	slt.u32 s8, $0xFFFFF086  }
0x1c: {  	p1 =	slt.u32 s9, $0xF7A;
	s5 =	simm.s32 @!p2 $0x0  }
0x1d: {  	s5 =	simm.s32 @p1 $0x1;
	p0 =	seq.s32 s7, s2  }
0x1e: {  	s7 =	smul.u32 @!p0 $0xF7A, s2;
	p2 =	seq.s32 @!p0 s5, $0x0  }
0x1f: {  	s9 =	smul.u32 $0xF7A, s1;
	s8 =	simm.s32 @!p0 $0x1BF5;
	p2 =	por !p2, p0  }
0x20: {  	[sflag:s8] =	ssyncset.s32 @!p0 $0xFFFFF086;
	s6 =	sadd.s32 @!p0 s3, s7;
	s7 =	simm.s32 @!p0 $0x108  }
0x21: {  	s3 =	sadd.s32 s3, s9;
	s6 =	sadd.s32 @!p0 $0x88, s6;
	s7 =	simm.s32 @p2 $0x1082  }
0x22: {  	[simem:s7], [sflag:s8] =	dma.local @!p0 [hbm:s6], $0xF7A  }
0x23: {  	s9 =	sor.u32 $0xD0000000, s2;
	s6 =	simm.s32 $0x108;
	_ =	swait.ge @!p0 [sflag:s8], $0x0  }
0x24: {  	s3 =	sadd.s32 $0x88, s3;
	s6 =	simm.s32 @!p1 $0x1082;
	[sflag:s4] =	ssyncset.s32 $0xFFFFF086  }
0x25: {  	[simem:s6], [sflag:s4] =	dma.local [hbm:s3], $0xF7A  }
0x26: {  	[smem:$0x3F9E] =	sst s1;
	(tag) =	ssettag s2;
	_ =	strace s9  }
0x27: {  	s1 =	sld [smem:$0x3FAE]  }
0x28: {  	s2 =	sld [smem:$0x3FAF]  }
0x29: {  	s4 =	sld [smem:$0x3FB1]  }
0x2a: {  	p0 =	seq.s32 s5, $0x0;
	s5 =	sld [smem:$0x3FB2]  }
0x2b: {  	s6 =	sld [smem:$0x3FB3]  }
0x2c: {  	s7 =	sld [smem:$0x3FB4]  }
0x2d: {  	s3 =	simm.s32 $0x108;
	s8 =	sld [smem:$0x3FB5]  }
0x2e: {  	s3 =	simm.s32 @!p0 $0x1082;
	s9 =	sld [smem:$0x3FB6]  }
0x2f: {  	lr =	sadd.s32 s0, s3;
	s0 =	sld [smem:$0x3FAD]  }
0x30: {  	s3 =	sld [smem:$0x3FB0]  }
0x31: {  	[smem:$0x3FB9] =	sst s10  }
0x32: {  	s10 =	sld [smem:$0x3FB7];
	_ =	sdelay $0x3  }
0x33: {  	p0 =	seq.s32 s10, $0x1;
	s10 =	sld [smem:$0x3FB9];
	_ =	sdelay $0x3  }
0x34: {  	[smem:$0x3FB9] =	sst s10  }
0x35: {  	s10 =	sld [smem:$0x3FB8];
	_ =	sdelay $0x3  }
0x36: {  	p1 =	seq.s32 s10, $0x1;
	s10 =	sld [smem:$0x3FB9];
	_ =	sdelay $0x3  }
0x37: {  	[smem:$0x3FB9] =	sst s10  }
0x38: {  	s10 =	sld [smem:$0x3FBA]  }
0x39: {  	_ = 	snop;
	(pc) =	sbr.ind lr, $3  }
0x3a: {  	_ = 	snop  }
0x3b: {  	_ = 	snop  }
0x3c: {  	p2 =	seq.s32 s10, $0x1;
	s10 =	sld [smem:$0x3FB9]  }
0x3d: {  	_ =	shalt  }
0x3e: {  	_ =	shalt  }
0x3f: {  	_ =	shalt  }
0x40: {  	_ =	shalt  }
0x41: {  	_ =	shalt  }
0x42: {  	_ =	shalt  }
0x43: {  	_ =	shalt  }
0x44: {  	_ =	shalt  }
0x45: {  	_ =	shalt  }
0x46: {  	_ =	shalt  }
0x47: {  	_ =	shalt  }
0x48: {  	_ =	shalt  }
0x49: {  	_ =	shalt  }
0x4a: {  	_ =	shalt  }
0x4b: {  	_ =	shalt  }
0x4c: {  	_ =	shalt  }
0x4d: {  	_ =	shalt  }
0x4e: {  	_ =	shalt  }
0x4f: {  	_ =	shalt  }
0x50: {  	_ =	shalt  }
0x51: {  	_ =	shalt  }
0x52: {  	_ =	shalt  }
0x53: {  	_ =	shalt  }
0x54: {  	_ =	shalt  }
0x55: {  	_ =	shalt  }
0x56: {  	_ =	shalt  }
0x57: {  	_ =	shalt  }
0x58: {  	_ =	shalt  }
0x59: {  	_ =	shalt  }
0x5a: {  	_ =	shalt  }
0x5b: {  	_ =	shalt  }
0x5c: {  	_ =	shalt  }
0x5d: {  	_ =	shalt  }
0x5e: {  	_ =	shalt  }
0x5f: {  	_ =	shalt  }
0x60: {  	_ =	shalt  }
0x61: {  	_ =	shalt  }
0x62: {  	_ =	shalt  }
0x63: {  	_ =	shalt  }
0x64: {  	_ =	shalt  }
0x65: {  	_ =	shalt  }
0x66: {  	_ =	shalt  }
0x67: {  	_ =	shalt  }
0x68: {  	_ =	shalt  }
0x69: {  	_ =	shalt  }
0x6a: {  	_ =	shalt  }
0x6b: {  	_ =	shalt  }
0x6c: {  	_ =	shalt  }
0x6d: {  	_ =	shalt  }
0x6e: {  	_ =	shalt  }
0x6f: {  	_ =	shalt  }
0x70: {  	_ =	shalt  }
0x71: {  	_ =	shalt  }
0x72: {  	_ =	shalt  }
0x73: {  	_ =	shalt  }
0x74: {  	_ =	shalt  }
0x75: {  	_ =	shalt  }
0x76: {  	_ =	shalt  }
0x77: {  	_ =	shalt  }
0x78: {  	_ =	shalt  }
0x79: {  	_ =	shalt  }
0x7a: {  	_ =	shalt  }
0x7b: {  	_ =	shalt  }
0x7c: {  	_ =	shalt  }
0x7d: {  	_ =	shalt  }
0x7e: {  	_ =	shalt  }
0x7f: {  	_ =	shalt  }
0x80: {  	_ =	shalt  }
0x81: {  	_ =	shalt  }
0x82: {  	_ =	shalt  }
0x83: {  	_ =	shalt  }
0x84: {  	_ =	shalt  }
0x85: {  	_ =	shalt  }
0x86: {  	_ =	shalt  }
0x87: {  	_ =	shalt  }
.Lfunc_end0:
.L_simem_size_0:
called_computation.1_lowered:
.L_overlay_start_0:
0x88: {  	s2 =	sld [smem:$0x3FD9]  }
0x89: {  	s3 =	sld [smem:$0x3FFE];
	_ =	sdelay $0x1  }
0x8a: {  	s1 =	srdreg.scid  }
0x8b: {  	s0 =	sand.u32 $0x1, s1  }
0x8c: {  	s14 =	sshll.u32 s0, $0xA;
	s2 =	sadd.s32 s3, s2  }
0x8d: {  	s2 =	sadd.s32 s2, s14  }
0x8e: {  	[smem:$0x3FC5] =	sst s2  }
0x8f: {  	_ = 	snop  }
0x90: {  	s2 =	sld [smem:$0x3FD0];
	_ =	sdelay $0x2  }
0x91: {  	s4 =	simm.s32 $0xA;
	s5 =	simm.s32 $0x10;
	s15 =	sld [smem:$0x3FC9]  }
0x92: {  	[smem:s5], [sflag:s4] =	dma.local [hbm:s2], $0x1  }
0x93: {  	_ =	swait.eq [sflag:s4], $0x1  }
0x94: {  	[sflag:s4] =	ssyncset.done $0x0  }
0x95: {  	[sflag:s4] =	ssyncadd.s32 $0xFFFFFFFF  }
0x96: {  	s16 =	sld [smem:$0x11];
	(tm) =	ssettm $0x1  }
0x97: {  	s17 =	sld [smem:$0x3FFB];
	_ =	sdelay $0x3  }
0x98: {  	_ =	strace s17  }
0x99: {  	s4 =	sld [smem:$0x3FFC];
	_ =	sdelay $0x3  }
0x9a: {  	_ =	strace s4  }
0x9b: {  	s4 =	sld [smem:$0x3FFD];
	_ =	sdelay $0x3  }
0x9c: {  	_ =	strace s4  }
0x9d: {  	_ =	strace $0x8FFFFFFF  }
0x9e: {  	s18 =	sld [smem:$0x3FDB];
	_ =	sdelay $0x1  }
0x9f: {  	s19 =	simm.s32 $_scs_section_size  }
0xa0: {  	s6 =	simm.s32 $_size__tile_overlayer_lowered;
	s7 =	simm.s32 $_tile_overlayer_lowered  }
0xa1: {  	s22 =	simm.s32 $0x1BFF;
	s21 =	sshll.u32 s7, $0x1;
	s4 =	sadd.s32 s19, s18  }
0xa2: {  	s8 =	simm.s32 $0x0;
	s20 =	sshll.u32 s6, $0x1;
	s6 =	sadd.s32 s21, s4  }
0xa3: {  	[timem:s8], [sflag:s22] =	dma.local [hbm:s6], s20  }
0xa4: {  	_ =	swait.ge [sflag:s22], s20  }
0xa5: {  	s5 =	ssub.s32 $0x0, s20;
	[sflag:s22] =	ssyncset.done $0x0  }
0xa6: {  	[sflag:s22] =	ssyncadd.s32 s5;
	_ =	sdelay $0x1  }
0xa7: {  	s23 =	simm.s32 $0x1B8B  }
0xa8: {  	_ =	swait.ge [sflag:s23], $0x1  }
0xa9: {  	[sflag:s23] =	ssyncset.done $0x0  }
0xaa: {  	s25 =	simm.s32 $0x1B8E;
	s24 =	sld [smem:$0x3FFE];
	[sflag:s23] =	ssyncadd.s32 $0xFFFFFFFF  }
0xab: {  	s26 =	simm.s32 $execute0_lowered;
	[smem:$0x3FD2] =	sst s25  }
0xac: {  	s6 =	sshll.u32 s26, $0x1;
	_ =	strace $0x80000046;
	[dreg:$0x1] =	wrdreg $0xFFFFFFFF  }
0xad: {  	s28 =	simm.s32 $_size_execute0_lowered;
	s4 =	sadd.s32 s4, s6;
	[dreg:$0x0] =	wrdreg $0x0  }
0xae: {  	s6 =	sshll.u32 s28, $0x1;
	[dreg:$0x2] =	wrdreg s4  }
0xaf: {  	[dreg:$0x3] =	wrdreg s6  }
0xb0: {  	[dreg:$0x4] =	wrdreg $0xC0  }
0xb1: {  	_ =	task [dreg:s8], $0x5FFFF  }
0xb2: {  	[dreg:$0x1] =	wrdreg $0xFFFFFFFF  }
0xb3: {  	[dreg:$0x0] =	wrdreg $0x60  }
0xb4: {  	[dreg:$0x2] =	wrdreg s15  }
0xb5: {  	[dreg:$0x3] =	wrdreg s16  }
0xb6: {  	[dreg:$0x4] =	wrdreg s24  }
0xb7: {  	[dreg:$0x5] =	wrdreg $0x9  }
0xb8: {  	_ =	task.clear_ibuf [dreg:s8], $0x6FFFF;
	_ =	strace $0x90000046  }
0xb9: {  	s29 =	simm.s32 $0x9;
	_ =	strace $0x80000048  }
0xba: {  	_ =	swait.ge [sflag:s29], $0x1  }
0xbb: {  	[sflag:s29] =	ssyncadd.s32 $0xFFFFFFFF  }
0xbc: {  	_ =	strace $0x90000048  }
0xbd: {  	_ =	sfence  }
0xbe: {  	s30 =	sld [smem:$0x0];
	_ =	sdelay $0x2  }
0xbf: {  	s31 =	sshll.u32 s1, $0xD;
	s1 =	sshrl.u32 s1, $0x2  }
0xc0: {  	s3 =	sand.u32 $0x4000, s31;
	s1 =	sadd.s32 s1, s30  }
0xc1: {  	s0 =	sor.u32 s3, s0;
	s1 =	sshll.u32 s1, $0x11  }
0xc2: {  	s0 =	sor.u32 s1, s0  }
0xc3: {  	s0 =	sadd.s32 $0x8F2B, s0  }
0xc4: {  	[sflag:s0] =	ssyncadd.remote.s32 $0x1  }
0xc5: {  	_ =	sfence.sel $0xFFFF  }
0xc6: {  	[dreg:$0x0] =	wrdreg $0xFFFFFFFF;
	(pc) =	sbr.abs _section_cstart, $3  }
0xc7: {  	[dreg:$0x1] =	wrdreg $0xFFFFFFFF  }
0xc8: {  	_ =	task.clear_ibuf [dreg:s8], $0x2FFFF;
	_ =	strace $0x9FFFFFFF  }
0xc9: {  	(tm) =	ssettm $0x7FFFFFFF  }
tec
execute0_lowered:
.L_overlay_start_1:
0x0: {  	(tag) =	ssettag $0x1  }
0x1: {  	s0 =	rddreg [dreg:$0x0]  }
0x2: {  	s1 =	rddreg [dreg:$0x1]  }
0x3: {  	s4 =	rddreg [dreg:$0x2]  }
0x4: {  	s2 =	simm.s32 $0x0;
	s3 =	srdreg.scid;
	s6 =	stileid.u32  }
0x5: {  	s11 =	simm.s32 $0x1;
	s15 =	simm.s32 $0x0;
	s5 =	sand.u32 $0x1, s3  }
0x6: {  	[smem:$0x7FF] =	sst s2;
	s6 =	sshll.u32 s6, $0xA;
	s7 =	sshll.u32 s5, $0x9  }
0x7: {  	s3 =	sadd.s32 $0xE00, s4;
	s25 =	sadd.s32 $0xF43400, s4;
	s6 =	sor.u32 s7, s6  }
0x8: {  	_ =	strace $0x80000047;
	s5 =	ssub.s32 $0x2, s5;
	s28 =	sshrl.u32 s6, $0x3  }
0x9: {  	s26 =	sshrl.u32 s5, $0x1;
	s8 =	sshll.u32 s6, $0x4;
	s0 =	sadd.s32 s0, s28  }
0xa: {  	s9 =	ssub.s32 s5, s26;
	s29 =	sadd.s32 s25, s8;
	[dreg:$0x4] =	wrdreg s0  }
0xb: {  	s10 =	sor.u32 $0x1000, s8;
	s31 =	sadd.s32 s1, s8;
	[dreg:$0x5] =	wrdreg s29  }
0xc: {  	s9 =	smax.u32 s9, $0x1;
	s30 =	sadd.s32 s25, s10;
	[dreg:$0x7] =	wrdreg s31  }
0xd: {  	s8 =	sadd.s32 s1, s10;
	s10 =	simm.s32 $0x2;
	[dreg:$0x6] =	wrdreg s30  }
.LBB2_1:
0xe: {  	s0 =	rddreg [dreg:$0x4]  }
0xf: {  	[tilespmem:s2], [sflag:$0x2] =	stream.linear.gather [hbm4b:s0+s2], $0x200, $0x38;
	[tilespmem:$0x18200] =	vst v63  }
0x10: {  	_ =	swait.ge [sflag:s10], $0x200  }
0x11: {  	[sflag:s10] =	ssyncset.done $0x0  }
0x12: {  	[sflag:s10] =	ssyncadd.s32 $0xFFFFFE00  }
0x13: {  	v0 =	vld [tilespmem:s2+$0x0];
	_ =	sdelay $0x4  }
0x14: {  	v0 =	vshll.u32 v0, $0x4  }
0x15: {  	(v2sf) =	vpush v0, $0x2  }
0x16: {  	(v2sf) =	vpush v0, $0x0  }
0x17: {  	(v2sf) =	vpush v0, $0x1  }
0x18: {  	(v2sf) =	vpush v0, $0x3;
	_ =	sdelay $0x1  }
0x19: {  	(v2sf) =	vpush v0, $0x4;
	_ =	sdelay $0x1  }
0x1a: {  	(v2sf) =	vpush v0, $0x5;
	_ =	sdelay $0x1  }
0x1b: {  	p0 =	por $0x1, $0x1;
	(v2sf) =	vpush v0, $0x6  }
0x1c: {  	s17 =	simm.s32 $0x4000;
	s1 =	simm.s32 $0x280;
	s18 =	simm.s32 $0x980  }
0x1d: {  	s12 =	simm.s32 $0x480;
	s13 =	simm.s32 $0x600;
	s16 =	simm.s32 $0x200;
	(v2sf) =	vpush v0, $0x7  }
0x1e: {  	s19 =	simm.s32 $0x400;
	p1 =	por $0x0, $0x0;
	s20 =	simm.s32 $0x500  }
0x1f: {  	s21 =	simm.s32 $0x300;
	s22 =	simm.s32 $0x700;
	s23 =	simm.s32 $0x680;
	(v2sf) =	vpush v0, $0x8  }
0x20: {  	s25 =	simm.s32 $0x380;
	s28 =	simm.s32 $0x780;
	p0 =	por p0, p0  }
0x21: {  	s0 =	simm.s32 $0x800;
	p1 =	por p1, p1;
	s24 =	spop (v2sf);
	(v2sf) =	vpush v0, $0x9  }
0x22: {  	p0 =	por p0, p0;
	s26 =	spop (v2sf);
	s24 =	sand.u32 $0x1FFFFFF0, s24  }
0x23: {  	(v2sf) =	vpush v0, $0xA;
	s26 =	sand.u32 $0x1FFFFFF0, s26;
	s29 =	spop (v2sf);
	s24 =	sadd.s32 s3, s24  }
0x24: {  	(v2sf) =	vpush v0, $0xB;
	s26 =	sadd.s32 s3, s26;
	s29 =	sand.u32 $0x1FFFFFF0, s29;
	s4 =	spop (v2sf)  }
0x25: {  	[tilespmem:s16], [sflag:$0x1] =	stream.linear.gather [hbm4b:s26+s2], $0x80, $0x38;
	[tilespmem:$0x18200] =	vst v63  }
0x26: {  	s16 =	simm.s32 $0x580;
	s29 =	sadd.s32 s3, s29;
	s6 =	spop (v2sf)  }
0x27: {  	[tilespmem:s1], [sflag:$0x1] =	stream.linear.gather [hbm4b:s29+s2], $0x80, $0x38;
	[tilespmem:$0x18200] =	vst v63  }
0x28: {  	(v2sf) =	vpush v0, $0xC;
	s5 =	sand.u32 $0x1FFFFFF0, s4;
	s7 =	sand.u32 $0x1FFFFFF0, s6;
	s14 =	spop (v2sf)  }
0x29: {  	[tilespmem:s21], [sflag:$0x1] =	stream.linear.gather [hbm4b:s24+s2], $0x80, $0x38;
	[tilespmem:$0x18200] =	vst v63  }
0x2a: {  	(v2sf) =	vpush v0, $0xD;
	s1 =	sadd.s32 s3, s5;
	s26 =	sand.u32 $0x1FFFFFF0, s14;
	s29 =	spop (v2sf)  }
0x2b: {  	[tilespmem:s25], [sflag:$0x1] =	stream.linear.gather [hbm4b:s1+s2], $0x80, $0x38;
	[tilespmem:$0x18200] =	vst v63  }
0x2c: {  	(v2sf) =	vpush v0, $0xE;
	s30 =	sand.u32 $0x1FFFFFF0, s29;
	s31 =	spop (v2sf);
	s21 =	sadd.s32 s3, s7  }
0x2d: {  	[tilespmem:s19], [sflag:$0x1] =	stream.linear.gather [hbm4b:s21+s2], $0x80, $0x38;
	[tilespmem:$0x18200] =	vst v63  }
0x2e: {  	(v2sf) =	vpush v0, $0xF;
	s29 =	simm.s32 $0x900;
	s5 =	spop (v2sf);
	s1 =	sadd.s32 s3, s26  }
0x2f: {  	[tilespmem:s12], [sflag:$0x1] =	stream.linear.gather [hbm4b:s1+s2], $0x80, $0x38;
	[tilespmem:$0x18200] =	vst v63  }
0x30: {  	s4 =	sand.u32 $0x1FFFFFF0, s31;
	s19 =	sadd.s32 s3, s30;
	s6 =	spop (v2sf)  }
0x31: {  	[tilespmem:s20], [sflag:$0x1] =	stream.linear.gather [hbm4b:s19+s2], $0x80, $0x38;
	[tilespmem:$0x18200] =	vst v63  }
0x32: {  	s12 =	sand.u32 $0x1FFFFFF0, s5;
	s1 =	sadd.s32 s3, s4;
	s14 =	spop (v2sf)  }
0x33: {  	s12 =	sadd.s32 s3, s12;
	s7 =	sand.u32 $0x1FFFFFF0, s6;
	s19 =	spop (v2sf)  }
0x34: {  	[tilespmem:s16], [sflag:$0x1] =	stream.linear.gather [hbm4b:s1+s2], $0x80, $0x38;
	[tilespmem:$0x18200] =	vst v63  }
0x35: {  	s16 =	sand.u32 $0x1FFFFFF0, s14;
	s1 =	sadd.s32 s3, s7;
	s20 =	sand.u32 $0x1FFFFFF0, s19  }
0x36: {  	[tilespmem:s13], [sflag:$0x1] =	stream.linear.gather [hbm4b:s12+s2], $0x80, $0x38;
	[tilespmem:$0x18200] =	vst v63  }
0x37: {  	s21 =	spop (v2sf);
	s19 =	simm.s32 $0x10;
	s12 =	sadd.s32 s3, s16  }
0x38: {  	[tilespmem:s23], [sflag:$0x1] =	stream.linear.gather [hbm4b:s1+s2], $0x80, $0x38;
	[tilespmem:$0x18200] =	vst v63  }
0x39: {  	s16 =	simm.s32 $0x800;
	s23 =	spop (v2sf);
	s1 =	sadd.s32 s3, s20  }
0x3a: {  	[tilespmem:s22], [sflag:$0x1] =	stream.linear.gather [hbm4b:s12+s2], $0x80, $0x38;
	[tilespmem:$0x18200] =	vst v63  }
0x3b: {  	s24 =	sand.u32 $0x1FFFFFF0, s23;
	s25 =	spop (v2sf);
	s22 =	sand.u32 $0x1FFFFFF0, s21  }
0x3c: {  	[tilespmem:s28], [sflag:$0x1] =	stream.linear.gather [hbm4b:s1+s2], $0x80, $0x38;
	[tilespmem:$0x18200] =	vst v63  }
0x3d: {  	s26 =	sand.u32 $0x1FFFFFF0, s25;
	s30 =	spop (v2sf);
	s12 =	sadd.s32 s3, s22  }
0x3e: {  	[tilespmem:s0], [sflag:$0x1] =	stream.linear.gather [hbm4b:s12+s2], $0x80, $0x38;
	[tilespmem:$0x18200] =	vst v63  }
0x3f: {  	s31 =	sand.u32 $0x1FFFFFF0, s30;
	s28 =	simm.s32 $0x880;
	s1 =	sadd.s32 s3, s24  }
0x40: {  	[tilespmem:s28], [sflag:$0x1] =	stream.linear.gather [hbm4b:s1+s2], $0x80, $0x38;
	[tilespmem:$0x18200] =	vst v63  }
0x41: {  	s21 =	simm.s32 @!p0 $0x1;
	s0 =	sadd.s32 s3, s26;
	s1 =	sadd.s32 s3, s31  }
0x42: {  	[tilespmem:s29], [sflag:$0x1] =	stream.linear.gather [hbm4b:s0+s2], $0x80, $0x38;
	[tilespmem:$0x18200] =	vst v63  }
.LBB2_2:
0x43: {  	s0 =	sadd.s32 $0x280, s16  }
0x44: {  	s12 =	sadd.s32 $0x980, s16;
	s20 =	smov.u32 s17;
	s17 =	sadd.s32 $0x2000, s17  }
0x45: {  	[tilespmem:s18], [sflag:$0x1] =	stream.linear.gather [hbm4b:s1+s2], $0x80, $0x38;
	[tilespmem:$0x18200] =	vst v63  }
0x46: {  	s25 =	sadd.s32 $0x480, s16;
	s22 =	sadd.s32 $0x600, s16;
	_ =	swait.ge @!p0 [sflag:s21], $0x800  }
0x47: {  	s13 =	sadd.s32 $0x200, s16;
	s30 =	sadd.s32 $0x400, s16;
	[sflag:s21] =	ssyncset.done @!p0 $0x0  }
0x48: {  	s26 =	sadd.s32 $0x500, s16;
	p3 =	seq.s32 s20, $0x0;
	[sflag:s21] =	ssyncadd.s32 @!p0 $0xFFFFF800  }
0x49: {  	s23 =	sadd.s32 $0x700, s16;
	p2 =	sne.s32 s17, $0x20000;
	s1 =	sadd.s32 $0x300, s16;
	v0 =	vld [tilespmem:s19+$0x0]  }
0x4a: {  	s24 =	sadd.s32 $0x680, s16;
	s18 =	smov.u32 s12;
	p0 =	por p1, p1  }
0x4b: {  	p1 =	por p3, p3;
	_ =	sdelay $0x1  }
0x4c: {  	s12 =	sadd.s32 $0x380, s16  }
0x4d: {  	v0 =	vshll.u32 v0, $0x4  }
0x4e: {  	(v2sf) =	vpush v0, $0x2  }
0x4f: {  	(v2sf) =	vpush v0, $0x0  }
0x50: {  	(v2sf) =	vpush v0, $0x1  }
0x51: {  	(v2sf) =	vpush v0, $0x3;
	_ =	sdelay $0x1  }
0x52: {  	(v2sf) =	vpush v0, $0x4;
	_ =	sdelay $0x1  }
0x53: {  	(v2sf) =	vpush v0, $0x5;
	_ =	sdelay $0x1  }
0x54: {  	(v2sf) =	vpush v0, $0x6;
	_ =	sdelay $0x1  }
0x55: {  	(v2sf) =	vpush v0, $0x7;
	_ =	sdelay $0x1  }
0x56: {  	s29 =	sadd.s32 $0x800, s16;
	(v2sf) =	vpush v0, $0x8  }
0x57: {  	s31 =	sadd.s32 $0x780, s16  }
0x58: {  	s21 =	simm.s32 @!p0 $0x1;
	s19 =	sadd.s32 $0x10, s19;
	s28 =	spop (v2sf);
	(v2sf) =	vpush v0, $0x9  }
0x59: {  	s14 =	sand.u32 $0x1FFFFFF0, s28;
	s28 =	sadd.s32 $0x900, s16;
	s4 =	spop (v2sf)  }
0x5a: {  	s5 =	sadd.s32 $0x580, s16;
	s4 =	sand.u32 $0x1FFFFFF0, s4;
	s6 =	spop (v2sf);
	(v2sf) =	vpush v0, $0xA  }
0x5b: {  	s4 =	sadd.s32 s3, s4;
	s6 =	sand.u32 $0x1FFFFFF0, s6;
	s7 =	spop (v2sf)  }
0x5c: {  	[tilespmem:s13], [sflag:$0x1] =	stream.linear.gather [hbm4b:s4+s2], $0x80, $0x38;
	(v2sf) =	vpush v0, $0xB;
	[tilespmem:$0x18200] =	vst v63  }
0x5d: {  	s4 =	sadd.s32 s3, s6;
	s6 =	sand.u32 $0x1FFFFFF0, s7;
	s7 =	spop (v2sf)  }
0x5e: {  	[tilespmem:s0], [sflag:$0x1] =	stream.linear.gather [hbm4b:s4+s2], $0x80, $0x38;
	(v2sf) =	vpush v0, $0xC;
	[tilespmem:$0x18200] =	vst v63  }
0x5f: {  	s0 =	sadd.s32 s3, s14;
	s4 =	sand.u32 $0x1FFFFFF0, s7;
	s7 =	spop (v2sf)  }
0x60: {  	[tilespmem:s1], [sflag:$0x1] =	stream.linear.gather [hbm4b:s0+s2], $0x80, $0x38;
	(v2sf) =	vpush v0, $0xD;
	[tilespmem:$0x18200] =	vst v63  }
0x61: {  	s0 =	sadd.s32 s3, s6;
	s1 =	sand.u32 $0x1FFFFFF0, s7;
	s6 =	spop (v2sf)  }
0x62: {  	[tilespmem:s12], [sflag:$0x1] =	stream.linear.gather [hbm4b:s0+s2], $0x80, $0x38;
	(v2sf) =	vpush v0, $0xE;
	[tilespmem:$0x18200] =	vst v63  }
0x63: {  	s0 =	sadd.s32 s3, s4;
	s4 =	sand.u32 $0x1FFFFFF0, s6;
	s6 =	spop (v2sf)  }
0x64: {  	[tilespmem:s30], [sflag:$0x1] =	stream.linear.gather [hbm4b:s0+s2], $0x80, $0x38;
	(v2sf) =	vpush v0, $0xF;
	[tilespmem:$0x18200] =	vst v63  }
0x65: {  	s0 =	sadd.s32 s3, s1;
	s1 =	sand.u32 $0x1FFFFFF0, s6;
	s6 =	spop (v2sf)  }
0x66: {  	[tilespmem:s25], [sflag:$0x1] =	stream.linear.gather [hbm4b:s0+s2], $0x80, $0x38;
	[tilespmem:$0x18200] =	vst v63  }
0x67: {  	s0 =	sadd.s32 s3, s4;
	s4 =	sand.u32 $0x1FFFFFF0, s6;
	s6 =	spop (v2sf)  }
0x68: {  	[tilespmem:s26], [sflag:$0x1] =	stream.linear.gather [hbm4b:s0+s2], $0x80, $0x38;
	[tilespmem:$0x18200] =	vst v63  }
0x69: {  	s0 =	sadd.s32 s3, s1;
	s1 =	sand.u32 $0x1FFFFFF0, s6;
	s6 =	spop (v2sf)  }
0x6a: {  	[tilespmem:s5], [sflag:$0x1] =	stream.linear.gather [hbm4b:s0+s2], $0x80, $0x38;
	[tilespmem:$0x18200] =	vst v63  }
0x6b: {  	s0 =	sadd.s32 s3, s4;
	s4 =	sand.u32 $0x1FFFFFF0, s6;
	s5 =	spop (v2sf)  }
0x6c: {  	[tilespmem:s22], [sflag:$0x1] =	stream.linear.gather [hbm4b:s0+s2], $0x80, $0x38;
	[tilespmem:$0x18200] =	vst v63  }
0x6d: {  	s0 =	sadd.s32 s3, s1;
	s1 =	sand.u32 $0x1FFFFFF0, s5;
	s5 =	spop (v2sf)  }
0x6e: {  	[tilespmem:s24], [sflag:$0x1] =	stream.linear.gather [hbm4b:s0+s2], $0x80, $0x38;
	[tilespmem:$0x18200] =	vst v63  }
0x6f: {  	s0 =	sadd.s32 s3, s4;
	s4 =	sand.u32 $0x1FFFFFF0, s5;
	s5 =	spop (v2sf)  }
0x70: {  	[tilespmem:s23], [sflag:$0x1] =	stream.linear.gather [hbm4b:s0+s2], $0x80, $0x38;
	[tilespmem:$0x18200] =	vst v63  }
0x71: {  	s0 =	sadd.s32 s3, s1;
	s1 =	sand.u32 $0x1FFFFFF0, s5;
	s5 =	spop (v2sf)  }
0x72: {  	[tilespmem:s31], [sflag:$0x1] =	stream.linear.gather [hbm4b:s0+s2], $0x80, $0x38;
	[tilespmem:$0x18200] =	vst v63  }
0x73: {  	s0 =	sadd.s32 s3, s4;
	s4 =	sand.u32 $0x1FFFFFF0, s5;
	s5 =	spop (v2sf)  }
0x74: {  	[tilespmem:s29], [sflag:$0x1] =	stream.linear.gather [hbm4b:s0+s2], $0x80, $0x38;
	[tilespmem:$0x18200] =	vst v63  }
.Ltmp0:
0x75: {  	_ = 	snop;
	(pc) =	sbr.rel @p2 .LBB2_2-.Ltmp0, $4  }
0x76: {  	s1 =	sadd.s32 s3, s1;
	s0 =	sadd.s32 $0x880, s16;
	s5 =	sand.u32 $0x1FFFFFF0, s5  }
0x77: {  	[tilespmem:s0], [sflag:$0x1] =	stream.linear.gather [hbm4b:s1+s2], $0x80, $0x38;
	[tilespmem:$0x18200] =	vst v63  }
0x78: {  	s16 =	sshra.s32 s20, $0x2;
	s0 =	sadd.s32 s3, s4;
	s1 =	sadd.s32 s3, s5  }
0x79: {  	[tilespmem:s28], [sflag:$0x1] =	stream.linear.gather [hbm4b:s0+s2], $0x80, $0x38;
	[tilespmem:$0x18200] =	vst v63  }
0x7a: {  	[tilespmem:s18], [sflag:$0x1] =	stream.linear.gather [hbm4b:s1+s2], $0x80, $0x38;
	[tilespmem:$0x18200] =	vst v63  }
0x7b: {  	_ =	swait.ge @!p0 [sflag:s21], $0x800  }
0x7c: {  	[sflag:s21] =	ssyncset.done @!p0 $0x0  }
0x7d: {  	[sflag:s21] =	ssyncadd.s32 @!p0 $0xFFFFF800  }
0x7e: {  	v0 =	vld [tilespmem:s19+$0x0];
	_ =	sdelay $0x4  }
0x7f: {  	v0 =	vshll.u32 v0, $0x4  }
0x80: {  	(v2sf) =	vpush v0, $0x2  }
0x81: {  	(v2sf) =	vpush v0, $0x0  }
0x82: {  	(v2sf) =	vpush v0, $0x1  }
0x83: {  	(v2sf) =	vpush v0, $0x3;
	_ =	sdelay $0x1  }
0x84: {  	(v2sf) =	vpush v0, $0x4;
	_ =	sdelay $0x1  }
0x85: {  	(v2sf) =	vpush v0, $0x5;
	_ =	sdelay $0x1  }
0x86: {  	(v2sf) =	vpush v0, $0x6;
	_ =	sdelay $0x1  }
0x87: {  	(v2sf) =	vpush v0, $0x7  }
0x88: {  	s31 =	sadd.s32 $0x280, s16;
	s4 =	sadd.s32 $0x480, s16;
	s5 =	sadd.s32 $0x600, s16  }
0x89: {  	s6 =	sadd.s32 $0x200, s16;
	s7 =	sadd.s32 $0x400, s16;
	s12 =	sadd.s32 $0x500, s16;
	(v2sf) =	vpush v0, $0x8  }
0x8a: {  	s13 =	sadd.s32 $0x300, s16;
	s14 =	sadd.s32 $0x700, s16;
	s17 =	sadd.s32 $0x680, s16  }
0x8b: {  	s18 =	sadd.s32 $0x380, s16;
	s0 =	sadd.s32 $0x800, s16;
	s23 =	spop (v2sf)  }
0x8c: {  	s20 =	sadd.s32 $0x780, s16;
	p0 =	por p1, p1;
	s24 =	spop (v2sf)  }
0x8d: {  	(v2sf) =	vpush v0, $0x9;
	s19 =	sand.u32 $0x1FFFFFF0, s23;
	s21 =	sand.u32 $0x1FFFFFF0, s24;
	s22 =	spop (v2sf)  }
0x8e: {  	s21 =	sadd.s32 s3, s21;
	s22 =	sand.u32 $0x1FFFFFF0, s22;
	s23 =	spop (v2sf)  }
0x8f: {  	(v2sf) =	vpush v0, $0xA;
	[tilespmem:s6], [sflag:$0x1] =	stream.linear.gather [hbm4b:s21+s2], $0x80, $0x38;
	[tilespmem:$0x18200] =	vst v63  }
0x90: {  	s19 =	sadd.s32 s3, s19;
	s25 =	sadd.s32 s3, s22;
	s26 =	spop (v2sf)  }
0x91: {  	(v2sf) =	vpush v0, $0xB;
	[tilespmem:s31], [sflag:$0x1] =	stream.linear.gather [hbm4b:s25+s2], $0x80, $0x38;
	[tilespmem:$0x18200] =	vst v63  }
0x92: {  	s6 =	sadd.s32 $0x580, s16;
	s28 =	sand.u32 $0x1FFFFFF0, s23;
	s29 =	spop (v2sf)  }
0x93: {  	(v2sf) =	vpush v0, $0xC;
	[tilespmem:s13], [sflag:$0x1] =	stream.linear.gather [hbm4b:s19+s2], $0x80, $0x38;
	[tilespmem:$0x18200] =	vst v63  }
0x94: {  	s30 =	sand.u32 $0x1FFFFFF0, s26;
	s1 =	sadd.s32 s3, s28;
	s31 =	spop (v2sf)  }
0x95: {  	(v2sf) =	vpush v0, $0xD;
	[tilespmem:s18], [sflag:$0x1] =	stream.linear.gather [hbm4b:s1+s2], $0x80, $0x38;
	[tilespmem:$0x18200] =	vst v63  }
0x96: {  	s22 =	sand.u32 $0x1FFFFFF0, s29;
	s23 =	spop (v2sf);
	s13 =	sadd.s32 s3, s30  }
0x97: {  	(v2sf) =	vpush v0, $0xE;
	[tilespmem:s7], [sflag:$0x1] =	stream.linear.gather [hbm4b:s13+s2], $0x80, $0x38;
	[tilespmem:$0x18200] =	vst v63  }
0x98: {  	s24 =	sand.u32 $0x1FFFFFF0, s31;
	s25 =	spop (v2sf);
	s1 =	sadd.s32 s3, s22  }
0x99: {  	(v2sf) =	vpush v0, $0xF;
	[tilespmem:s4], [sflag:$0x1] =	stream.linear.gather [hbm4b:s1+s2], $0x80, $0x38;
	[tilespmem:$0x18200] =	vst v63  }
0x9a: {  	s26 =	sand.u32 $0x1FFFFFF0, s23;
	s28 =	sadd.s32 s3, s24;
	s30 =	sand.u32 $0x1FFFFFF0, s25  }
0x9b: {  	[tilespmem:s12], [sflag:$0x1] =	stream.linear.gather [hbm4b:s28+s2], $0x80, $0x38;
	[tilespmem:$0x18200] =	vst v63  }
0x9c: {  	s1 =	sadd.s32 s3, s26;
	s4 =	sadd.s32 s3, s30;
	s29 =	spop (v2sf)  }
0x9d: {  	[tilespmem:s6], [sflag:$0x1] =	stream.linear.gather [hbm4b:s1+s2], $0x80, $0x38;
	[tilespmem:$0x18200] =	vst v63  }
0x9e: {  	s26 =	sadd.s32 $0x880, s16;
	s31 =	spop (v2sf);
	s6 =	sand.u32 $0x1FFFFFF0, s29  }
0x9f: {  	[tilespmem:s5], [sflag:$0x1] =	stream.linear.gather [hbm4b:s4+s2], $0x80, $0x38;
	[tilespmem:$0x18200] =	vst v63  }
0xa0: {  	s7 =	spop (v2sf);
	s13 =	sand.u32 $0x1FFFFFF0, s31;
	s1 =	sadd.s32 s3, s6  }
0xa1: {  	[tilespmem:s17], [sflag:$0x1] =	stream.linear.gather [hbm4b:s1+s2], $0x80, $0x38;
	[tilespmem:$0x18200] =	vst v63  }
0xa2: {  	s18 =	spop (v2sf);
	s19 =	sand.u32 $0x1FFFFFF0, s7;
	s4 =	sadd.s32 s3, s13  }
0xa3: {  	[tilespmem:s14], [sflag:$0x1] =	stream.linear.gather [hbm4b:s4+s2], $0x80, $0x38;
	[tilespmem:$0x18200] =	vst v63  }
0xa4: {  	s21 =	spop (v2sf);
	s22 =	sand.u32 $0x1FFFFFF0, s18;
	s1 =	sadd.s32 s3, s19  }
0xa5: {  	[tilespmem:s20], [sflag:$0x1] =	stream.linear.gather [hbm4b:s1+s2], $0x80, $0x38;
	[tilespmem:$0x18200] =	vst v63  }
0xa6: {  	s23 =	spop (v2sf);
	s24 =	sand.u32 $0x1FFFFFF0, s21;
	s4 =	sadd.s32 s3, s22  }
0xa7: {  	[tilespmem:s0], [sflag:$0x1] =	stream.linear.gather [hbm4b:s4+s2], $0x80, $0x38;
	[tilespmem:$0x18200] =	vst v63  }
0xa8: {  	s5 =	sand.u32 $0x1FFFFFF0, s23;
	s25 =	spop (v2sf);
	s1 =	sadd.s32 s3, s24  }
0xa9: {  	[tilespmem:s26], [sflag:$0x1] =	stream.linear.gather [hbm4b:s1+s2], $0x80, $0x38;
	[tilespmem:$0x18200] =	vst v63  }
0xaa: {  	s28 =	sadd.s32 $0x900, s16;
	s29 =	sadd.s32 s3, s5;
	s0 =	sand.u32 $0x1FFFFFF0, s25  }
0xab: {  	[tilespmem:s28], [sflag:$0x1] =	stream.linear.gather [hbm4b:s29+s2], $0x80, $0x38;
	[tilespmem:$0x18200] =	vst v63  }
0xac: {  	s30 =	sadd.s32 $0x980, s16;
	s4 =	simm.s32 @!p0 $0x1;
	s0 =	sadd.s32 s3, s0  }
0xad: {  	[tilespmem:s30], [sflag:$0x1] =	stream.linear.gather [hbm4b:s0+s2], $0x80, $0x38;
	[tilespmem:$0x18200] =	vst v63  }
0xae: {  	_ =	swait.ge @!p0 [sflag:s4], $0x800  }
0xaf: {  	[sflag:s4] =	ssyncset.done @!p0 $0x0  }
0xb0: {  	[sflag:s4] =	ssyncadd.s32 @!p0 $0xFFFFF800  }
0xb1: {  	_ =	swait.ge [sflag:s11], $0x800  }
0xb2: {  	s17 =	simm.s32 $0x0;
	[sflag:s11] =	ssyncset.done $0x0  }
0xb3: {  	s31 =	sand.u32 $0xF0, s17;
	[sflag:s11] =	ssyncadd.s32 $0xFFFFF800  }
0xb4: {  	v0 =	vld [tilespmem:s31+$0x100];
	_ =	sdelay $0x4  }
0xb5: {  	v0 =	vshll.u32 v0, $0x4  }
0xb6: {  	(v2sf) =	vpush v0, $0x1  }
0xb7: {  	(v2sf) =	vpush v0, $0x0  }
0xb8: {  	(v2sf) =	vpush v0, $0x3  }
0xb9: {  	(v2sf) =	vpush v0, $0x2  }
0xba: {  	s16 =	simm.s32 $0x0;
	s18 =	simm.s32 $0x2000;
	s19 =	simm.s32 $0x0;
	(v2sf) =	vpush v0, $0x4  }
.LBB2_4:
0xbb: {  	s4 =	sadd.s32 $0x8280, s16  }
0xbc: {  	s22 =	sadd.s32 $0x8780, s16;
	s20 =	smov.u32 s18;
	s18 =	sadd.s32 $0x2000, s18  }
0xbd: {  	s0 =	sadd.s32 $0x8580, s16;
	s23 =	sadd.s32 $0x8800, s16;
	p0 =	sne.s32 s18, $0x20000  }
0xbe: {  	s1 =	sadd.s32 $0x8480, s16;
	s26 =	sadd.s32 $0x8600, s16;
	s21 =	sadd.s32 $0x8880, s16  }
0xbf: {  	s5 =	sadd.s32 $0x8200, s16;
	s6 =	sadd.s32 $0x8400, s16;
	(v2sf) =	vpush v0, $0x5  }
0xc0: {  	s12 =	sadd.s32 $0x8500, s16  }
0xc1: {  	s7 =	sadd.s32 $0x8300, s16;
	s25 =	sadd.s32 $0x8700, s16;
	(v2sf) =	vpush v0, $0x6  }
0xc2: {  	s28 =	sadd.s32 $0x8680, s16  }
0xc3: {  	(v2sf) =	vpush v0, $0x7;
	_ =	sdelay $0x1  }
0xc4: {  	s13 =	sadd.s32 $0x8380, s16;
	s14 =	spop (v2sf);
	(v2sf) =	vpush v0, $0x8  }
0xc5: {  	s24 =	sadd.s32 $0x8980, s16;
	s29 =	spop (v2sf)  }
0xc6: {  	s14 =	sand.u32 $0x1FFFFFF0, s14;
	s29 =	sand.u32 $0x1FFFFFF0, s29;
	s30 =	spop (v2sf);
	(v2sf) =	vpush v0, $0x9  }
0xc7: {  	s14 =	sadd.s32 s3, s14;
	s29 =	sadd.s32 s3, s29;
	s31 =	spop (v2sf)  }
0xc8: {  	[tilespmem:s5], [sflag:$0x1] =	stream.linear.gather [hbm4b:s29+s2], $0x80, $0x38;
	(v2sf) =	vpush v0, $0xA;
	[tilespmem:$0x18200] =	vst v63  }
0xc9: {  	s5 =	sand.u32 $0x1FFFFFF0, s31;
	s29 =	sand.u32 $0x1FFFFFF0, s30;
	s30 =	spop (v2sf)  }
0xca: {  	[tilespmem:s4], [sflag:$0x1] =	stream.linear.gather [hbm4b:s14+s2], $0x80, $0x38;
	(v2sf) =	vpush v0, $0xB;
	[tilespmem:$0x18200] =	vst v63  }
0xcb: {  	s4 =	sadd.s32 s3, s5;
	s5 =	sadd.s32 s3, s29;
	s14 =	sand.u32 $0x1FFFFFF0, s30  }
0xcc: {  	[tilespmem:s7], [sflag:$0x1] =	stream.linear.gather [hbm4b:s4+s2], $0x80, $0x38;
	(v2sf) =	vpush v0, $0xC;
	[tilespmem:$0x18200] =	vst v63  }
0xcd: {  	p1 =	seq.s32 s17, $0x0;
	s19 =	sadd.s32 $0x10, s19;
	s4 =	spop (v2sf)  }
0xce: {  	[tilespmem:s13], [sflag:$0x1] =	stream.linear.gather [hbm4b:s5+s2], $0x80, $0x38;
	(v2sf) =	vpush v0, $0xD;
	[tilespmem:$0x18200] =	vst v63  }
0xcf: {  	s5 =	sadd.s32 s3, s14;
	s4 =	sand.u32 $0x1FFFFFF0, s4;
	s7 =	spop (v2sf)  }
0xd0: {  	[tilespmem:s6], [sflag:$0x1] =	stream.linear.gather [hbm4b:s5+s2], $0x80, $0x38;
	(v2sf) =	vpush v0, $0xE;
	[tilespmem:$0x18200] =	vst v63  }
0xd1: {  	s4 =	sadd.s32 s3, s4;
	s5 =	sand.u32 $0x1FFFFFF0, s7;
	s6 =	spop (v2sf)  }
0xd2: {  	[tilespmem:s1], [sflag:$0x1] =	stream.linear.gather [hbm4b:s4+s2], $0x80, $0x38;
	(v2sf) =	vpush v0, $0xF;
	[tilespmem:$0x18200] =	vst v63  }
0xd3: {  	s1 =	sadd.s32 s3, s5;
	s4 =	sand.u32 $0x1FFFFFF0, s6;
	s5 =	spop (v2sf)  }
0xd4: {  	[tilespmem:s12], [sflag:$0x1] =	stream.linear.gather [hbm4b:s1+s2], $0x80, $0x38;
	[tilespmem:$0x18200] =	vst v63  }
0xd5: {  	s1 =	sadd.s32 s3, s4;
	s4 =	sand.u32 $0x1FFFFFF0, s5;
	s5 =	spop (v2sf)  }
0xd6: {  	[tilespmem:s0], [sflag:$0x1] =	stream.linear.gather [hbm4b:s1+s2], $0x80, $0x38;
	[tilespmem:$0x18200] =	vst v63  }
0xd7: {  	s0 =	sadd.s32 s3, s4;
	s1 =	sand.u32 $0x1FFFFFF0, s5;
	s4 =	spop (v2sf)  }
0xd8: {  	[tilespmem:s26], [sflag:$0x1] =	stream.linear.gather [hbm4b:s0+s2], $0x80, $0x38;
	[tilespmem:$0x18200] =	vst v63  }
0xd9: {  	s0 =	sadd.s32 s3, s1;
	s1 =	sand.u32 $0x1FFFFFF0, s4;
	s4 =	spop (v2sf)  }
0xda: {  	[tilespmem:s28], [sflag:$0x1] =	stream.linear.gather [hbm4b:s0+s2], $0x80, $0x38;
	[tilespmem:$0x18200] =	vst v63  }
0xdb: {  	s0 =	sadd.s32 s3, s1;
	s1 =	sand.u32 $0x1FFFFFF0, s4;
	s4 =	spop (v2sf)  }
0xdc: {  	[tilespmem:s25], [sflag:$0x1] =	stream.linear.gather [hbm4b:s0+s2], $0x80, $0x38;
	[tilespmem:$0x18200] =	vst v63  }
0xdd: {  	s0 =	sadd.s32 s3, s1;
	s1 =	sand.u32 $0x1FFFFFF0, s4;
	s4 =	spop (v2sf)  }
0xde: {  	[tilespmem:s22], [sflag:$0x1] =	stream.linear.gather [hbm4b:s0+s2], $0x80, $0x38;
	[tilespmem:$0x18200] =	vst v63  }
0xdf: {  	s0 =	sadd.s32 s3, s1;
	s1 =	sand.u32 $0x1FFFFFF0, s4;
	s4 =	spop (v2sf)  }
0xe0: {  	[tilespmem:s23], [sflag:$0x1] =	stream.linear.gather [hbm4b:s0+s2], $0x80, $0x38;
	[tilespmem:$0x18200] =	vst v63  }
0xe1: {  	s0 =	sadd.s32 s3, s1;
	s1 =	sand.u32 $0x1FFFFFF0, s4;
	s4 =	spop (v2sf)  }
0xe2: {  	[tilespmem:s21], [sflag:$0x1] =	stream.linear.gather [hbm4b:s0+s2], $0x80, $0x38;
	[tilespmem:$0x18200] =	vst v63  }
0xe3: {  	s1 =	sadd.s32 s3, s1;
	s0 =	sadd.s32 $0x8900, s16;
	s4 =	sand.u32 $0x1FFFFFF0, s4  }
0xe4: {  	[tilespmem:s0], [sflag:$0x1] =	stream.linear.gather [hbm4b:s1+s2], $0x80, $0x38;
	[tilespmem:$0x18200] =	vst v63  }
0xe5: {  	s0 =	sand.u32 $0xF0, s19;
	s1 =	sadd.s32 s3, s4;
	s4 =	simm.s32 @!p1 $0x1  }
0xe6: {  	[tilespmem:s24], [sflag:$0x1] =	stream.linear.gather [hbm4b:s1+s2], $0x80, $0x38;
	[tilespmem:$0x18200] =	vst v63  }
0xe7: {  	s17 =	smov.u32 s20;
	_ =	swait.ge @!p1 [sflag:s4], $0x800  }
0xe8: {  	[sflag:s4] =	ssyncset.done @!p1 $0x0  }
0xe9: {  	[sflag:s4] =	ssyncadd.s32 @!p1 $0xFFFFF800  }
0xea: {  	v0 =	vld [tilespmem:s0+$0x100];
	_ =	sdelay $0x4  }
0xeb: {  	v0 =	vshll.u32 v0, $0x4  }
0xec: {  	(v2sf) =	vpush v0, $0x1  }
.Ltmp1:
0xed: {  	(v2sf) =	vpush v0, $0x0;
	(pc) =	sbr.rel @p0 .LBB2_4-.Ltmp1, $3  }
0xee: {  	(v2sf) =	vpush v0, $0x3  }
0xef: {  	(v2sf) =	vpush v0, $0x2;
	_ =	sdelay $0x1  }
0xf0: {  	s16 =	sshra.s32 s17, $0x2;
	(v2sf) =	vpush v0, $0x4  }
0xf1: {  	_ =	sdelay $0x8  }
0xf2: {  	s0 =	spop (v2sf)  }
0xf3: {  	s1 =	spop (v2sf);
	(v2sf) =	vpush v0, $0x5;
	_ =	sdelay $0x1  }
0xf4: {  	s13 =	spop (v2sf);
	(v2sf) =	vpush v0, $0x6;
	_ =	sdelay $0x1  }
0xf5: {  	s14 =	spop (v2sf);
	(v2sf) =	vpush v0, $0x7  }
0xf6: {  	s1 =	sand.u32 $0x1FFFFFF0, s1  }
0xf7: {  	s4 =	sadd.s32 $0x8200, s16;
	s0 =	sand.u32 $0x1FFFFFF0, s0;
	s1 =	sadd.s32 s3, s1  }
0xf8: {  	[tilespmem:s4], [sflag:$0x1] =	stream.linear.gather [hbm4b:s1+s2], $0x80, $0x38;
	[tilespmem:$0x18200] =	vst v63  }
0xf9: {  	s12 =	sadd.s32 $0x8280, s16;
	s0 =	sadd.s32 s3, s0;
	s21 =	spop (v2sf)  }
0xfa: {  	(v2sf) =	vpush v0, $0x8;
	[tilespmem:s12], [sflag:$0x1] =	stream.linear.gather [hbm4b:s0+s2], $0x80, $0x38;
	[tilespmem:$0x18200] =	vst v63  }
0xfb: {  	s0 =	sand.u32 $0x1FFFFFF0, s14  }
0xfc: {  	s18 =	sadd.s32 $0x8300, s16;
	s19 =	sand.u32 $0x1FFFFFF0, s13;
	s0 =	sadd.s32 s3, s0  }
0xfd: {  	[tilespmem:s18], [sflag:$0x1] =	stream.linear.gather [hbm4b:s0+s2], $0x80, $0x38;
	[tilespmem:$0x18200] =	vst v63  }
0xfe: {  	s20 =	sadd.s32 $0x8380, s16;
	s0 =	sadd.s32 s3, s19  }
0xff: {  	[tilespmem:s20], [sflag:$0x1] =	stream.linear.gather [hbm4b:s0+s2], $0x80, $0x38;
	[tilespmem:$0x18200] =	vst v63  }
0x100: {  	s23 =	spop (v2sf);
	(v2sf) =	vpush v0, $0x9  }
0x101: {  	s0 =	sand.u32 $0x1FFFFFF0, s21  }
0x102: {  	s22 =	sadd.s32 $0x8400, s16;
	s0 =	sadd.s32 s3, s0;
	s25 =	spop (v2sf);
	(v2sf) =	vpush v0, $0xA  }
0x103: {  	[tilespmem:s22], [sflag:$0x1] =	stream.linear.gather [hbm4b:s0+s2], $0x80, $0x38;
	[tilespmem:$0x18200] =	vst v63  }
0x104: {  	s28 =	spop (v2sf);
	(v2sf) =	vpush v0, $0xB  }
0x105: {  	s0 =	sand.u32 $0x1FFFFFF0, s23  }
0x106: {  	s24 =	sadd.s32 $0x8480, s16;
	s0 =	sadd.s32 s3, s0  }
0x107: {  	[tilespmem:s24], [sflag:$0x1] =	stream.linear.gather [hbm4b:s0+s2], $0x80, $0x38;
	[tilespmem:$0x18200] =	vst v63  }
0x108: {  	s0 =	sand.u32 $0x1FFFFFF0, s25  }
0x109: {  	s26 =	sadd.s32 $0x8500, s16;
	s0 =	sadd.s32 s3, s0;
	s30 =	spop (v2sf)  }
0x10a: {  	(v2sf) =	vpush v0, $0xC;
	[tilespmem:s26], [sflag:$0x1] =	stream.linear.gather [hbm4b:s0+s2], $0x80, $0x38;
	[tilespmem:$0x18200] =	vst v63  }
0x10b: {  	s0 =	sand.u32 $0x1FFFFFF0, s28  }
0x10c: {  	s29 =	sadd.s32 $0x8580, s16;
	s0 =	sadd.s32 s3, s0  }
0x10d: {  	[tilespmem:s29], [sflag:$0x1] =	stream.linear.gather [hbm4b:s0+s2], $0x80, $0x38;
	[tilespmem:$0x18200] =	vst v63  }
0x10e: {  	s0 =	sand.u32 $0x1FFFFFF0, s30  }
0x10f: {  	s31 =	sadd.s32 $0x8600, s16;
	s0 =	sadd.s32 s3, s0;
	s1 =	spop (v2sf);
	(v2sf) =	vpush v0, $0xD  }
0x110: {  	[tilespmem:s31], [sflag:$0x1] =	stream.linear.gather [hbm4b:s0+s2], $0x80, $0x38;
	[tilespmem:$0x18200] =	vst v63  }
0x111: {  	s5 =	spop (v2sf);
	(v2sf) =	vpush v0, $0xE  }
0x112: {  	s0 =	sand.u32 $0x1FFFFFF0, s1  }
0x113: {  	s4 =	sadd.s32 $0x8680, s16;
	s0 =	sadd.s32 s3, s0;
	s7 =	spop (v2sf)  }
0x114: {  	(v2sf) =	vpush v0, $0xF;
	[tilespmem:s4], [sflag:$0x1] =	stream.linear.gather [hbm4b:s0+s2], $0x80, $0x38;
	[tilespmem:$0x18200] =	vst v63  }
0x115: {  	s0 =	sand.u32 $0x1FFFFFF0, s5  }
0x116: {  	s6 =	sadd.s32 $0x8700, s16;
	s0 =	sadd.s32 s3, s0  }
0x117: {  	[tilespmem:s6], [sflag:$0x1] =	stream.linear.gather [hbm4b:s0+s2], $0x80, $0x38;
	[tilespmem:$0x18200] =	vst v63  }
0x118: {  	s0 =	sand.u32 $0x1FFFFFF0, s7  }
0x119: {  	s12 =	sadd.s32 $0x8780, s16;
	s13 =	spop (v2sf);
	s0 =	sadd.s32 s3, s0  }
0x11a: {  	[tilespmem:s12], [sflag:$0x1] =	stream.linear.gather [hbm4b:s0+s2], $0x80, $0x38;
	[tilespmem:$0x18200] =	vst v63  }
0x11b: {  	s0 =	sand.u32 $0x1FFFFFF0, s13  }
0x11c: {  	s14 =	sadd.s32 $0x8800, s16;
	s0 =	sadd.s32 s3, s0  }
0x11d: {  	[tilespmem:s14], [sflag:$0x1] =	stream.linear.gather [hbm4b:s0+s2], $0x80, $0x38;
	[tilespmem:$0x18200] =	vst v63  }
0x11e: {  	s18 =	spop (v2sf)  }
0x11f: {  	s0 =	sand.u32 $0x1FFFFFF0, s18  }
0x120: {  	s19 =	sadd.s32 $0x8880, s16;
	s20 =	spop (v2sf);
	s0 =	sadd.s32 s3, s0  }
0x121: {  	[tilespmem:s19], [sflag:$0x1] =	stream.linear.gather [hbm4b:s0+s2], $0x80, $0x38;
	[tilespmem:$0x18200] =	vst v63  }
0x122: {  	s0 =	sand.u32 $0x1FFFFFF0, s20  }
0x123: {  	s21 =	sadd.s32 $0x8900, s16;
	s22 =	spop (v2sf);
	s0 =	sadd.s32 s3, s0  }
0x124: {  	[tilespmem:s21], [sflag:$0x1] =	stream.linear.gather [hbm4b:s0+s2], $0x80, $0x38;
	[tilespmem:$0x18200] =	vst v63  }
0x125: {  	s0 =	sand.u32 $0x1FFFFFF0, s22  }
0x126: {  	p0 =	seq.s32 s17, $0x0;
	s23 =	sadd.s32 $0x8980, s16;
	s0 =	sadd.s32 s3, s0  }
0x127: {  	[tilespmem:s23], [sflag:$0x1] =	stream.linear.gather [hbm4b:s0+s2], $0x80, $0x38;
	[tilespmem:$0x18200] =	vst v63  }
0x128: {  	s0 =	simm.s32 @!p0 $0x1  }
0x129: {  	_ =	swait.ge @!p0 [sflag:s0], $0x800  }
0x12a: {  	[sflag:s0] =	ssyncset.done @!p0 $0x0  }
0x12b: {  	[sflag:s0] =	ssyncadd.s32 @!p0 $0xFFFFF800  }
0x12c: {  	_ =	swait.ge [sflag:s11], $0x800  }
0x12d: {  	s24 =	simm.s32 $0x0;
	[sflag:s11] =	ssyncset.done $0x0  }
0x12e: {  	s26 =	simm.s32 $0x200;
	s25 =	rddreg [dreg:$0x5];
	[sflag:s11] =	ssyncadd.s32 $0xFFFFF800  }
0x12f: {  	[hbm4b:s25+s24] =	stream.linear.scatter [tilespmem:s26], [sflag:$0x2], $0x8000, $0x38;
	[tilespmem:$0x18200] =	vst v63  }
0x130: {  	_ =	swait.ge [sflag:s10], $0x8000  }
0x131: {  	[sflag:s10] =	ssyncset.done $0x0  }
0x132: {  	s29 =	simm.s32 $0x8200;
	s28 =	rddreg [dreg:$0x6];
	[sflag:s10] =	ssyncadd.s32 $0xFFFF8000  }
0x133: {  	[hbm4b:s28+s24] =	stream.linear.scatter [tilespmem:s29], [sflag:$0x2], $0x8000, $0x38;
	[tilespmem:$0x18200] =	vst v63  }
0x134: {  	_ =	swait.ge [sflag:s10], $0x8000  }
0x135: {  	[sflag:s10] =	ssyncset.done $0x0  }
0x136: {  	s31 =	simm.s32 $0x10200;
	s30 =	rddreg [dreg:$0x7];
	[sflag:s10] =	ssyncadd.s32 $0xFFFF8000  }
0x137: {  	[tilespmem:s31], [sflag:$0x2] =	stream.linear.gather [hbm4b:s30+s24], $0x8000, $0x38;
	[tilespmem:$0x18200] =	vst v63  }
0x138: {  	_ =	swait.ge [sflag:s10], $0x8000  }
0x139: {  	[sflag:s10] =	ssyncset.done $0x0  }
0x13a: {  	s0 =	simm.s32 $0x0;
	[sflag:s10] =	ssyncadd.s32 $0xFFFF8000  }
0x13b: {  	v3 =	vld [tilespmem:s0+$0x10200]  }
0x13c: {  	v2 =	vld [tilespmem:s0+$0x10210]  }
0x13d: {  	v1 =	vld [tilespmem:s0+$0x10220]  }
0x13e: {  	v0 =	vld [tilespmem:s0+$0x10230]  }
0x13f: {  	v6 =	vld [tilespmem:s0+$0x200]  }
0x140: {  	v5 =	vld [tilespmem:s0+$0x210]  }
0x141: {  	s1 =	simm.s32 $0x200;
	v4 =	vld [tilespmem:s0+$0x220]  }
.LBB2_6:
0x142: {  	p0 =	sne.s32 s1, $0x1FE00;
	v7 =	vld [tilespmem:s0+$0x230];
	_ =	sdelay $0x1  }
0x143: {  	s4 =	sshra.s32 s1, $0x2;
	v8 =	vmul.f32 $1.000000010e-01, v3;
	v6 =	vmul.f32 $8.999999760e-01, v6  }
0x144: {  	v9 =	vmul.f32 $1.000000010e-01, v2;
	v3 =	vld [tilespmem:s4+$0x10200];
	v5 =	vmul.f32 $8.999999760e-01, v5  }
0x145: {  	v2 =	vld [tilespmem:s4+$0x10210];
	v6 =	vadd.f32 v8, v6;
	v4 =	vmul.f32 $8.999999760e-01, v4;
	v8 =	vmul.f32 $1.000000010e-01, v1  }
.Ltmp2:
0x146: {  	v1 =	vld [tilespmem:s4+$0x10220];
	v5 =	vadd.f32 v9, v5;
	v7 =	vmul.f32 $8.999999760e-01, v7;
	v9 =	vmul.f32 $1.000000010e-01, v0;
	(pc) =	sbr.rel @p0 .LBB2_6-.Ltmp2, $4  }
0x147: {  	v0 =	vld [tilespmem:s4+$0x10230];
	[tilespmem:s0+$0x200] =	vst v6;
	v4 =	vadd.f32 v8, v4  }
0x148: {  	v6 =	vld [tilespmem:s4+$0x200];
	[tilespmem:s0+$0x210] =	vst v5;
	v7 =	vadd.f32 v9, v7  }
0x149: {  	v5 =	vld [tilespmem:s4+$0x210];
	[tilespmem:s0+$0x220] =	vst v4  }
0x14a: {  	s1 =	sadd.s32 $0x200, s1;
	v4 =	vld [tilespmem:s4+$0x220];
	[tilespmem:s0+$0x230] =	vst v7;
	s0 =	smov.u32 s4  }
0x14b: {  	v7 =	vld [tilespmem:s0+$0x230];
	_ =	sdelay $0x1  }
0x14c: {  	v3 =	vmul.f32 $1.000000010e-01, v3;
	v6 =	vmul.f32 $8.999999760e-01, v6  }
0x14d: {  	v2 =	vmul.f32 $1.000000010e-01, v2;
	v5 =	vmul.f32 $8.999999760e-01, v5  }
0x14e: {  	v1 =	vmul.f32 $1.000000010e-01, v1;
	v3 =	vadd.f32 v3, v6;
	v4 =	vmul.f32 $8.999999760e-01, v4  }
0x14f: {  	v0 =	vmul.f32 $1.000000010e-01, v0;
	v2 =	vadd.f32 v2, v5;
	v5 =	vmul.f32 $8.999999760e-01, v7  }
0x150: {  	[tilespmem:s0+$0x200] =	vst v3;
	v1 =	vadd.f32 v1, v4  }
0x151: {  	[tilespmem:s0+$0x210] =	vst v2;
	v0 =	vadd.f32 v0, v5  }
0x152: {  	[tilespmem:s0+$0x220] =	vst v1  }
0x153: {  	s1 =	simm.s32 $0x10200;
	[tilespmem:s0+$0x230] =	vst v0;
	s0 =	simm.s32 $0x0  }
0x154: {  	[tilespmem:s1], [sflag:$0x2] =	stream.linear.gather [hbm4b:s8+s0], $0x8000, $0x38;
	[tilespmem:$0x18200] =	vst v63  }
0x155: {  	_ =	swait.ge [sflag:s10], $0x8000  }
0x156: {  	[sflag:s10] =	ssyncset.done $0x0  }
0x157: {  	s1 =	simm.s32 $0x0;
	[sflag:s10] =	ssyncadd.s32 $0xFFFF8000  }
0x158: {  	v3 =	vld [tilespmem:s1+$0x10200]  }
0x159: {  	v2 =	vld [tilespmem:s1+$0x10210]  }
0x15a: {  	v1 =	vld [tilespmem:s1+$0x10220]  }
0x15b: {  	v0 =	vld [tilespmem:s1+$0x10230]  }
0x15c: {  	v6 =	vld [tilespmem:s1+$0x8200]  }
0x15d: {  	v5 =	vld [tilespmem:s1+$0x8210]  }
0x15e: {  	s12 =	simm.s32 $0x200;
	v4 =	vld [tilespmem:s1+$0x8220]  }
.LBB2_8:
0x15f: {  	p0 =	sne.s32 s12, $0x1FE00;
	v7 =	vld [tilespmem:s1+$0x8230];
	_ =	sdelay $0x1  }
0x160: {  	s4 =	sshra.s32 s12, $0x2;
	v8 =	vmul.f32 $1.000000010e-01, v3;
	v6 =	vmul.f32 $8.999999760e-01, v6  }
0x161: {  	v9 =	vmul.f32 $1.000000010e-01, v2;
	v3 =	vld [tilespmem:s4+$0x10200];
	v5 =	vmul.f32 $8.999999760e-01, v5  }
0x162: {  	v2 =	vld [tilespmem:s4+$0x10210];
	v6 =	vadd.f32 v8, v6;
	v4 =	vmul.f32 $8.999999760e-01, v4;
	v8 =	vmul.f32 $1.000000010e-01, v1  }
.Ltmp3:
0x163: {  	v1 =	vld [tilespmem:s4+$0x10220];
	v5 =	vadd.f32 v9, v5;
	v7 =	vmul.f32 $8.999999760e-01, v7;
	v9 =	vmul.f32 $1.000000010e-01, v0;
	(pc) =	sbr.rel @p0 .LBB2_8-.Ltmp3, $4  }
0x164: {  	v0 =	vld [tilespmem:s4+$0x10230];
	[tilespmem:s1+$0x8200] =	vst v6;
	v4 =	vadd.f32 v8, v4  }
0x165: {  	v6 =	vld [tilespmem:s4+$0x8200];
	[tilespmem:s1+$0x8210] =	vst v5;
	v7 =	vadd.f32 v9, v7  }
0x166: {  	v5 =	vld [tilespmem:s4+$0x8210];
	[tilespmem:s1+$0x8220] =	vst v4  }
0x167: {  	s12 =	sadd.s32 $0x200, s12;
	v4 =	vld [tilespmem:s4+$0x8220];
	[tilespmem:s1+$0x8230] =	vst v7;
	s1 =	smov.u32 s4  }
0x168: {  	v7 =	vld [tilespmem:s1+$0x8230];
	_ =	sdelay $0x1  }
0x169: {  	v3 =	vmul.f32 $1.000000010e-01, v3;
	v6 =	vmul.f32 $8.999999760e-01, v6  }
0x16a: {  	v2 =	vmul.f32 $1.000000010e-01, v2;
	v5 =	vmul.f32 $8.999999760e-01, v5  }
0x16b: {  	v1 =	vmul.f32 $1.000000010e-01, v1;
	v3 =	vadd.f32 v3, v6;
	v4 =	vmul.f32 $8.999999760e-01, v4  }
0x16c: {  	v0 =	vmul.f32 $1.000000010e-01, v0;
	v2 =	vadd.f32 v2, v5;
	v63 =	vmul.f32 $8.999999760e-01, v7  }
0x16d: {  	[tilespmem:s1+$0x8200] =	vst v3;
	v1 =	vadd.f32 v1, v4  }
0x16e: {  	[tilespmem:s1+$0x8210] =	vst v2;
	v0 =	vadd.f32 v0, v63  }
0x16f: {  	[tilespmem:s1+$0x8220] =	vst v1  }
0x170: {  	[tilespmem:s1+$0x8230] =	vst v0  }
0x171: {  	v0 =	vld [tilespmem:s0+$0x0];
	_ =	sdelay $0x4  }
0x172: {  	v0 =	vshll.u32 v0, $0x4  }
0x173: {  	(v2sf) =	vpush v0, $0x2  }
0x174: {  	(v2sf) =	vpush v0, $0x0  }
0x175: {  	(v2sf) =	vpush v0, $0x1  }
0x176: {  	(v2sf) =	vpush v0, $0x3;
	_ =	sdelay $0x1  }
0x177: {  	(v2sf) =	vpush v0, $0x4;
	_ =	sdelay $0x1  }
0x178: {  	(v2sf) =	vpush v0, $0x5;
	_ =	sdelay $0x1  }
0x179: {  	p0 =	por $0x1, $0x1;
	(v2sf) =	vpush v0, $0x6  }
0x17a: {  	s17 =	simm.s32 $0x4000;
	s26 =	simm.s32 $0x280;
	s18 =	simm.s32 $0x980  }
0x17b: {  	s4 =	simm.s32 $0x480;
	s5 =	simm.s32 $0x600;
	s6 =	simm.s32 $0x200;
	(v2sf) =	vpush v0, $0x7  }
0x17c: {  	s7 =	simm.s32 $0x400;
	p1 =	por $0x0, $0x0;
	s12 =	simm.s32 $0x500  }
0x17d: {  	s13 =	simm.s32 $0x300;
	s14 =	simm.s32 $0x700;
	s16 =	simm.s32 $0x680;
	(v2sf) =	vpush v0, $0x8  }
0x17e: {  	s20 =	simm.s32 $0x380;
	s22 =	simm.s32 $0x780;
	p0 =	por p0, p0  }
0x17f: {  	p1 =	por p1, p1;
	p0 =	por p0, p0;
	s19 =	spop (v2sf);
	(v2sf) =	vpush v0, $0x9  }
0x180: {  	s0 =	simm.s32 $0x800;
	s21 =	spop (v2sf);
	s19 =	sand.u32 $0x1FFFFFF0, s19  }
0x181: {  	(v2sf) =	vpush v0, $0xA;
	s21 =	sand.u32 $0x1FFFFFF0, s21;
	s23 =	spop (v2sf);
	s19 =	sadd.s32 s3, s19  }
0x182: {  	(v2sf) =	vpush v0, $0xB;
	s21 =	sadd.s32 s3, s21;
	s23 =	sand.u32 $0x1FFFFFF0, s23;
	s28 =	spop (v2sf)  }
0x183: {  	[hbm4b:s21+s2] =	stream.linear.scatter [tilespmem:s6], [sflag:$0x1], $0x80, $0x38;
	[tilespmem:$0x18200] =	vst v63  }
0x184: {  	(v2sf) =	vpush v0, $0xC;
	s6 =	simm.s32 $0x580;
	s23 =	sadd.s32 s3, s23;
	s30 =	spop (v2sf)  }
0x185: {  	[hbm4b:s23+s2] =	stream.linear.scatter [tilespmem:s26], [sflag:$0x1], $0x80, $0x38;
	[tilespmem:$0x18200] =	vst v63  }
0x186: {  	s29 =	sand.u32 $0x1FFFFFF0, s28;
	(v2sf) =	vpush v0, $0xD;
	s31 =	sand.u32 $0x1FFFFFF0, s30;
	s21 =	spop (v2sf)  }
0x187: {  	[hbm4b:s19+s2] =	stream.linear.scatter [tilespmem:s13], [sflag:$0x1], $0x80, $0x38;
	[tilespmem:$0x18200] =	vst v63  }
0x188: {  	s1 =	sadd.s32 s3, s29;
	(v2sf) =	vpush v0, $0xE;
	s23 =	sand.u32 $0x1FFFFFF0, s21;
	s24 =	spop (v2sf)  }
0x189: {  	[hbm4b:s1+s2] =	stream.linear.scatter [tilespmem:s20], [sflag:$0x1], $0x80, $0x38;
	[tilespmem:$0x18200] =	vst v63  }
0x18a: {  	(v2sf) =	vpush v0, $0xF;
	s25 =	sand.u32 $0x1FFFFFF0, s24;
	s26 =	spop (v2sf);
	s13 =	sadd.s32 s3, s31  }
0x18b: {  	[hbm4b:s13+s2] =	stream.linear.scatter [tilespmem:s7], [sflag:$0x1], $0x80, $0x38;
	[tilespmem:$0x18200] =	vst v63  }
0x18c: {  	s28 =	sand.u32 $0x1FFFFFF0, s26;
	s29 =	spop (v2sf);
	s1 =	sadd.s32 s3, s23  }
0x18d: {  	[hbm4b:s1+s2] =	stream.linear.scatter [tilespmem:s4], [sflag:$0x1], $0x80, $0x38;
	[tilespmem:$0x18200] =	vst v63  }
0x18e: {  	s7 =	sadd.s32 s3, s25;
	s4 =	sand.u32 $0x1FFFFFF0, s29;
	s30 =	spop (v2sf)  }
0x18f: {  	[hbm4b:s7+s2] =	stream.linear.scatter [tilespmem:s12], [sflag:$0x1], $0x80, $0x38;
	[tilespmem:$0x18200] =	vst v63  }
0x190: {  	s1 =	sadd.s32 s3, s28;
	s28 =	simm.s32 $0x880;
	s7 =	spop (v2sf)  }
0x191: {  	s29 =	simm.s32 $0x900;
	s4 =	sadd.s32 s3, s4;
	s13 =	spop (v2sf)  }
0x192: {  	[hbm4b:s1+s2] =	stream.linear.scatter [tilespmem:s6], [sflag:$0x1], $0x80, $0x38;
	[tilespmem:$0x18200] =	vst v63  }
0x193: {  	s31 =	sand.u32 $0x1FFFFFF0, s30;
	s12 =	sand.u32 $0x1FFFFFF0, s7;
	s20 =	spop (v2sf)  }
0x194: {  	[hbm4b:s4+s2] =	stream.linear.scatter [tilespmem:s5], [sflag:$0x1], $0x80, $0x38;
	[tilespmem:$0x18200] =	vst v63  }
0x195: {  	s1 =	sadd.s32 s3, s31;
	s19 =	sand.u32 $0x1FFFFFF0, s13;
	s23 =	spop (v2sf)  }
0x196: {  	[hbm4b:s1+s2] =	stream.linear.scatter [tilespmem:s16], [sflag:$0x1], $0x80, $0x38;
	[tilespmem:$0x18200] =	vst v63  }
0x197: {  	s21 =	sand.u32 $0x1FFFFFF0, s20;
	s4 =	sadd.s32 s3, s12;
	s25 =	spop (v2sf)  }
0x198: {  	[hbm4b:s4+s2] =	stream.linear.scatter [tilespmem:s14], [sflag:$0x1], $0x80, $0x38;
	[tilespmem:$0x18200] =	vst v63  }
0x199: {  	s24 =	sand.u32 $0x1FFFFFF0, s23;
	s30 =	spop (v2sf);
	s1 =	sadd.s32 s3, s19  }
0x19a: {  	[hbm4b:s1+s2] =	stream.linear.scatter [tilespmem:s22], [sflag:$0x1], $0x80, $0x38;
	[tilespmem:$0x18200] =	vst v63  }
0x19b: {  	s26 =	sand.u32 $0x1FFFFFF0, s25;
	s31 =	sand.u32 $0x1FFFFFF0, s30;
	s4 =	sadd.s32 s3, s21  }
0x19c: {  	[hbm4b:s4+s2] =	stream.linear.scatter [tilespmem:s0], [sflag:$0x1], $0x80, $0x38;
	[tilespmem:$0x18200] =	vst v63  }
0x19d: {  	s19 =	simm.s32 $0x10;
	s16 =	simm.s32 $0x800;
	s1 =	sadd.s32 s3, s24  }
0x19e: {  	[hbm4b:s1+s2] =	stream.linear.scatter [tilespmem:s28], [sflag:$0x1], $0x80, $0x38;
	[tilespmem:$0x18200] =	vst v63  }
0x19f: {  	s21 =	simm.s32 @!p0 $0x1;
	s0 =	sadd.s32 s3, s26;
	s1 =	sadd.s32 s3, s31  }
0x1a0: {  	[hbm4b:s0+s2] =	stream.linear.scatter [tilespmem:s29], [sflag:$0x1], $0x80, $0x38;
	[tilespmem:$0x18200] =	vst v63  }
.LBB2_10:
0x1a1: {  	s0 =	sadd.s32 $0x280, s16  }
0x1a2: {  	s4 =	sadd.s32 $0x980, s16;
	s20 =	smov.u32 s17;
	s17 =	sadd.s32 $0x2000, s17  }
0x1a3: {  	[hbm4b:s1+s2] =	stream.linear.scatter [tilespmem:s18], [sflag:$0x1], $0x80, $0x38;
	[tilespmem:$0x18200] =	vst v63  }
0x1a4: {  	s25 =	sadd.s32 $0x480, s16;
	s22 =	sadd.s32 $0x600, s16;
	_ =	swait.ge @!p0 [sflag:s21], $0x800  }
0x1a5: {  	s13 =	sadd.s32 $0x200, s16;
	s30 =	sadd.s32 $0x400, s16;
	[sflag:s21] =	ssyncset.done @!p0 $0x0  }
0x1a6: {  	s26 =	sadd.s32 $0x500, s16;
	p3 =	seq.s32 s20, $0x0;
	[sflag:s21] =	ssyncadd.s32 @!p0 $0xFFFFF800  }
0x1a7: {  	s23 =	sadd.s32 $0x700, s16;
	p2 =	sne.s32 s17, $0x20000;
	s1 =	sadd.s32 $0x300, s16;
	v0 =	vld [tilespmem:s19+$0x0]  }
0x1a8: {  	s24 =	sadd.s32 $0x680, s16;
	s18 =	smov.u32 s4;
	p0 =	por p1, p1  }
0x1a9: {  	p1 =	por p3, p3;
	_ =	sdelay $0x1  }
0x1aa: {  	s12 =	sadd.s32 $0x380, s16  }
0x1ab: {  	v0 =	vshll.u32 v0, $0x4  }
0x1ac: {  	(v2sf) =	vpush v0, $0x2  }
0x1ad: {  	(v2sf) =	vpush v0, $0x0  }
0x1ae: {  	(v2sf) =	vpush v0, $0x1  }
0x1af: {  	(v2sf) =	vpush v0, $0x3;
	_ =	sdelay $0x1  }
0x1b0: {  	(v2sf) =	vpush v0, $0x4;
	_ =	sdelay $0x1  }
0x1b1: {  	(v2sf) =	vpush v0, $0x5;
	_ =	sdelay $0x1  }
0x1b2: {  	(v2sf) =	vpush v0, $0x6;
	_ =	sdelay $0x1  }
0x1b3: {  	(v2sf) =	vpush v0, $0x7;
	_ =	sdelay $0x1  }
0x1b4: {  	s29 =	sadd.s32 $0x800, s16;
	(v2sf) =	vpush v0, $0x8  }
0x1b5: {  	s31 =	sadd.s32 $0x780, s16  }
0x1b6: {  	s21 =	simm.s32 @!p0 $0x1;
	s19 =	sadd.s32 $0x10, s19;
	s4 =	spop (v2sf);
	(v2sf) =	vpush v0, $0x9  }
0x1b7: {  	s28 =	sadd.s32 $0x900, s16;
	s4 =	sand.u32 $0x1FFFFFF0, s4;
	s5 =	spop (v2sf)  }
0x1b8: {  	s6 =	sadd.s32 $0x580, s16;
	s5 =	sand.u32 $0x1FFFFFF0, s5;
	s7 =	spop (v2sf);
	(v2sf) =	vpush v0, $0xA  }
0x1b9: {  	s5 =	sadd.s32 s3, s5;
	s7 =	sand.u32 $0x1FFFFFF0, s7;
	s14 =	spop (v2sf)  }
0x1ba: {  	[hbm4b:s5+s2] =	stream.linear.scatter [tilespmem:s13], [sflag:$0x1], $0x80, $0x38;
	(v2sf) =	vpush v0, $0xB;
	[tilespmem:$0x18200] =	vst v63  }
0x1bb: {  	s5 =	sadd.s32 s3, s7;
	s7 =	sand.u32 $0x1FFFFFF0, s14;
	s13 =	spop (v2sf)  }
0x1bc: {  	[hbm4b:s5+s2] =	stream.linear.scatter [tilespmem:s0], [sflag:$0x1], $0x80, $0x38;
	(v2sf) =	vpush v0, $0xC;
	[tilespmem:$0x18200] =	vst v63  }
0x1bd: {  	s0 =	sadd.s32 s3, s4;
	s4 =	sand.u32 $0x1FFFFFF0, s13;
	s5 =	spop (v2sf)  }
0x1be: {  	[hbm4b:s0+s2] =	stream.linear.scatter [tilespmem:s1], [sflag:$0x1], $0x80, $0x38;
	(v2sf) =	vpush v0, $0xD;
	[tilespmem:$0x18200] =	vst v63  }
0x1bf: {  	s0 =	sadd.s32 s3, s7;
	s1 =	sand.u32 $0x1FFFFFF0, s5;
	s5 =	spop (v2sf)  }
0x1c0: {  	[hbm4b:s0+s2] =	stream.linear.scatter [tilespmem:s12], [sflag:$0x1], $0x80, $0x38;
	(v2sf) =	vpush v0, $0xE;
	[tilespmem:$0x18200] =	vst v63  }
0x1c1: {  	s0 =	sadd.s32 s3, s4;
	s4 =	sand.u32 $0x1FFFFFF0, s5;
	s5 =	spop (v2sf)  }
0x1c2: {  	[hbm4b:s0+s2] =	stream.linear.scatter [tilespmem:s30], [sflag:$0x1], $0x80, $0x38;
	(v2sf) =	vpush v0, $0xF;
	[tilespmem:$0x18200] =	vst v63  }
0x1c3: {  	s0 =	sadd.s32 s3, s1;
	s1 =	sand.u32 $0x1FFFFFF0, s5;
	s5 =	spop (v2sf)  }
0x1c4: {  	[hbm4b:s0+s2] =	stream.linear.scatter [tilespmem:s25], [sflag:$0x1], $0x80, $0x38;
	[tilespmem:$0x18200] =	vst v63  }
0x1c5: {  	s0 =	sadd.s32 s3, s4;
	s4 =	sand.u32 $0x1FFFFFF0, s5;
	s5 =	spop (v2sf)  }
0x1c6: {  	[hbm4b:s0+s2] =	stream.linear.scatter [tilespmem:s26], [sflag:$0x1], $0x80, $0x38;
	[tilespmem:$0x18200] =	vst v63  }
0x1c7: {  	s0 =	sadd.s32 s3, s1;
	s1 =	sand.u32 $0x1FFFFFF0, s5;
	s5 =	spop (v2sf)  }
0x1c8: {  	[hbm4b:s0+s2] =	stream.linear.scatter [tilespmem:s6], [sflag:$0x1], $0x80, $0x38;
	[tilespmem:$0x18200] =	vst v63  }
0x1c9: {  	s0 =	sadd.s32 s3, s4;
	s4 =	sand.u32 $0x1FFFFFF0, s5;
	s5 =	spop (v2sf)  }
0x1ca: {  	[hbm4b:s0+s2] =	stream.linear.scatter [tilespmem:s22], [sflag:$0x1], $0x80, $0x38;
	[tilespmem:$0x18200] =	vst v63  }
0x1cb: {  	s0 =	sadd.s32 s3, s1;
	s1 =	sand.u32 $0x1FFFFFF0, s5;
	s5 =	spop (v2sf)  }
0x1cc: {  	[hbm4b:s0+s2] =	stream.linear.scatter [tilespmem:s24], [sflag:$0x1], $0x80, $0x38;
	[tilespmem:$0x18200] =	vst v63  }
0x1cd: {  	s0 =	sadd.s32 s3, s4;
	s4 =	sand.u32 $0x1FFFFFF0, s5;
	s5 =	spop (v2sf)  }
0x1ce: {  	[hbm4b:s0+s2] =	stream.linear.scatter [tilespmem:s23], [sflag:$0x1], $0x80, $0x38;
	[tilespmem:$0x18200] =	vst v63  }
0x1cf: {  	s0 =	sadd.s32 s3, s1;
	s1 =	sand.u32 $0x1FFFFFF0, s5;
	s5 =	spop (v2sf)  }
0x1d0: {  	[hbm4b:s0+s2] =	stream.linear.scatter [tilespmem:s31], [sflag:$0x1], $0x80, $0x38;
	[tilespmem:$0x18200] =	vst v63  }
0x1d1: {  	s0 =	sadd.s32 s3, s4;
	s4 =	sand.u32 $0x1FFFFFF0, s5;
	s5 =	spop (v2sf)  }
0x1d2: {  	[hbm4b:s0+s2] =	stream.linear.scatter [tilespmem:s29], [sflag:$0x1], $0x80, $0x38;
	[tilespmem:$0x18200] =	vst v63  }
.Ltmp4:
0x1d3: {  	_ = 	snop;
	(pc) =	sbr.rel @p2 .LBB2_10-.Ltmp4, $4  }
0x1d4: {  	s1 =	sadd.s32 s3, s1;
	s0 =	sadd.s32 $0x880, s16;
	s5 =	sand.u32 $0x1FFFFFF0, s5  }
0x1d5: {  	[hbm4b:s1+s2] =	stream.linear.scatter [tilespmem:s0], [sflag:$0x1], $0x80, $0x38;
	[tilespmem:$0x18200] =	vst v63  }
0x1d6: {  	s16 =	sshra.s32 s20, $0x2;
	s0 =	sadd.s32 s3, s4;
	s1 =	sadd.s32 s3, s5  }
0x1d7: {  	[hbm4b:s0+s2] =	stream.linear.scatter [tilespmem:s28], [sflag:$0x1], $0x80, $0x38;
	[tilespmem:$0x18200] =	vst v63  }
0x1d8: {  	[hbm4b:s1+s2] =	stream.linear.scatter [tilespmem:s18], [sflag:$0x1], $0x80, $0x38;
	[tilespmem:$0x18200] =	vst v63  }
0x1d9: {  	_ =	swait.ge @!p0 [sflag:s21], $0x800  }
0x1da: {  	[sflag:s21] =	ssyncset.done @!p0 $0x0  }
0x1db: {  	[sflag:s21] =	ssyncadd.s32 @!p0 $0xFFFFF800  }
0x1dc: {  	v0 =	vld [tilespmem:s19+$0x0];
	_ =	sdelay $0x4  }
0x1dd: {  	v0 =	vshll.u32 v0, $0x4  }
0x1de: {  	(v2sf) =	vpush v0, $0x2  }
0x1df: {  	(v2sf) =	vpush v0, $0x0  }
0x1e0: {  	(v2sf) =	vpush v0, $0x1  }
0x1e1: {  	(v2sf) =	vpush v0, $0x3;
	_ =	sdelay $0x1  }
0x1e2: {  	(v2sf) =	vpush v0, $0x4;
	_ =	sdelay $0x1  }
0x1e3: {  	(v2sf) =	vpush v0, $0x5;
	_ =	sdelay $0x1  }
0x1e4: {  	(v2sf) =	vpush v0, $0x6;
	_ =	sdelay $0x1  }
0x1e5: {  	(v2sf) =	vpush v0, $0x7  }
0x1e6: {  	s31 =	sadd.s32 $0x280, s16;
	s4 =	sadd.s32 $0x480, s16;
	s5 =	sadd.s32 $0x600, s16  }
0x1e7: {  	s6 =	sadd.s32 $0x200, s16;
	s7 =	sadd.s32 $0x400, s16;
	s12 =	sadd.s32 $0x500, s16;
	(v2sf) =	vpush v0, $0x8  }
0x1e8: {  	s13 =	sadd.s32 $0x300, s16;
	s14 =	sadd.s32 $0x700, s16;
	s17 =	sadd.s32 $0x680, s16  }
0x1e9: {  	s18 =	sadd.s32 $0x380, s16;
	s0 =	sadd.s32 $0x800, s16;
	s23 =	spop (v2sf)  }
0x1ea: {  	s20 =	sadd.s32 $0x780, s16;
	p0 =	por p1, p1;
	s24 =	spop (v2sf)  }
0x1eb: {  	(v2sf) =	vpush v0, $0x9;
	s19 =	sand.u32 $0x1FFFFFF0, s23;
	s21 =	sand.u32 $0x1FFFFFF0, s24;
	s22 =	spop (v2sf)  }
0x1ec: {  	s21 =	sadd.s32 s3, s21;
	s22 =	sand.u32 $0x1FFFFFF0, s22;
	s23 =	spop (v2sf)  }
0x1ed: {  	(v2sf) =	vpush v0, $0xA;
	[hbm4b:s21+s2] =	stream.linear.scatter [tilespmem:s6], [sflag:$0x1], $0x80, $0x38;
	[tilespmem:$0x18200] =	vst v63  }
0x1ee: {  	s19 =	sadd.s32 s3, s19;
	s25 =	sadd.s32 s3, s22;
	s26 =	spop (v2sf)  }
0x1ef: {  	(v2sf) =	vpush v0, $0xB;
	[hbm4b:s25+s2] =	stream.linear.scatter [tilespmem:s31], [sflag:$0x1], $0x80, $0x38;
	[tilespmem:$0x18200] =	vst v63  }
0x1f0: {  	s6 =	sadd.s32 $0x580, s16;
	s28 =	sand.u32 $0x1FFFFFF0, s23;
	s29 =	spop (v2sf)  }
0x1f1: {  	(v2sf) =	vpush v0, $0xC;
	[hbm4b:s19+s2] =	stream.linear.scatter [tilespmem:s13], [sflag:$0x1], $0x80, $0x38;
	[tilespmem:$0x18200] =	vst v63  }
0x1f2: {  	s30 =	sand.u32 $0x1FFFFFF0, s26;
	s1 =	sadd.s32 s3, s28;
	s31 =	spop (v2sf)  }
0x1f3: {  	(v2sf) =	vpush v0, $0xD;
	[hbm4b:s1+s2] =	stream.linear.scatter [tilespmem:s18], [sflag:$0x1], $0x80, $0x38;
	[tilespmem:$0x18200] =	vst v63  }
0x1f4: {  	s22 =	sand.u32 $0x1FFFFFF0, s29;
	s23 =	spop (v2sf);
	s13 =	sadd.s32 s3, s30  }
0x1f5: {  	(v2sf) =	vpush v0, $0xE;
	[hbm4b:s13+s2] =	stream.linear.scatter [tilespmem:s7], [sflag:$0x1], $0x80, $0x38;
	[tilespmem:$0x18200] =	vst v63  }
0x1f6: {  	s24 =	sand.u32 $0x1FFFFFF0, s31;
	s25 =	spop (v2sf);
	s1 =	sadd.s32 s3, s22  }
0x1f7: {  	(v2sf) =	vpush v0, $0xF;
	[hbm4b:s1+s2] =	stream.linear.scatter [tilespmem:s4], [sflag:$0x1], $0x80, $0x38;
	[tilespmem:$0x18200] =	vst v63  }
0x1f8: {  	s26 =	sand.u32 $0x1FFFFFF0, s23;
	s28 =	sadd.s32 s3, s24;
	s30 =	sand.u32 $0x1FFFFFF0, s25  }
0x1f9: {  	[hbm4b:s28+s2] =	stream.linear.scatter [tilespmem:s12], [sflag:$0x1], $0x80, $0x38;
	[tilespmem:$0x18200] =	vst v63  }
0x1fa: {  	s1 =	sadd.s32 s3, s26;
	s4 =	sadd.s32 s3, s30;
	s29 =	spop (v2sf)  }
0x1fb: {  	[hbm4b:s1+s2] =	stream.linear.scatter [tilespmem:s6], [sflag:$0x1], $0x80, $0x38;
	[tilespmem:$0x18200] =	vst v63  }
0x1fc: {  	s26 =	sadd.s32 $0x880, s16;
	s31 =	spop (v2sf);
	s6 =	sand.u32 $0x1FFFFFF0, s29  }
0x1fd: {  	[hbm4b:s4+s2] =	stream.linear.scatter [tilespmem:s5], [sflag:$0x1], $0x80, $0x38;
	[tilespmem:$0x18200] =	vst v63  }
0x1fe: {  	s7 =	spop (v2sf);
	s13 =	sand.u32 $0x1FFFFFF0, s31;
	s1 =	sadd.s32 s3, s6  }
0x1ff: {  	[hbm4b:s1+s2] =	stream.linear.scatter [tilespmem:s17], [sflag:$0x1], $0x80, $0x38;
	[tilespmem:$0x18200] =	vst v63  }
0x200: {  	s18 =	spop (v2sf);
	s19 =	sand.u32 $0x1FFFFFF0, s7;
	s4 =	sadd.s32 s3, s13  }
0x201: {  	[hbm4b:s4+s2] =	stream.linear.scatter [tilespmem:s14], [sflag:$0x1], $0x80, $0x38;
	[tilespmem:$0x18200] =	vst v63  }
0x202: {  	s21 =	spop (v2sf);
	s22 =	sand.u32 $0x1FFFFFF0, s18;
	s1 =	sadd.s32 s3, s19  }
0x203: {  	[hbm4b:s1+s2] =	stream.linear.scatter [tilespmem:s20], [sflag:$0x1], $0x80, $0x38;
	[tilespmem:$0x18200] =	vst v63  }
0x204: {  	s23 =	spop (v2sf);
	s24 =	sand.u32 $0x1FFFFFF0, s21;
	s4 =	sadd.s32 s3, s22  }
0x205: {  	[hbm4b:s4+s2] =	stream.linear.scatter [tilespmem:s0], [sflag:$0x1], $0x80, $0x38;
	[tilespmem:$0x18200] =	vst v63  }
0x206: {  	s5 =	sand.u32 $0x1FFFFFF0, s23;
	s25 =	spop (v2sf);
	s1 =	sadd.s32 s3, s24  }
0x207: {  	[hbm4b:s1+s2] =	stream.linear.scatter [tilespmem:s26], [sflag:$0x1], $0x80, $0x38;
	[tilespmem:$0x18200] =	vst v63  }
0x208: {  	s28 =	sadd.s32 $0x900, s16;
	s29 =	sadd.s32 s3, s5;
	s0 =	sand.u32 $0x1FFFFFF0, s25  }
0x209: {  	[hbm4b:s29+s2] =	stream.linear.scatter [tilespmem:s28], [sflag:$0x1], $0x80, $0x38;
	[tilespmem:$0x18200] =	vst v63  }
0x20a: {  	s30 =	sadd.s32 $0x980, s16;
	s4 =	simm.s32 @!p0 $0x1;
	s0 =	sadd.s32 s3, s0  }
0x20b: {  	[hbm4b:s0+s2] =	stream.linear.scatter [tilespmem:s30], [sflag:$0x1], $0x80, $0x38;
	[tilespmem:$0x18200] =	vst v63  }
0x20c: {  	_ =	swait.ge @!p0 [sflag:s4], $0x800  }
0x20d: {  	[sflag:s4] =	ssyncset.done @!p0 $0x0  }
0x20e: {  	[sflag:s4] =	ssyncadd.s32 @!p0 $0xFFFFF800  }
0x20f: {  	_ =	swait.ge [sflag:s11], $0x800  }
0x210: {  	s19 =	simm.s32 $0x0;
	[sflag:s11] =	ssyncset.done $0x0  }
0x211: {  	s31 =	sand.u32 $0xF0, s19;
	[sflag:s11] =	ssyncadd.s32 $0xFFFFF800  }
0x212: {  	v0 =	vld [tilespmem:s31+$0x100];
	_ =	sdelay $0x4  }
0x213: {  	v0 =	vshll.u32 v0, $0x4  }
0x214: {  	(v2sf) =	vpush v0, $0x1  }
0x215: {  	(v2sf) =	vpush v0, $0x0  }
0x216: {  	(v2sf) =	vpush v0, $0x3  }
0x217: {  	(v2sf) =	vpush v0, $0x2  }
0x218: {  	s16 =	simm.s32 $0x0;
	s18 =	simm.s32 $0x0;
	s17 =	simm.s32 $0x2000;
	(v2sf) =	vpush v0, $0x4  }
.LBB2_12:
0x219: {  	s4 =	sadd.s32 $0x8280, s16  }
0x21a: {  	s22 =	sadd.s32 $0x8780, s16;
	s20 =	smov.u32 s17;
	s17 =	sadd.s32 $0x2000, s17  }
0x21b: {  	s0 =	sadd.s32 $0x8580, s16;
	s23 =	sadd.s32 $0x8800, s16;
	p0 =	sne.s32 s17, $0x20000  }
0x21c: {  	s1 =	sadd.s32 $0x8480, s16;
	s26 =	sadd.s32 $0x8600, s16;
	s21 =	sadd.s32 $0x8880, s16  }
0x21d: {  	s5 =	sadd.s32 $0x8200, s16;
	s6 =	sadd.s32 $0x8400, s16;
	(v2sf) =	vpush v0, $0x5  }
0x21e: {  	s12 =	sadd.s32 $0x8500, s16  }
0x21f: {  	s7 =	sadd.s32 $0x8300, s16;
	s25 =	sadd.s32 $0x8700, s16;
	(v2sf) =	vpush v0, $0x6  }
0x220: {  	s28 =	sadd.s32 $0x8680, s16  }
0x221: {  	(v2sf) =	vpush v0, $0x7;
	_ =	sdelay $0x1  }
0x222: {  	s13 =	sadd.s32 $0x8380, s16;
	s14 =	spop (v2sf);
	(v2sf) =	vpush v0, $0x8  }
0x223: {  	s24 =	sadd.s32 $0x8980, s16;
	s29 =	spop (v2sf)  }
0x224: {  	s14 =	sand.u32 $0x1FFFFFF0, s14;
	s29 =	sand.u32 $0x1FFFFFF0, s29;
	s30 =	spop (v2sf);
	(v2sf) =	vpush v0, $0x9  }
0x225: {  	s14 =	sadd.s32 s3, s14;
	s29 =	sadd.s32 s3, s29;
	s31 =	spop (v2sf)  }
0x226: {  	[hbm4b:s29+s2] =	stream.linear.scatter [tilespmem:s5], [sflag:$0x1], $0x80, $0x38;
	(v2sf) =	vpush v0, $0xA;
	[tilespmem:$0x18200] =	vst v63  }
0x227: {  	s5 =	sand.u32 $0x1FFFFFF0, s31;
	s29 =	sand.u32 $0x1FFFFFF0, s30;
	s30 =	spop (v2sf)  }
0x228: {  	[hbm4b:s14+s2] =	stream.linear.scatter [tilespmem:s4], [sflag:$0x1], $0x80, $0x38;
	(v2sf) =	vpush v0, $0xB;
	[tilespmem:$0x18200] =	vst v63  }
0x229: {  	s4 =	sadd.s32 s3, s5;
	s5 =	sadd.s32 s3, s29;
	s14 =	sand.u32 $0x1FFFFFF0, s30  }
0x22a: {  	[hbm4b:s4+s2] =	stream.linear.scatter [tilespmem:s7], [sflag:$0x1], $0x80, $0x38;
	(v2sf) =	vpush v0, $0xC;
	[tilespmem:$0x18200] =	vst v63  }
0x22b: {  	p1 =	seq.s32 s19, $0x0;
	s18 =	sadd.s32 $0x10, s18;
	s4 =	spop (v2sf)  }
0x22c: {  	[hbm4b:s5+s2] =	stream.linear.scatter [tilespmem:s13], [sflag:$0x1], $0x80, $0x38;
	(v2sf) =	vpush v0, $0xD;
	[tilespmem:$0x18200] =	vst v63  }
0x22d: {  	s5 =	sadd.s32 s3, s14;
	s4 =	sand.u32 $0x1FFFFFF0, s4;
	s7 =	spop (v2sf)  }
0x22e: {  	[hbm4b:s5+s2] =	stream.linear.scatter [tilespmem:s6], [sflag:$0x1], $0x80, $0x38;
	(v2sf) =	vpush v0, $0xE;
	[tilespmem:$0x18200] =	vst v63  }
0x22f: {  	s4 =	sadd.s32 s3, s4;
	s5 =	sand.u32 $0x1FFFFFF0, s7;
	s6 =	spop (v2sf)  }
0x230: {  	[hbm4b:s4+s2] =	stream.linear.scatter [tilespmem:s1], [sflag:$0x1], $0x80, $0x38;
	(v2sf) =	vpush v0, $0xF;
	[tilespmem:$0x18200] =	vst v63  }
0x231: {  	s1 =	sadd.s32 s3, s5;
	s4 =	sand.u32 $0x1FFFFFF0, s6;
	s5 =	spop (v2sf)  }
0x232: {  	[hbm4b:s1+s2] =	stream.linear.scatter [tilespmem:s12], [sflag:$0x1], $0x80, $0x38;
	[tilespmem:$0x18200] =	vst v63  }
0x233: {  	s1 =	sadd.s32 s3, s4;
	s4 =	sand.u32 $0x1FFFFFF0, s5;
	s5 =	spop (v2sf)  }
0x234: {  	[hbm4b:s1+s2] =	stream.linear.scatter [tilespmem:s0], [sflag:$0x1], $0x80, $0x38;
	[tilespmem:$0x18200] =	vst v63  }
0x235: {  	s0 =	sadd.s32 s3, s4;
	s1 =	sand.u32 $0x1FFFFFF0, s5;
	s4 =	spop (v2sf)  }
0x236: {  	[hbm4b:s0+s2] =	stream.linear.scatter [tilespmem:s26], [sflag:$0x1], $0x80, $0x38;
	[tilespmem:$0x18200] =	vst v63  }
0x237: {  	s0 =	sadd.s32 s3, s1;
	s1 =	sand.u32 $0x1FFFFFF0, s4;
	s4 =	spop (v2sf)  }
0x238: {  	[hbm4b:s0+s2] =	stream.linear.scatter [tilespmem:s28], [sflag:$0x1], $0x80, $0x38;
	[tilespmem:$0x18200] =	vst v63  }
0x239: {  	s0 =	sadd.s32 s3, s1;
	s1 =	sand.u32 $0x1FFFFFF0, s4;
	s4 =	spop (v2sf)  }
0x23a: {  	[hbm4b:s0+s2] =	stream.linear.scatter [tilespmem:s25], [sflag:$0x1], $0x80, $0x38;
	[tilespmem:$0x18200] =	vst v63  }
0x23b: {  	s0 =	sadd.s32 s3, s1;
	s1 =	sand.u32 $0x1FFFFFF0, s4;
	s4 =	spop (v2sf)  }
0x23c: {  	[hbm4b:s0+s2] =	stream.linear.scatter [tilespmem:s22], [sflag:$0x1], $0x80, $0x38;
	[tilespmem:$0x18200] =	vst v63  }
0x23d: {  	s0 =	sadd.s32 s3, s1;
	s1 =	sand.u32 $0x1FFFFFF0, s4;
	s4 =	spop (v2sf)  }
0x23e: {  	[hbm4b:s0+s2] =	stream.linear.scatter [tilespmem:s23], [sflag:$0x1], $0x80, $0x38;
	[tilespmem:$0x18200] =	vst v63  }
0x23f: {  	s0 =	sadd.s32 s3, s1;
	s1 =	sand.u32 $0x1FFFFFF0, s4;
	s4 =	spop (v2sf)  }
0x240: {  	[hbm4b:s0+s2] =	stream.linear.scatter [tilespmem:s21], [sflag:$0x1], $0x80, $0x38;
	[tilespmem:$0x18200] =	vst v63  }
0x241: {  	s1 =	sadd.s32 s3, s1;
	s0 =	sadd.s32 $0x8900, s16;
	s4 =	sand.u32 $0x1FFFFFF0, s4  }
0x242: {  	[hbm4b:s1+s2] =	stream.linear.scatter [tilespmem:s0], [sflag:$0x1], $0x80, $0x38;
	[tilespmem:$0x18200] =	vst v63  }
0x243: {  	s0 =	sand.u32 $0xF0, s18;
	s1 =	sadd.s32 s3, s4;
	s4 =	simm.s32 @!p1 $0x1  }
0x244: {  	[hbm4b:s1+s2] =	stream.linear.scatter [tilespmem:s24], [sflag:$0x1], $0x80, $0x38;
	[tilespmem:$0x18200] =	vst v63  }
0x245: {  	s19 =	smov.u32 s20;
	_ =	swait.ge @!p1 [sflag:s4], $0x800  }
0x246: {  	[sflag:s4] =	ssyncset.done @!p1 $0x0  }
0x247: {  	[sflag:s4] =	ssyncadd.s32 @!p1 $0xFFFFF800  }
0x248: {  	v0 =	vld [tilespmem:s0+$0x100];
	_ =	sdelay $0x4  }
0x249: {  	v0 =	vshll.u32 v0, $0x4  }
0x24a: {  	(v2sf) =	vpush v0, $0x1  }
.Ltmp5:
0x24b: {  	(v2sf) =	vpush v0, $0x0;
	(pc) =	sbr.rel @p0 .LBB2_12-.Ltmp5, $3  }
0x24c: {  	(v2sf) =	vpush v0, $0x3  }
0x24d: {  	(v2sf) =	vpush v0, $0x2;
	_ =	sdelay $0x1  }
0x24e: {  	s16 =	sshra.s32 s19, $0x2;
	(v2sf) =	vpush v0, $0x4  }
0x24f: {  	_ =	sdelay $0x2  }
0x250: {  	(v2sf) =	vpush v0, $0x5;
	_ =	sdelay $0x1  }
0x251: {  	(v2sf) =	vpush v0, $0x6  }
0x252: {  	s1 =	sadd.s32 $0x8280, s16;
	s18 =	sadd.s32 $0x8780, s16;
	s4 =	sadd.s32 $0x8580, s16  }
0x253: {  	s0 =	sadd.s32 $0x8800, s16;
	s5 =	sadd.s32 $0x8480, s16;
	s6 =	sadd.s32 $0x8600, s16;
	(v2sf) =	vpush v0, $0x7  }
0x254: {  	s17 =	sadd.s32 $0x8880, s16;
	s7 =	sadd.s32 $0x8200, s16;
	s12 =	sadd.s32 $0x8400, s16  }
0x255: {  	s13 =	sadd.s32 $0x8500, s16;
	s14 =	sadd.s32 $0x8300, s16;
	s20 =	spop (v2sf);
	(v2sf) =	vpush v0, $0x8  }
0x256: {  	s21 =	sadd.s32 $0x8700, s16;
	s22 =	sadd.s32 $0x8680, s16;
	s23 =	spop (v2sf)  }
0x257: {  	s24 =	sadd.s32 $0x8380, s16;
	s23 =	sand.u32 $0x1FFFFFF0, s23;
	s25 =	spop (v2sf);
	(v2sf) =	vpush v0, $0x9  }
0x258: {  	s20 =	sand.u32 $0x1FFFFFF0, s20;
	s23 =	sadd.s32 s3, s23;
	s26 =	spop (v2sf)  }
0x259: {  	(v2sf) =	vpush v0, $0xA;
	[hbm4b:s23+s2] =	stream.linear.scatter [tilespmem:s7], [sflag:$0x1], $0x80, $0x38;
	[tilespmem:$0x18200] =	vst v63  }
0x25a: {  	p0 =	seq.s32 s19, $0x0;
	s20 =	sadd.s32 s3, s20;
	s23 =	sand.u32 $0x1FFFFFF0, s26  }
0x25b: {  	(v2sf) =	vpush v0, $0xB;
	[hbm4b:s20+s2] =	stream.linear.scatter [tilespmem:s1], [sflag:$0x1], $0x80, $0x38;
	[tilespmem:$0x18200] =	vst v63  }
0x25c: {  	s25 =	sand.u32 $0x1FFFFFF0, s25;
	s26 =	spop (v2sf);
	s28 =	sadd.s32 s3, s23  }
0x25d: {  	(v2sf) =	vpush v0, $0xC;
	[hbm4b:s28+s2] =	stream.linear.scatter [tilespmem:s14], [sflag:$0x1], $0x80, $0x38;
	[tilespmem:$0x18200] =	vst v63  }
0x25e: {  	s29 =	sadd.s32 s3, s25;
	s1 =	sand.u32 $0x1FFFFFF0, s26;
	s30 =	spop (v2sf)  }
0x25f: {  	(v2sf) =	vpush v0, $0xD;
	[hbm4b:s29+s2] =	stream.linear.scatter [tilespmem:s24], [sflag:$0x1], $0x80, $0x38;
	[tilespmem:$0x18200] =	vst v63  }
0x260: {  	s1 =	sadd.s32 s3, s1;
	s7 =	sand.u32 $0x1FFFFFF0, s30;
	s31 =	spop (v2sf)  }
0x261: {  	(v2sf) =	vpush v0, $0xE;
	[hbm4b:s1+s2] =	stream.linear.scatter [tilespmem:s12], [sflag:$0x1], $0x80, $0x38;
	[tilespmem:$0x18200] =	vst v63  }
0x262: {  	s14 =	sand.u32 $0x1FFFFFF0, s31;
	s19 =	spop (v2sf);
	s12 =	sadd.s32 s3, s7  }
0x263: {  	(v2sf) =	vpush v0, $0xF;
	[hbm4b:s12+s2] =	stream.linear.scatter [tilespmem:s5], [sflag:$0x1], $0x80, $0x38;
	[tilespmem:$0x18200] =	vst v63  }
0x264: {  	s20 =	sadd.s32 s3, s14;
	s23 =	sand.u32 $0x1FFFFFF0, s19;
	s24 =	spop (v2sf)  }
0x265: {  	[hbm4b:s20+s2] =	stream.linear.scatter [tilespmem:s13], [sflag:$0x1], $0x80, $0x38;
	[tilespmem:$0x18200] =	vst v63  }
0x266: {  	s25 =	sadd.s32 s3, s23;
	s26 =	sand.u32 $0x1FFFFFF0, s24;
	s28 =	spop (v2sf)  }
0x267: {  	[hbm4b:s25+s2] =	stream.linear.scatter [tilespmem:s4], [sflag:$0x1], $0x80, $0x38;
	[tilespmem:$0x18200] =	vst v63  }
0x268: {  	s29 =	sadd.s32 s3, s26;
	s30 =	sand.u32 $0x1FFFFFF0, s28;
	s31 =	spop (v2sf)  }
0x269: {  	[hbm4b:s29+s2] =	stream.linear.scatter [tilespmem:s6], [sflag:$0x1], $0x80, $0x38;
	[tilespmem:$0x18200] =	vst v63  }
0x26a: {  	s4 =	sadd.s32 s3, s30;
	s7 =	spop (v2sf);
	s6 =	sand.u32 $0x1FFFFFF0, s31  }
0x26b: {  	[hbm4b:s4+s2] =	stream.linear.scatter [tilespmem:s22], [sflag:$0x1], $0x80, $0x38;
	[tilespmem:$0x18200] =	vst v63  }
0x26c: {  	s13 =	sand.u32 $0x1FFFFFF0, s7;
	s14 =	spop (v2sf);
	s12 =	sadd.s32 s3, s6  }
0x26d: {  	[hbm4b:s12+s2] =	stream.linear.scatter [tilespmem:s21], [sflag:$0x1], $0x80, $0x38;
	[tilespmem:$0x18200] =	vst v63  }
0x26e: {  	s19 =	sadd.s32 s3, s13;
	s20 =	sand.u32 $0x1FFFFFF0, s14;
	s21 =	spop (v2sf)  }
0x26f: {  	[hbm4b:s19+s2] =	stream.linear.scatter [tilespmem:s18], [sflag:$0x1], $0x80, $0x38;
	[tilespmem:$0x18200] =	vst v63  }
0x270: {  	s22 =	sadd.s32 s3, s20;
	s23 =	sand.u32 $0x1FFFFFF0, s21;
	s24 =	spop (v2sf)  }
0x271: {  	[hbm4b:s22+s2] =	stream.linear.scatter [tilespmem:s0], [sflag:$0x1], $0x80, $0x38;
	[tilespmem:$0x18200] =	vst v63  }
0x272: {  	s25 =	sadd.s32 s3, s23;
	s26 =	sand.u32 $0x1FFFFFF0, s24;
	s28 =	spop (v2sf)  }
0x273: {  	[hbm4b:s25+s2] =	stream.linear.scatter [tilespmem:s17], [sflag:$0x1], $0x80, $0x38;
	[tilespmem:$0x18200] =	vst v63  }
0x274: {  	s29 =	sadd.s32 $0x8900, s16;
	s1 =	sadd.s32 s3, s26;
	s4 =	sand.u32 $0x1FFFFFF0, s28  }
0x275: {  	[hbm4b:s1+s2] =	stream.linear.scatter [tilespmem:s29], [sflag:$0x1], $0x80, $0x38;
	[tilespmem:$0x18200] =	vst v63  }
0x276: {  	s30 =	sadd.s32 $0x8980, s16;
	s31 =	sadd.s32 s3, s4;
	s4 =	simm.s32 @!p0 $0x1  }
0x277: {  	[hbm4b:s31+s2] =	stream.linear.scatter [tilespmem:s30], [sflag:$0x1], $0x80, $0x38;
	[tilespmem:$0x18200] =	vst v63  }
0x278: {  	_ =	swait.ge @!p0 [sflag:s4], $0x800  }
0x279: {  	s15 =	sadd.s32 $0x1, s15;
	[sflag:s4] =	ssyncset.done @!p0 $0x0  }
0x27a: {  	[sflag:s4] =	ssyncadd.s32 @!p0 $0xFFFFF800;
	p0 =	sne.s32 s15, s9  }
.Ltmp6:
0x27b: {  	_ = 	snop;
	(pc) =	sbr.rel @p0 .LBB2_1-.Ltmp6, $4  }
0x27c: {  	_ = 	snop  }
0x27d: {  	_ =	swait.ge [sflag:s11], $0x800  }
0x27e: {  	[sflag:s11] =	ssyncset.done $0x0  }
0x27f: {  	[sflag:s11] =	ssyncadd.s32 $0xFFFFF800  }
0x280: {  	_ =	sfence.sel $0x180000  }
0x281: {  	[bflag:$0x0] =	sbarrier.arrive $0xFFFF  }
0x282: {  	_ =	strace $0x90000047  }
0x283: {  	s0 =	stileid.u32;
	[bflag:$0x2] =	sbarrier.arrive $0xFFFF  }
0x284: {  	p0 =	sne.s32 s0, $0x0;
	s0 =	rddreg [dreg:$0x3]  }
0x285: {  	s0 =	sadd.s32 @!p0 $0x100000, s0  }
0x286: {  	[sflag:s0] =	ssyncadd.tile.s32 @!p0 $0x1;
	_ =	shalt  }
.Lfunc_end2:
_tile_overlayer_lowered:
.L_overlay_start_2:
0x287: {  	(tag) =	ssettag $0x2  }
0x288: {  	s0 =	rddreg [dreg:$0x0];
	s2 =	stileid.u32  }
0x289: {  	s1 =	rddreg [dreg:$0x1];
	p0 =	sne.s32 s2, $0x0  }
0x28a: {  	s3 =	rddreg [dreg:$0x2];
	[bflag:$0x3] =	sbarrier.arrive $0xFFFF;
	s2 =	simm.s32 @!p0 $0x1C02  }
0x28b: {  	[timem:s3], [sflag:s2] =	dma.local @!p0 [hbm:s0], s1  }
0x28c: {  	s0 =	simm.s32 @!p0 $0x2  }
0x28d: {  	_ =	swait.ge @!p0 [sflag:s0], s1  }
0x28e: {  	s1 =	ssub.s32 @!p0 $0x0, s1;
	[sflag:s0] =	ssyncset.done @!p0 $0x0  }
0x28f: {  	[sflag:s0] =	ssyncadd.s32 @!p0 s1  }
0x290: {  	[bflag:$0x3] =	sbarrier.arrive $0xFFFF  }
0x291: {  	_ =	shalt  }

// kernel: sparse-core-data-format-call.cloned.1.call-start
scs
called_computation_lowered:
.L_overlay_start_0:
0x0: {  	s2 =	sld [smem:$0x3FD9]  }
0x1: {  	s3 =	sld [smem:$0x3FFE];
	_ =	sdelay $0x1  }
0x2: {  	s1 =	srdreg.scid  }
0x3: {  	s0 =	sand.u32 $0x1, s1  }
0x4: {  	s15 =	sshll.u32 s0, $0xA;
	s2 =	sadd.s32 s3, s2  }
0x5: {  	s2 =	sadd.s32 s2, s15  }
0x6: {  	[smem:$0x3FC5] =	sst s2  }
0x7: {  	_ = 	snop  }
0x8: {  	s2 =	sld [smem:$0x3FD0];
	_ =	sdelay $0x2  }
0x9: {  	s16 =	simm.s32 $0xA;
	s4 =	simm.s32 $0x10  }
0xa: {  	[smem:s4], [sflag:s16] =	dma.local [hbm:s2], $0x1  }
0xb: {  	_ =	swait.eq [sflag:s16], $0x1  }
0xc: {  	[sflag:s16] =	ssyncset.done $0x0  }
0xd: {  	[sflag:s16] =	ssyncadd.s32 $0xFFFFFFFF  }
0xe: {  	s17 =	sld [smem:$0x11];
	(tm) =	ssettm $0x1  }
0xf: {  	s18 =	sld [smem:$0x3FFB];
	_ =	sdelay $0x3  }
0x10: {  	_ =	strace s18  }
0x11: {  	s3 =	sld [smem:$0x3FFC];
	_ =	sdelay $0x3  }
0x12: {  	_ =	strace s3  }
0x13: {  	s3 =	sld [smem:$0x3FFD];
	_ =	sdelay $0x3  }
0x14: {  	_ =	strace s3  }
0x15: {  	_ =	strace $0x8FFFFFFF  }
0x16: {  	s19 =	sld [smem:$0x3FDB];
	_ =	sdelay $0x1  }
0x17: {  	s20 =	simm.s32 $_scs_section_size  }
0x18: {  	s5 =	simm.s32 $_size__tile_overlayer_lowered;
	s6 =	simm.s32 $_tile_overlayer_lowered  }
0x19: {  	s23 =	simm.s32 $0x1BFF;
	s22 =	sshll.u32 s6, $0x1;
	s3 =	sadd.s32 s20, s19  }
0x1a: {  	s7 =	simm.s32 $0x0;
	s21 =	sshll.u32 s5, $0x1;
	s5 =	sadd.s32 s22, s3  }
0x1b: {  	[timem:s7], [sflag:s23] =	dma.local [hbm:s5], s21  }
0x1c: {  	_ =	swait.ge [sflag:s23], s21  }
0x1d: {  	s4 =	ssub.s32 $0x0, s21;
	[sflag:s23] =	ssyncset.done $0x0  }
0x1e: {  	[sflag:s23] =	ssyncadd.s32 s4;
	_ =	sdelay $0x1  }
0x1f: {  	s24 =	simm.s32 $0x1B8B  }
0x20: {  	_ =	swait.ge [sflag:s24], $0x1  }
0x21: {  	[sflag:s24] =	ssyncset.done $0x0  }
0x22: {  	s26 =	simm.s32 $0x1B8E;
	s25 =	sld [smem:$0x3FFE];
	[sflag:s24] =	ssyncadd.s32 $0xFFFFFFFF  }
0x23: {  	s27 =	simm.s32 $execute0_lowered;
	[smem:$0x3FD2] =	sst s26  }
0x24: {  	s5 =	sshll.u32 s27, $0x1;
	_ =	strace $0x80000049;
	[dreg:$0x1] =	wrdreg $0xFFFFFFFF  }
0x25: {  	s28 =	simm.s32 $_size_execute0_lowered;
	s3 =	sadd.s32 s3, s5;
	[dreg:$0x0] =	wrdreg $0x0  }
0x26: {  	s5 =	sshll.u32 s28, $0x1;
	[dreg:$0x2] =	wrdreg s3  }
0x27: {  	[dreg:$0x3] =	wrdreg s5  }
0x28: {  	[dreg:$0x4] =	wrdreg $0xC0  }
0x29: {  	_ =	task [dreg:s7], $0x5FFFF  }
0x2a: {  	[dreg:$0x1] =	wrdreg $0xFFFFFFFF  }
0x2b: {  	[dreg:$0x0] =	wrdreg $0x60  }
0x2c: {  	[dreg:$0x2] =	wrdreg s25  }
0x2d: {  	[dreg:$0x3] =	wrdreg s17  }
0x2e: {  	[dreg:$0x4] =	wrdreg $0x9  }
0x2f: {  	_ =	task.clear_ibuf [dreg:s7], $0x5FFFF;
	_ =	strace $0x90000049  }
0x30: {  	s29 =	simm.s32 $0x9;
	_ =	strace $0x8000004B  }
0x31: {  	_ =	swait.ge [sflag:s29], $0x1  }
0x32: {  	[sflag:s29] =	ssyncadd.s32 $0xFFFFFFFF  }
0x33: {  	_ =	strace $0x9000004B  }
0x34: {  	_ =	sfence  }
0x35: {  	s30 =	sld [smem:$0x0];
	_ =	sdelay $0x2  }
0x36: {  	s31 =	sshll.u32 s1, $0xD;
	s1 =	sshrl.u32 s1, $0x2  }
0x37: {  	s3 =	sand.u32 $0x4000, s31;
	s1 =	sadd.s32 s1, s30  }
0x38: {  	s0 =	sor.u32 s3, s0;
	s1 =	sshll.u32 s1, $0x11  }
0x39: {  	s0 =	sor.u32 s1, s0  }
0x3a: {  	s0 =	sadd.s32 $0x8F2B, s0  }
0x3b: {  	[sflag:s0] =	ssyncadd.remote.s32 $0x1  }
0x3c: {  	_ =	sfence.sel $0xFFFF  }
0x3d: {  	[dreg:$0x0] =	wrdreg $0xFFFFFFFF;
	(pc) =	sbr.abs _section_cstart, $3  }
0x3e: {  	[dreg:$0x1] =	wrdreg $0xFFFFFFFF  }
0x3f: {  	_ =	task.clear_ibuf [dreg:s7], $0x2FFFF;
	_ =	strace $0x9FFFFFFF  }
0x40: {  	(tm) =	ssettm $0x7FFFFFFF  }
0x41: {  	_ =	shalt  }
tec
execute0_lowered:
.L_overlay_start_1:
0x0: {  	(tag) =	ssettag $0x1  }
0x1: {  	s4 =	rddreg [dreg:$0x0]  }
0x2: {  	s0 =	srdreg.scid;
	s2 =	rddreg [dreg:$0x1]  }
0x3: {  	s1 =	stileid.u32;
	s5 =	simm.s32 $0x1;
	s0 =	sshll.u32 s0, $0x4  }
0x4: {  	s7 =	simm.s32 $0x2;
	s11 =	simm.s32 $0x0;
	s3 =	sand.u32 $0x10, s0  }
.Ltmp0:
0x5: {  	p0 =	por $0x0, $0x0;
	s3 =	sor.u32 s1, s3;
	(pc) =	sbr.rel .LBB1_1-.Ltmp0, $4  }
0x6: {  	s8 =	simm.s32 $0x7A1400;
	s10 =	simm.s32 $0x0;
	s3 =	sshll.u32 s3, $0x7  }
0x7: {  	s0 =	rddreg [dreg:$0x2];
	_ =	strace $0x8000004A;
	s6 =	ssub.s32 $0xF4200, s3  }
0x8: {  	s4 =	sadd.s32 $0xE00, s4;
	[sflag:s5] =	ssyncpa.u1 $0x0;
	s6 =	sshrl.u32 s6, $0xC  }
0x9: {  	[sflag:s7] =	ssyncpa.u1 $0x0;
	s9 =	smov.u32 s3;
	s7 =	sadd.s32 $0x2, s6  }
.LBB1_5:
0xa: {  	s13 =	sadd.s32 $0x1000, s9  }
0xb: {  	p2 =	sgt.s32 s13, $0xF4240  }
0xc: {  	s13 =	smov.u32 @p2 s3;
	p2 =	sne.s32 s10, s7  }
.Ltmp1:
0xd: {  	p1 =	slt.u32 s10, $0x2;
	(pc) =	sbr.rel @!p2 .LBB1_6-.Ltmp1, $4  }
0xe: {  	s12 =	simm.s32 @!p1 $0x2  }
0xf: {  	s14 =	sadd.s32 $0x1, s10;
	_ =	swait.ge @!p1 [sflag:s12], $0x2000  }
0x10: {  	s11 =	smov.u32 s9;
	p0 =	por !p0, !p0;
	[sflag:s12] =	ssyncset.done @!p1 $0x0  }
0x11: {  	s10 =	smov.u32 s14;
	s9 =	smov.u32 s13;
	[sflag:s12] =	ssyncadd.s32 @!p1 $0xFFFFE000  }
.LBB1_1:
0x12: {  	p1 =	sgt.u32 s10, s6  }
0x13: {  	s13 =	smov.u32 s9;
	p2 =	sgt.s32 @!p1 s9, $0xF41C8  }
0x14: {  	s12 =	sand.u32 @!p1 $0x1FFFFFF, s9;
	s14 =	sshra.s32 @!p1 s9, $0x1F;
	p2 =	por !p2, p1  }
0x15: {  	s15 =	smulhi.u32 @!p1 $0x218DDDB, s12;
	s14 =	sand.u32 @!p1 s14, s9;
	s13 =	simm.s32 @p2 $0xF41C8  }
0x16: {  	s13 =	ssub.s32 @!p1 s13, s14  }
0x17: {  	s14 =	sshrl.u32 @!p1 s15, $0xD;
	s13 =	sadd.s32 @!p1 $0xFFF0BE38, s13  }
0x18: {  	s15 =	sxor.u32 @!p1 $0xFFFFFFFF, s10;
	s14 =	smul.u32 @!p1 $0xF4248, s14;
	s16 =	sshll.u32 @!p1 s13, $0x8  }
0x19: {  	s15 =	sshll.u32 @!p1 s15, $0xD;
	p2 =	sgt.s32 @!p1 s13, $0x7F;
	s13 =	ssub.s32 @!p1 $0x8000, s16  }
0x1a: {  	s12 =	ssub.s32 @!p1 s12, s14;
	p2 =	por !p2, p1;
	s14 =	sand.u32 @!p1 $0x2000, s15  }
0x1b: {  	s15 =	simm.s32 @!p1 $0x40;
	s13 =	sshrl.u32 @!p1 s13, $0x2;
	s12 =	sshll.u32 @!p1 s12, $0x4  }
0x1c: {  	s16 =	simm.s32 @!p1 $0x80;
	s13 =	simm.s32 @!p2 $0x0;
	s12 =	sadd.s32 @!p1 s4, s12  }
0x1d: {  	[tilespmem:s14], [sflag:$0x1] =	stream.strided.gather @!p1 [hbm4b:s12+s15], s13, s16, s15, $0x38;
	[tilespmem:$0x8080] =	vst v63  }
0x1e: {  	p1 =	seq.s32 s10, $0x0  }
0x1f: {  	p2 =	sge.u32 @!p1 s10, s7  }
0x20: {  	p1 =	por p1, p2  }
.Ltmp2:
0x21: {  	_ = 	snop;
	(pc) =	sbr.rel @p1 .LBB1_5-.Ltmp2, $1  }
0x22: {  	_ =	sdelay $0x3  }
0x23: {  	p1 =	sgt.s32 s11, $0xF41C8;
	s12 =	smov.u32 s11;
	s13 =	sshra.s32 s11, $0x1F  }
0x24: {  	s12 =	simm.s32 @!p1 $0xF41C8;
	s13 =	sand.u32 s13, s11  }
0x25: {  	s12 =	ssub.s32 s12, s13  }
0x26: {  	s12 =	sadd.s32 $0xFFF0BE38, s12  }
0x27: {  	s28 =	sshll.u32 s12, $0x8  }
0x28: {  	s13 =	ssub.s32 $0x8000, s28  }
0x29: {  	p1 =	sgt.s32 s12, $0x7F;
	s12 =	sshrl.u32 s13, $0x2  }
0x2a: {  	s13 =	simm.s32 $0x1;
	s12 =	simm.s32 @p1 $0x0  }
0x2b: {  	s13 =	simm.s32 @!p0 $0x0;
	_ =	swait.ge [sflag:s5], s12  }
0x2c: {  	s14 =	sshll.u32 s13, $0xD;
	s12 =	ssub.s32 $0x0, s12;
	[sflag:s5] =	ssyncset.done $0x0  }
0x2d: {  	s16 =	sor.u32 $0x20, s14;
	[sflag:s5] =	ssyncadd.s32 s12  }
0x2e: {  	s29 =	smul.u32 $0x8100, s13;
	v3 =	vld [tilespmem:s16+$0x10]  }
0x2f: {  	s30 =	sand.u32 $0x1, s10;
	v2 =	vld [tilespmem:s16+$0xFFFFFFF0]  }
0x30: {  	s13 =	smul.u32 $0x8100, s30;
	s12 =	sshrl.u32 s29, $0x2;
	v0 =	vld [tilespmem:s16+$0x0]  }
0x31: {  	s14 =	sor.u32 $0x4000, s12;
	v1 =	vld [tilespmem:s16+$0xFFFFFFE0]  }
0x32: {  	s31 =	sshrl.u32 s13, $0x2;
	s13 =	sadd.s32 $0x0, s14  }
0x33: {  	s15 =	simm.s32 $0x4;
	s12 =	sor.u32 $0x4000, s31;
	s16 =	sadd.s32 $0x40, s16;
	[tilespmem:s13+$0x1830 ss:$0x81] =	vst.msk $0xffff, v3  }
.LBB1_3:
0x34: {  	v3 =	vld [tilespmem:s16+$0x10];
	p1 =	sne.s32 s15, $0x1FC;
	[tilespmem:s13+$0x810 ss:$0x81] =	vst.msk $0xffff, v2;
	s17 =	smov.u32 s15;
	s15 =	sadd.s32 $0x4, s15  }
.Ltmp3:
0x35: {  	v2 =	vld [tilespmem:s16+$0xFFFFFFF0];
	[tilespmem:s13+$0x1020 ss:$0x81] =	vst.msk $0xffff, v0;
	(pc) =	sbr.rel @p1 .LBB1_3-.Ltmp3, $4  }
0x36: {  	v0 =	vld [tilespmem:s16+$0x0];
	[tilespmem:s13+$0x0 ss:$0x81] =	vst.msk $0xffff, v1  }
0x37: {  	s13 =	sshra.s32 s17, $0x2;
	v1 =	vld [tilespmem:s16+$0xFFFFFFE0]  }
0x38: {  	s13 =	sadd.s32 s13, s14  }
0x39: {  	s16 =	sadd.s32 $0x40, s16;
	[tilespmem:s13+$0x1830 ss:$0x81] =	vst.msk $0xffff, v3  }
0x3a: {  	s14 =	sshll.u32 s11, $0x3  }
0x3b: {  	s30 =	sand.u32 $0x7F, s11;
	s14 =	sand.u32 $0xFFFFFC00, s14  }
0x3c: {  	s11 =	sor.u32 s30, s14  }
0x3d: {  	s15 =	smulhi.u32 $0x218D6287, s11;
	_ =	sdelay $0x1  }
0x3e: {  	s14 =	smulhi.u32 $0x218D6287, s14;
	s15 =	sshrl.u32 s15, $0x11  }
0x3f: {  	s15 =	smul.u32 $0xF4280, s15  }
0x40: {  	s14 =	sshrl.u32 s14, $0x11  }
.Ltmp4:
0x41: {  	s14 =	sand.u32 $0x3F, s14;
	s11 =	ssub.s32 s11, s15;
	(pc) =	sbr.rel .LBB1_5-.Ltmp4, $4  }
0x42: {  	[tilespmem:s13+$0x810 ss:$0x81] =	vst.msk $0xffff, v2;
	s14 =	smul.u32 $0x1E850, s14;
	s15 =	sshrl.u32 s11, $0x3;
	s11 =	sand.u32 $0x7, s11  }
0x43: {  	[tilespmem:s13+$0x1020 ss:$0x81] =	vst.msk $0xffff, v0;
	s15 =	sadd.s32 s2, s15;
	s11 =	sshll.u32 s11, $0x12  }
0x44: {  	[tilespmem:s13+$0x0 ss:$0x81] =	vst.msk $0xffff, v1;
	s31 =	sadd.s32 s14, s15;
	s11 =	sor.u32 $0x400, s11  }
0x45: {  	[hbm4b:s31+s11] =	stream.strided.scatter [tilespmem:s12], [sflag:$0x2], $0x2000, s8, s11, $0x20;
	[tilespmem:$0x8080] =	vst v63  }
.LBB1_6:
0x46: {  	_ =	sfence.sel $0x180000  }
0x47: {  	s2 =	simm.s32 $0x1;
	[bflag:$0x0] =	sbarrier.arrive $0xFFFF  }
0x48: {  	s31 =	simm.s32 $0x2;
	[sflag:s2] =	ssyncpa.u1 $0x1  }
0x49: {  	[sflag:s31] =	ssyncpa.u1 $0x1  }
0x4a: {  	p0 =	sne.s32 s1, $0x0;
	_ =	strace $0x9000004A  }
0x4b: {  	s0 =	sadd.s32 @!p0 $0x100000, s0;
	[bflag:$0x2] =	sbarrier.arrive $0xFFFF  }
0x4c: {  	[sflag:s0] =	ssyncadd.tile.s32 @!p0 $0x1;
	_ =	shalt  }
.Lfunc_end1:
_tile_overlayer_lowered:
.L_overlay_start_2:
0x4d: {  	(tag) =	ssettag $0x2  }
0x4e: {  	s0 =	rddreg [dreg:$0x0];
	s2 =	stileid.u32  }
0x4f: {  	s1 =	rddreg [dreg:$0x1];
	p0 =	sne.s32 s2, $0x0  }
0x50: {  	s3 =	rddreg [dreg:$0x2];
	[bflag:$0x3] =	sbarrier.arrive $0xFFFF;
	s2 =	simm.s32 @!p0 $0x1C01  }
0x51: {  	[timem:s3], [sflag:s2] =	dma.local @!p0 [hbm:s0], s1  }
0x52: {  	s0 =	simm.s32 @!p0 $0x1  }
0x53: {  	_ =	swait.ge @!p0 [sflag:s0], s1  }
0x54: {  	s1 =	ssub.s32 @!p0 $0x0, s1;
	[sflag:s0] =	ssyncset.done @!p0 $0x0  }
0x55: {  	[sflag:s0] =	ssyncadd.s32 @!p0 s1  }
0x56: {  	[bflag:$0x3] =	sbarrier.arrive $0xFFFF  }
0x57: {  	_ =	shalt  }

</sc_bundles>
